<compile_context>
chip_gen: v7x
topology: tpu7x:2x2x1
jax: 0.10.2.dev20260603
libtpu: 0.0.44.dev20260713+nightly
codegen_flags: <defaults>
</compile_context>

<pallas_src>
import functools

import jax
import jax.numpy as jnp
from jax import lax
from jax.experimental import pallas as pl
from jax.experimental.pallas import tpu as pltpu
from jax.experimental.pallas import tpu_sc as plsc

N, H, W, K, F, C = 4, 512, 512, 8, 100000, 16
B = N * H * W
NW = 32
PXW = B // NW
P = 1024
NCH = PXW // P
GSZ = 128
NU = 4
L = 16


def _tex_kernel(pix_hbm, bary_hbm, table_hbm, out_hbm,
                pixi_v, baryi_v, pix_rows, bary_rows, rows_a, rows_b, out_v,
                semp, semb, semg, semo):
    wid = lax.axis_index("s") * 2 + lax.axis_index("c")
    iota = lax.iota(jnp.int32, L)
    cpat = jnp.where(iota < 12, (iota >> 2) * 32 + (iota & 3) * 8, 0)
    pix_pat = jnp.where(iota < 8, iota * 8, 0)

    def fire_io(ci):
        gc = wid * NCH + ci
        nh = (gc >> 8) * 512 + (gc & 255) * 2
        q = ci & 1
        pixi_v[q] = jnp.full((L,), nh * 32, jnp.int32) + pix_pat
        baryi_v[q, pl.ds(0, L)] = jnp.full((L,), nh * 96, jnp.int32) + cpat
        baryi_v[q, pl.ds(L, L)] = (
            jnp.full((L,), (nh + 1) * 96, jnp.int32) + cpat)
        pltpu.async_copy(pix_hbm.at[pixi_v.at[q]], pix_rows.at[q], semp)
        pltpu.async_copy(bary_hbm.at[baryi_v.at[q]], bary_rows.at[q], semb)

    fire_io(0)

    def chunk_body(ci, carry):
        gc = wid * NCH + ci
        n = gc >> 8
        h0 = (gc & 255) * 2
        nh = n * 512 + h0
        par = ci & 1
        orow = pl.multiple_of(nh * 16, 32)

        pltpu.make_async_copy(
            pix_hbm.at[pixi_v.at[par]], pix_rows.at[par], semp).wait()

        @pl.when(ci >= 2)
        def _():
            pltpu.make_async_copy(
                out_v.at[par], out_hbm.at[pl.ds(orow, 32)], semo).wait()

        bufs = [rows_a, rows_b]
        cps = [
            pltpu.async_copy(
                table_hbm.at[pix_rows.at[par, b]], bufs[0].at[b], semg)
            for b in range(2)
        ]

        @pl.when(ci + 1 < NCH)
        def _():
            fire_io(ci + 1)
        for u in range(NU):
            rbuf = bufs[u % 2]
            if u < NU - 1:
                nxt = [
                    pltpu.async_copy(
                        table_hbm.at[pix_rows.at[par, 2 * (u + 1) + b]],
                        bufs[(u + 1) % 2].at[b], semg)
                    for b in range(2)
                ]
            for cp in cps:
                cp.wait()
            if u == 0:
                pltpu.make_async_copy(
                    bary_hbm.at[baryi_v.at[par]], bary_rows.at[par],
                    semb).wait()
            parv = jnp.full((L,), par, jnp.int32)
            for b in range(2):
                blk = 2 * u + b
                hloc = blk // 4
                wt = blk % 4
                crows = jnp.full((L,), hloc * 16, jnp.int32) + iota

                @plsc.parallel_loop(0, GSZ, unroll=8)
                def px_body(i, b=b, blk=blk, hloc=hloc, wt=wt, crows=crows,
                            rbuf=rbuf):
                    iv = jnp.full((L,), i, jnp.int32)
                    b0 = plsc.load_gather(
                        bary_rows,
                        [parv, jnp.full((L,), hloc * 16 + wt, jnp.int32), iv])
                    b1 = plsc.load_gather(
                        bary_rows,
                        [parv, jnp.full((L,), hloc * 16 + 4 + wt, jnp.int32), iv])
                    b2 = plsc.load_gather(
                        bary_rows,
                        [parv, jnp.full((L,), hloc * 16 + 8 + wt, jnp.int32), iv])
                    r0 = rbuf[b, i, pl.ds(0, L)]
                    r1 = rbuf[b, i, pl.ds(16, L)]
                    r2 = rbuf[b, i, pl.ds(32, L)]
                    plsc.store_scatter(
                        out_v,
                        [parv, crows, jnp.full((L,), wt * 128, jnp.int32) + iv],
                        b0 * r0 + b1 * r1 + b2 * r2)
            if u < NU - 1:
                cps = nxt

        pltpu.async_copy(out_v.at[par], out_hbm.at[pl.ds(orow, 32)], semo)
        return carry

    lax.fori_loop(0, NCH, chunk_body, 0)
    for _ in range(2):
        pltpu.make_async_copy(
            out_v.at[0], out_hbm.at[pl.ds(0, 32)], semo).wait()


@jax.jit
def _run(pix, bary, table):
    mesh = plsc.VectorSubcoreMesh(core_axis_name="c", subcore_axis_name="s")
    f = functools.partial(
        pl.kernel,
        mesh=mesh,
        compiler_params=pltpu.CompilerParams(
            needs_layout_passes=False, use_tc_tiling_on_sc=True),
        out_type=jax.ShapeDtypeStruct((N * H * C, W), jnp.float32),
        scratch_types=[
            pltpu.VMEM((2, L), jnp.int32),
            pltpu.VMEM((2, 2 * L), jnp.int32),
            pltpu.VMEM((2, L, 128), jnp.int32),
            pltpu.VMEM((2, 2 * L, 128), jnp.float32),
            pltpu.VMEM((2, GSZ, 128), jnp.float32),
            pltpu.VMEM((2, GSZ, 128), jnp.float32),
            pltpu.VMEM((2, 2 * C, W), jnp.float32),
            pltpu.SemaphoreType.DMA,
            pltpu.SemaphoreType.DMA,
            pltpu.SemaphoreType.DMA,
            pltpu.SemaphoreType.DMA,
        ],
    )(_tex_kernel)
    return f(pix, bary, table)


def kernel(bary_coords, pix_to_face, face_textures):
    pix = (pix_to_face.astype(jnp.int32)
           .reshape(N, H, 4, 128, K)
           .transpose(0, 1, 2, 4, 3)
           .reshape(B * K // 128, 128))
    bary = (bary_coords
            .reshape(N, H, 4, 128, K, 3)
            .transpose(0, 1, 5, 2, 4, 3)
            .reshape(B * K * 3 // 128, 128))
    table = jnp.pad(face_textures.reshape(F, 3 * C), ((0, 0), (0, 128 - 3 * C)))
    out = _run(pix, bary, table)
    return jnp.transpose(out.reshape(N, H, C, W), (0, 1, 3, 2))

# --- scband reference (transcript-rebuilt; emitter-appended) ---
"""Pipeline reference for scband-texture-shader-15298673509038 (READ-ONLY COPY).

The authoritative reference and input builder live on the scoring server;
editing this copy changes nothing except your own understanding.
"""

import jax, jax.numpy as jnp
import numpy as np

N, H, W, K, F, C = 4, 512, 512, 8, 100000, 16

def setup_inputs(seed: int = 0) -> dict:
    key = jax.random.key(seed)
    k1, k2, k3 = jax.random.split(key, 3)
    bary = jax.random.uniform(k1, (N, H, W, K, 3), dtype=jnp.float32) + 1e-6
    bary_coords = bary / jnp.sum(bary, axis=-1, keepdims=True)
    pix_to_face = jax.random.randint(k2, (N, H, W, K), 0, F, dtype=jnp.int64)
    face_textures = jax.random.normal(k3, (F, 3, C), dtype=jnp.float32)
    return {"bary_coords": bary_coords, "pix_to_face": pix_to_face, "face_textures": face_textures}

def reference(bary_coords, pix_to_face, face_textures):
    # meshes.sample_textures(fragments): gather per-face vertex textures and
    # barycentric-interpolate them at each pixel/face sample.
    # faces_tex: [N, H, W, K, 3, C]
    faces_tex = jnp.take(face_textures, pix_to_face, axis=0)
    # texels: [N, H, W, K, C]
    texels = jnp.sum(bary_coords[..., None] * faces_tex, axis=-2)
    # shader returns texels[:, :, :, 0, :] (closest face per pixel)
    return texels[:, :, :, 0, :]

if __name__ == "__main__":
    import jax
    _d = setup_inputs()
    print(jax.jit(kernel)(*tuple(_d.values())))

</pallas_src>

<mosaic_0001>
#map = affine_map<(d0, d1) -> (0, 0)>
module attributes {stable_mosaic.version = 14 : i64} {
  func.func @_tex_kernel(%arg0: i32, %arg1: i32, %arg2: memref<65536x128xi32, #tpu.memory_space<hbm>>, %arg3: memref<196608x128xf32, #tpu.memory_space<hbm>>, %arg4: memref<100000x128xf32, #tpu.memory_space<hbm>>, %arg5: memref<32768x512xf32, #tpu.memory_space<hbm>>, %arg6: memref<2x16xi32, #tpu.memory_space<vmem>>, %arg7: memref<2x32xi32, #tpu.memory_space<vmem>>, %arg8: memref<2x16x128xi32, #tpu.memory_space<vmem>>, %arg9: memref<2x32x128xf32, #tpu.memory_space<vmem>>, %arg10: memref<2x128x128xf32, #tpu.memory_space<vmem>>, %arg11: memref<2x128x128xf32, #tpu.memory_space<vmem>>, %arg12: memref<2x32x512xf32, #tpu.memory_space<vmem>>, %arg13: memref<!tpu.dma_semaphore, #tpu.memory_space<semaphore_mem>>, %arg14: memref<!tpu.dma_semaphore, #tpu.memory_space<semaphore_mem>>, %arg15: memref<!tpu.dma_semaphore, #tpu.memory_space<semaphore_mem>>, %arg16: memref<!tpu.dma_semaphore, #tpu.memory_space<semaphore_mem>>) attributes {dimension_semantics = [#tpu.dimension_semantics<core_parallel>, #tpu.dimension_semantics<subcore_parallel>], iteration_bounds = array<i64: 2, 16>, scalar_prefetch = 0 : i64, scratch_operands = 11 : i64, tpu.core_type = #tpu.core_type<sc_vector_subcore>, window_params = [{transform_indices = #map}, {transform_indices = #map}, {transform_indices = #map}, {transform_indices = #map}]} {
    %mul3A = arith.constant 2 : i32
    %mul3A_0 = arith.muli %arg1, %mul3A : i32
    %add3A = arith.addi %mul3A_0, %arg0 : i32
    %iota3A = tpu.iota {dimensions = array<i32: 0>} : vector<16xi32>
    %lt3A = arith.constant 12 : i32
    %lt3A_1 = vector.broadcast %lt3A : i32 to vector<16xi32>
    %lt3A_2 = arith.cmpi slt, %iota3A, %lt3A_1 : vector<16xi32>
    %shift_right_arithmetic3A = arith.constant 2 : i32
    %shift_right_arithmetic3A_3 = vector.broadcast %shift_right_arithmetic3A : i32 to vector<16xi32>
    %shift_right_arithmetic3A_4 = arith.shrsi %iota3A, %shift_right_arithmetic3A_3 : vector<16xi32>
    %mul3A_5 = arith.constant 32 : i32
    %mul3A_6 = vector.broadcast %mul3A_5 : i32 to vector<16xi32>
    %mul3A_7 = arith.muli %shift_right_arithmetic3A_4, %mul3A_6 : vector<16xi32>
    %and3A = arith.constant 3 : i32
    %and3A_8 = vector.broadcast %and3A : i32 to vector<16xi32>
    %and3A_9 = arith.andi %iota3A, %and3A_8 : vector<16xi32>
    %mul3A_10 = arith.constant 8 : i32
    %mul3A_11 = vector.broadcast %mul3A_10 : i32 to vector<16xi32>
    %mul3A_12 = arith.muli %and3A_9, %mul3A_11 : vector<16xi32>
    %add3A_13 = arith.addi %mul3A_7, %mul3A_12 : vector<16xi32>
    %jit3A = arith.constant 0 : i32
    %broadcast_in_dim3A = vector.broadcast %jit3A : i32 to vector<16xi32>
    %select_n3A = arith.select %lt3A_2, %add3A_13, %broadcast_in_dim3A : vector<16xi1>, vector<16xi32>
    %lt3A_14 = arith.constant 8 : i32
    %lt3A_15 = vector.broadcast %lt3A_14 : i32 to vector<16xi32>
    %lt3A_16 = arith.cmpi slt, %iota3A, %lt3A_15 : vector<16xi32>
    %mul3A_17 = arith.constant 8 : i32
    %mul3A_18 = vector.broadcast %mul3A_17 : i32 to vector<16xi32>
    %mul3A_19 = arith.muli %iota3A, %mul3A_18 : vector<16xi32>
    %jit3A_20 = arith.constant 0 : i32
    %broadcast_in_dim3A_21 = vector.broadcast %jit3A_20 : i32 to vector<16xi32>
    %select_n3A_22 = arith.select %lt3A_16, %mul3A_19, %broadcast_in_dim3A_21 : vector<16xi1>, vector<16xi32>
    %mul3A_23 = arith.constant 32 : i32
    %mul3A_24 = arith.muli %add3A, %mul3A_23 : i32
    %add3A_25 = arith.constant 0 : i32
    %add3A_26 = arith.addi %mul3A_24, %add3A_25 : i32
    %shift_right_arithmetic3A_27 = arith.constant 8 : i32
    %shift_right_arithmetic3A_28 = arith.shrsi %add3A_26, %shift_right_arithmetic3A_27 : i32
    %mul3A_29 = arith.constant 512 : i32
    %mul3A_30 = arith.muli %shift_right_arithmetic3A_28, %mul3A_29 : i32
    %and3A_31 = arith.constant 255 : i32
    %and3A_32 = arith.andi %add3A_26, %and3A_31 : i32
    %mul3A_33 = arith.constant 2 : i32
    %mul3A_34 = arith.muli %and3A_32, %mul3A_33 : i32
    %add3A_35 = arith.addi %mul3A_30, %mul3A_34 : i32
    %mul3A_36 = arith.constant 32 : i32
    %mul3A_37 = arith.muli %add3A_35, %mul3A_36 : i32
    %broadcast_in_dim3A_38 = vector.broadcast %mul3A_37 : i32 to vector<16xi32>
    %add3A_39 = arith.addi %broadcast_in_dim3A_38, %select_n3A_22 : vector<16xi32>
    %swap3A = arith.constant 0 : i32
    %swap3A_40 = arith.index_cast %swap3A : i32 to index
    %swap3A_41 = arith.constant 0 : index
    %swap3A_42 = tpu.vector_load %arg6[%swap3A_40, %swap3A_41] {strides = array<i32>} : memref<2x16xi32, #tpu.memory_space<vmem>>, vector<16xi32>,
    tpu.vector_store %arg6[%swap3A_40, %swap3A_41], %add3A_39 {strides = array<i32>} : memref<2x16xi32, #tpu.memory_space<vmem>>, vector<16xi32>,
    %mul3A_43 = arith.constant 96 : i32
    %mul3A_44 = arith.muli %add3A_35, %mul3A_43 : i32
    %broadcast_in_dim3A_45 = vector.broadcast %mul3A_44 : i32 to vector<16xi32>
    %add3A_46 = arith.addi %broadcast_in_dim3A_45, %select_n3A : vector<16xi32>
    %swap3A_47 = arith.constant 0 : i32
    %swap3A_48 = arith.index_cast %swap3A_47 : i32 to index
    %swap3A_49 = arith.constant 0 : index
    %swap3A_50 = tpu.vector_load %arg7[%swap3A_48, %swap3A_49] {strides = array<i32>} : memref<2x32xi32, #tpu.memory_space<vmem>>, vector<16xi32>,
    tpu.vector_store %arg7[%swap3A_48, %swap3A_49], %add3A_46 {strides = array<i32>} : memref<2x32xi32, #tpu.memory_space<vmem>>, vector<16xi32>,
    %add3A_51 = arith.constant 1 : i32
    %add3A_52 = arith.addi %add3A_35, %add3A_51 : i32
    %mul3A_53 = arith.constant 96 : i32
    %mul3A_54 = arith.muli %add3A_52, %mul3A_53 : i32
    %broadcast_in_dim3A_55 = vector.broadcast %mul3A_54 : i32 to vector<16xi32>
    %add3A_56 = arith.addi %broadcast_in_dim3A_55, %select_n3A : vector<16xi32>
    %swap3A_57 = arith.constant 0 : i32
    %swap3A_58 = arith.index_cast %swap3A_57 : i32 to index
    %swap3A_59 = arith.constant 16 : index
    %swap3A_60 = tpu.vector_load %arg7[%swap3A_58, %swap3A_59] {strides = array<i32>} : memref<2x32xi32, #tpu.memory_space<vmem>>, vector<16xi32>,
    tpu.vector_store %arg7[%swap3A_58, %swap3A_59], %add3A_56 {strides = array<i32>} : memref<2x32xi32, #tpu.memory_space<vmem>>, vector<16xi32>,
    %dma_start3A = arith.constant 0 : i32
    %dma_start3A_61 = arith.constant 0 : i32
    %dma_start3A_62 = arith.constant 0 : i32
    %dma_start3A_63 = arith.constant 0 : i32
    %dma_start3A_64 = tpu.memref_slice %arg8[%dma_start3A_61, %dma_start3A_62, %dma_start3A_63] : memref<2x16x128xi32, #tpu.memory_space<vmem>> -> memref<1x16x128xi32, #tpu.memory_space<vmem>>
    %dma_start3A_65 = tpu.memref_squeeze %dma_start3A_64 : memref<1x16x128xi32, #tpu.memory_space<vmem>> -> memref<16x128xi32, #tpu.memory_space<vmem>>
    %dma_start3A_66 = arith.constant 0 : i32
    %dma_start3A_67 = tpu.memref_slice %arg6[%dma_start3A, %dma_start3A_66] : memref<2x16xi32, #tpu.memory_space<vmem>> -> memref<1x16xi32, #tpu.memory_space<vmem>>
    %dma_start3A_68 = tpu.memref_squeeze %dma_start3A_67 : memref<1x16xi32, #tpu.memory_space<vmem>> -> memref<16xi32, #tpu.memory_space<vmem>>
    %dma_start3A_69 = arith.constant 0 : i32
    %dma_start3A_70 = arith.constant 0 : i32
    %dma_start3A_71 = tpu.memref_slice %arg2[%dma_start3A_69, %dma_start3A_70] : memref<65536x128xi32, #tpu.memory_space<hbm>> -> memref<65536x128xi32, #tpu.memory_space<hbm>>
    tpu.enqueue_indirect_dma source(%dma_start3A_71 : memref<65536x128xi32, #tpu.memory_space<hbm>>) target(%dma_start3A_65 : memref<16x128xi32, #tpu.memory_space<vmem>>) offsets(%dma_start3A_68 : memref<16xi32, #tpu.memory_space<vmem>>) semaphore(%arg13 : memref<!tpu.dma_semaphore, #tpu.memory_space<semaphore_mem>>)
    %dma_start3A_72 = arith.constant 0 : i32
    %dma_start3A_73 = arith.constant 0 : i32
    %dma_start3A_74 = arith.constant 0 : i32
    %dma_start3A_75 = arith.constant 0 : i32
    %dma_start3A_76 = tpu.memref_slice %arg9[%dma_start3A_73, %dma_start3A_74, %dma_start3A_75] : memref<2x32x128xf32, #tpu.memory_space<vmem>> -> memref<1x32x128xf32, #tpu.memory_space<vmem>>
    %dma_start3A_77 = tpu.memref_squeeze %dma_start3A_76 : memref<1x32x128xf32, #tpu.memory_space<vmem>> -> memref<32x128xf32, #tpu.memory_space<vmem>>
    %dma_start3A_78 = arith.constant 0 : i32
    %dma_start3A_79 = tpu.memref_slice %arg7[%dma_start3A_72, %dma_start3A_78] : memref<2x32xi32, #tpu.memory_space<vmem>> -> memref<1x32xi32, #tpu.memory_space<vmem>>
    %dma_start3A_80 = tpu.memref_squeeze %dma_start3A_79 : memref<1x32xi32, #tpu.memory_space<vmem>> -> memref<32xi32, #tpu.memory_space<vmem>>
    %dma_start3A_81 = arith.constant 0 : i32
    %dma_start3A_82 = arith.constant 0 : i32
    %dma_start3A_83 = tpu.memref_slice %arg3[%dma_start3A_81, %dma_start3A_82] : memref<196608x128xf32, #tpu.memory_space<hbm>> -> memref<196608x128xf32, #tpu.memory_space<hbm>>
    tpu.enqueue_indirect_dma source(%dma_start3A_83 : memref<196608x128xf32, #tpu.memory_space<hbm>>) target(%dma_start3A_77 : memref<32x128xf32, #tpu.memory_space<vmem>>) offsets(%dma_start3A_80 : memref<32xi32, #tpu.memory_space<vmem>>) semaphore(%arg14 : memref<!tpu.dma_semaphore, #tpu.memory_space<semaphore_mem>>)
    %scan3A = arith.constant 0 : i32
    %scan3A_84 = arith.constant 0 : i32
    %scan3A_85 = arith.constant 32 : i32
    %scan3A_86 = arith.addi %scan3A_84, %scan3A_85 : i32
    %scan3A_87 = arith.constant 1 : i32
    scf.for %scan3A_118 = %scan3A_84 to %scan3A_86 step %scan3A_87  : i32 {
      %mul3A_119 = arith.constant 32 : i32
      %mul3A_120 = arith.muli %add3A, %mul3A_119 : i32
      %add3A_121 = arith.addi %mul3A_120, %scan3A_118 : i32
      %shift_right_arithmetic3A_122 = arith.constant 8 : i32
      %shift_right_arithmetic3A_123 = arith.shrsi %add3A_121, %shift_right_arithmetic3A_122 : i32
      %and3A_124 = arith.constant 255 : i32
      %and3A_125 = arith.andi %add3A_121, %and3A_124 : i32
      %mul3A_126 = arith.constant 2 : i32
      %mul3A_127 = arith.muli %and3A_125, %mul3A_126 : i32
      %mul3A_128 = arith.constant 512 : i32
      %mul3A_129 = arith.muli %shift_right_arithmetic3A_123, %mul3A_128 : i32
      %add3A_130 = arith.addi %mul3A_129, %mul3A_127 : i32
      %and3A_131 = arith.constant 1 : i32
      %and3A_132 = arith.andi %scan3A_118, %and3A_131 : i32
      %mul3A_133 = arith.constant 16 : i32
      %mul3A_134 = arith.muli %add3A_130, %mul3A_133 : i32
      %multiple_of3A = tpu.assume_multiple %mul3A_134, 32 : i32
      %dma_wait3A_135 = arith.constant 0 : i32
      %dma_wait3A_136 = arith.constant 0 : i32
      %dma_wait3A_137 = tpu.memref_slice %arg8[%and3A_132, %dma_wait3A_135, %dma_wait3A_136] : memref<2x16x128xi32, #tpu.memory_space<vmem>> -> memref<1x16x128xi32, #tpu.memory_space<vmem>>
      %dma_wait3A_138 = tpu.memref_squeeze %dma_wait3A_137 : memref<1x16x128xi32, #tpu.memory_space<vmem>> -> memref<16x128xi32, #tpu.memory_space<vmem>>
      %dma_wait3A_139 = arith.constant 0 : i32
      %dma_wait3A_140 = tpu.memref_slice %arg6[%and3A_132, %dma_wait3A_139] : memref<2x16xi32, #tpu.memory_space<vmem>> -> memref<1x16xi32, #tpu.memory_space<vmem>>
      %dma_wait3A_141 = tpu.memref_squeeze %dma_wait3A_140 : memref<1x16xi32, #tpu.memory_space<vmem>> -> memref<16xi32, #tpu.memory_space<vmem>>
      %dma_wait3A_142 = arith.constant 0 : i32
      %dma_wait3A_143 = arith.constant 0 : i32
      %dma_wait3A_144 = tpu.memref_slice %arg2[%dma_wait3A_142, %dma_wait3A_143] : memref<65536x128xi32, #tpu.memory_space<hbm>> -> memref<65536x128xi32, #tpu.memory_space<hbm>>
      tpu.wait_indirect_dma semaphore(%arg13 : memref<!tpu.dma_semaphore, #tpu.memory_space<semaphore_mem>>) src(%dma_wait3A_144 : memref<65536x128xi32, #tpu.memory_space<hbm>>) dst(%dma_wait3A_138 : memref<16x128xi32, #tpu.memory_space<vmem>>)
      %ge3A = arith.constant 2 : i32
      %ge3A_145 = arith.cmpi sge, %scan3A_118, %ge3A : i32
      %convert_element_type3A = arith.extui %ge3A_145 : i1 to i32
      %cond3A = arith.constant 0 : i32
      %cond3A_146 = arith.cmpi ne, %convert_element_type3A, %cond3A : i32
      scf.if %cond3A_146 {
        %dma_wait3A_419 = arith.constant 0 : i32
        %dma_wait3A_420 = arith.constant 0 : i32
        %dma_wait3A_421 = tpu.memref_slice %arg12[%and3A_132, %dma_wait3A_419, %dma_wait3A_420] : memref<2x32x512xf32, #tpu.memory_space<vmem>> -> memref<1x32x512xf32, #tpu.memory_space<vmem>>
        %dma_wait3A_422 = tpu.memref_squeeze %dma_wait3A_421 : memref<1x32x512xf32, #tpu.memory_space<vmem>> -> memref<32x512xf32, #tpu.memory_space<vmem>>
        %dma_wait3A_423 = arith.constant 0 : i32
        %dma_wait3A_424 = tpu.memref_slice %arg5[%multiple_of3A, %dma_wait3A_423] : memref<32768x512xf32, #tpu.memory_space<hbm>> -> memref<32x512xf32, #tpu.memory_space<hbm>>
        %dma_wait3A_425 = arith.constant 0 : i32
        %dma_wait3A_426 = tpu.memref_slice %arg5[%multiple_of3A, %dma_wait3A_425] : memref<32768x512xf32, #tpu.memory_space<hbm>> -> memref<32x512xf32, #tpu.memory_space<hbm>>
        %dma_wait3A_427 = arith.constant 0 : i32
        %dma_wait3A_428 = arith.constant 0 : i32
        %dma_wait3A_429 = tpu.memref_slice %arg12[%and3A_132, %dma_wait3A_427, %dma_wait3A_428] : memref<2x32x512xf32, #tpu.memory_space<vmem>> -> memref<1x32x512xf32, #tpu.memory_space<vmem>>
        %dma_wait3A_430 = tpu.memref_squeeze %dma_wait3A_429 : memref<1x32x512xf32, #tpu.memory_space<vmem>> -> memref<32x512xf32, #tpu.memory_space<vmem>>
        tpu.wait_dma2 semaphore(%arg16 : memref<!tpu.dma_semaphore, #tpu.memory_space<semaphore_mem>>) src(%dma_wait3A_430 : memref<32x512xf32, #tpu.memory_space<vmem>>) dst(%dma_wait3A_426 : memref<32x512xf32, #tpu.memory_space<hbm>>)
      } else {
      }
      %dma_start3A_147 = arith.constant 0 : i32
      %dma_start3A_148 = arith.constant 0 : i32
      %dma_start3A_149 = arith.constant 0 : i32
      %dma_start3A_150 = arith.constant 0 : i32
      %dma_start3A_151 = tpu.memref_slice %arg10[%dma_start3A_148, %dma_start3A_149, %dma_start3A_150] : memref<2x128x128xf32, #tpu.memory_space<vmem>> -> memref<1x128x128xf32, #tpu.memory_space<vmem>>
      %dma_start3A_152 = tpu.memref_squeeze %dma_start3A_151 : memref<1x128x128xf32, #tpu.memory_space<vmem>> -> memref<128x128xf32, #tpu.memory_space<vmem>>
      %dma_start3A_153 = arith.constant 0 : i32
      %dma_start3A_154 = tpu.memref_slice %arg8[%and3A_132, %dma_start3A_147, %dma_start3A_153] : memref<2x16x128xi32, #tpu.memory_space<vmem>> -> memref<1x1x128xi32, #tpu.memory_space<vmem>>
      %dma_start3A_155 = tpu.memref_squeeze %dma_start3A_154 : memref<1x1x128xi32, #tpu.memory_space<vmem>> -> memref<128xi32, #tpu.memory_space<vmem>>
      %dma_start3A_156 = arith.constant 0 : i32
      %dma_start3A_157 = arith.constant 0 : i32
      %dma_start3A_158 = tpu.memref_slice %arg4[%dma_start3A_156, %dma_start3A_157] : memref<100000x128xf32, #tpu.memory_space<hbm>> -> memref<100000x128xf32, #tpu.memory_space<hbm>>
      tpu.enqueue_indirect_dma source(%dma_start3A_158 : memref<100000x128xf32, #tpu.memory_space<hbm>>) target(%dma_start3A_152 : memref<128x128xf32, #tpu.memory_space<vmem>>) offsets(%dma_start3A_155 : memref<128xi32, #tpu.memory_space<vmem>>) semaphore(%arg15 : memref<!tpu.dma_semaphore, #tpu.memory_space<semaphore_mem>>)
      %dma_start3A_159 = arith.constant 1 : i32
      %dma_start3A_160 = arith.constant 1 : i32
      %dma_start3A_161 = arith.constant 0 : i32
      %dma_start3A_162 = arith.constant 0 : i32
      %dma_start3A_163 = tpu.memref_slice %arg10[%dma_start3A_160, %dma_start3A_161, %dma_start3A_162] : memref<2x128x128xf32, #tpu.memory_space<vmem>> -> memref<1x128x128xf32, #tpu.memory_space<vmem>>
      %dma_start3A_164 = tpu.memref_squeeze %dma_start3A_163 : memref<1x128x128xf32, #tpu.memory_space<vmem>> -> memref<128x128xf32, #tpu.memory_space<vmem>>
      %dma_start3A_165 = arith.constant 0 : i32
      %dma_start3A_166 = tpu.memref_slice %arg8[%and3A_132, %dma_start3A_159, %dma_start3A_165] : memref<2x16x128xi32, #tpu.memory_space<vmem>> -> memref<1x1x128xi32, #tpu.memory_space<vmem>>
      %dma_start3A_167 = tpu.memref_squeeze %dma_start3A_166 : memref<1x1x128xi32, #tpu.memory_space<vmem>> -> memref<128xi32, #tpu.memory_space<vmem>>
      %dma_start3A_168 = arith.constant 0 : i32
      %dma_start3A_169 = arith.constant 0 : i32
      %dma_start3A_170 = tpu.memref_slice %arg4[%dma_start3A_168, %dma_start3A_169] : memref<100000x128xf32, #tpu.memory_space<hbm>> -> memref<100000x128xf32, #tpu.memory_space<hbm>>
      tpu.enqueue_indirect_dma source(%dma_start3A_170 : memref<100000x128xf32, #tpu.memory_space<hbm>>) target(%dma_start3A_164 : memref<128x128xf32, #tpu.memory_space<vmem>>) offsets(%dma_start3A_167 : memref<128xi32, #tpu.memory_space<vmem>>) semaphore(%arg15 : memref<!tpu.dma_semaphore, #tpu.memory_space<semaphore_mem>>)
      %add3A_171 = arith.constant 1 : i32
      %add3A_172 = arith.addi %scan3A_118, %add3A_171 : i32
      %lt3A_173 = arith.constant 32 : i32
      %lt3A_174 = arith.cmpi slt, %add3A_172, %lt3A_173 : i32
      %convert_element_type3A_175 = arith.extui %lt3A_174 : i1 to i32
      %cond3A_176 = arith.constant 0 : i32
      %cond3A_177 = arith.cmpi ne, %convert_element_type3A_175, %cond3A_176 : i32
      scf.if %cond3A_177 {
        %add3A_419 = arith.constant 1 : i32
        %add3A_420 = arith.addi %scan3A_118, %add3A_419 : i32
        %mul3A_421 = arith.constant 32 : i32
        %mul3A_422 = arith.muli %add3A, %mul3A_421 : i32
        %add3A_423 = arith.addi %mul3A_422, %add3A_420 : i32
        %shift_right_arithmetic3A_424 = arith.constant 8 : i32
        %shift_right_arithmetic3A_425 = arith.shrsi %add3A_423, %shift_right_arithmetic3A_424 : i32
        %mul3A_426 = arith.constant 512 : i32
        %mul3A_427 = arith.muli %shift_right_arithmetic3A_425, %mul3A_426 : i32
        %and3A_428 = arith.constant 255 : i32
        %and3A_429 = arith.andi %add3A_423, %and3A_428 : i32
        %mul3A_430 = arith.constant 2 : i32
        %mul3A_431 = arith.muli %and3A_429, %mul3A_430 : i32
        %add3A_432 = arith.addi %mul3A_427, %mul3A_431 : i32
        %and3A_433 = arith.constant 1 : i32
        %and3A_434 = arith.andi %add3A_420, %and3A_433 : i32
        %mul3A_435 = arith.constant 32 : i32
        %mul3A_436 = arith.muli %add3A_432, %mul3A_435 : i32
        %broadcast_in_dim3A_437 = vector.broadcast %mul3A_436 : i32 to vector<16xi32>
        %add3A_438 = arith.addi %broadcast_in_dim3A_437, %select_n3A_22 : vector<16xi32>
        %swap3A_439 = arith.index_cast %and3A_434 : i32 to index
        %swap3A_440 = arith.constant 0 : index
        %swap3A_441 = tpu.vector_load %arg6[%swap3A_439, %swap3A_440] {strides = array<i32>} : memref<2x16xi32, #tpu.memory_space<vmem>>, vector<16xi32>,
        tpu.vector_store %arg6[%swap3A_439, %swap3A_440], %add3A_438 {strides = array<i32>} : memref<2x16xi32, #tpu.memory_space<vmem>>, vector<16xi32>,
        %mul3A_442 = arith.constant 96 : i32
        %mul3A_443 = arith.muli %add3A_432, %mul3A_442 : i32
        %broadcast_in_dim3A_444 = vector.broadcast %mul3A_443 : i32 to vector<16xi32>
        %add3A_445 = arith.addi %broadcast_in_dim3A_444, %select_n3A : vector<16xi32>
        %swap3A_446 = arith.index_cast %and3A_434 : i32 to index
        %swap3A_447 = arith.constant 0 : index
        %swap3A_448 = tpu.vector_load %arg7[%swap3A_446, %swap3A_447] {strides = array<i32>} : memref<2x32xi32, #tpu.memory_space<vmem>>, vector<16xi32>,
        tpu.vector_store %arg7[%swap3A_446, %swap3A_447], %add3A_445 {strides = array<i32>} : memref<2x32xi32, #tpu.memory_space<vmem>>, vector<16xi32>,
        %add3A_449 = arith.constant 1 : i32
        %add3A_450 = arith.addi %add3A_432, %add3A_449 : i32
        %mul3A_451 = arith.constant 96 : i32
        %mul3A_452 = arith.muli %add3A_450, %mul3A_451 : i32
        %broadcast_in_dim3A_453 = vector.broadcast %mul3A_452 : i32 to vector<16xi32>
        %add3A_454 = arith.addi %broadcast_in_dim3A_453, %select_n3A : vector<16xi32>
        %swap3A_455 = arith.index_cast %and3A_434 : i32 to index
        %swap3A_456 = arith.constant 16 : index
        %swap3A_457 = tpu.vector_load %arg7[%swap3A_455, %swap3A_456] {strides = array<i32>} : memref<2x32xi32, #tpu.memory_space<vmem>>, vector<16xi32>,
        tpu.vector_store %arg7[%swap3A_455, %swap3A_456], %add3A_454 {strides = array<i32>} : memref<2x32xi32, #tpu.memory_space<vmem>>, vector<16xi32>,
        %dma_start3A_458 = arith.constant 0 : i32
        %dma_start3A_459 = arith.constant 0 : i32
        %dma_start3A_460 = tpu.memref_slice %arg8[%and3A_434, %dma_start3A_458, %dma_start3A_459] : memref<2x16x128xi32, #tpu.memory_space<vmem>> -> memref<1x16x128xi32, #tpu.memory_space<vmem>>
        %dma_start3A_461 = tpu.memref_squeeze %dma_start3A_460 : memref<1x16x128xi32, #tpu.memory_space<vmem>> -> memref<16x128xi32, #tpu.memory_space<vmem>>
        %dma_start3A_462 = arith.constant 0 : i32
        %dma_start3A_463 = tpu.memref_slice %arg6[%and3A_434, %dma_start3A_462] : memref<2x16xi32, #tpu.memory_space<vmem>> -> memref<1x16xi32, #tpu.memory_space<vmem>>
        %dma_start3A_464 = tpu.memref_squeeze %dma_start3A_463 : memref<1x16xi32, #tpu.memory_space<vmem>> -> memref<16xi32, #tpu.memory_space<vmem>>
        %dma_start3A_465 = arith.constant 0 : i32
        %dma_start3A_466 = arith.constant 0 : i32
        %dma_start3A_467 = tpu.memref_slice %arg2[%dma_start3A_465, %dma_start3A_466] : memref<65536x128xi32, #tpu.memory_space<hbm>> -> memref<65536x128xi32, #tpu.memory_space<hbm>>
        tpu.enqueue_indirect_dma source(%dma_start3A_467 : memref<65536x128xi32, #tpu.memory_space<hbm>>) target(%dma_start3A_461 : memref<16x128xi32, #tpu.memory_space<vmem>>) offsets(%dma_start3A_464 : memref<16xi32, #tpu.memory_space<vmem>>) semaphore(%arg13 : memref<!tpu.dma_semaphore, #tpu.memory_space<semaphore_mem>>)
        %dma_start3A_468 = arith.constant 0 : i32
        %dma_start3A_469 = arith.constant 0 : i32
        %dma_start3A_470 = tpu.memref_slice %arg9[%and3A_434, %dma_start3A_468, %dma_start3A_469] : memref<2x32x128xf32, #tpu.memory_space<vmem>> -> memref<1x32x128xf32, #tpu.memory_space<vmem>>
        %dma_start3A_471 = tpu.memref_squeeze %dma_start3A_470 : memref<1x32x128xf32, #tpu.memory_space<vmem>> -> memref<32x128xf32, #tpu.memory_space<vmem>>
        %dma_start3A_472 = arith.constant 0 : i32
        %dma_start3A_473 = tpu.memref_slice %arg7[%and3A_434, %dma_start3A_472] : memref<2x32xi32, #tpu.memory_space<vmem>> -> memref<1x32xi32, #tpu.memory_space<vmem>>
        %dma_start3A_474 = tpu.memref_squeeze %dma_start3A_473 : memref<1x32xi32, #tpu.memory_space<vmem>> -> memref<32xi32, #tpu.memory_space<vmem>>
        %dma_start3A_475 = arith.constant 0 : i32
        %dma_start3A_476 = arith.constant 0 : i32
        %dma_start3A_477 = tpu.memref_slice %arg3[%dma_start3A_475, %dma_start3A_476] : memref<196608x128xf32, #tpu.memory_space<hbm>> -> memref<196608x128xf32, #tpu.memory_space<hbm>>
        tpu.enqueue_indirect_dma source(%dma_start3A_477 : memref<196608x128xf32, #tpu.memory_space<hbm>>) target(%dma_start3A_471 : memref<32x128xf32, #tpu.memory_space<vmem>>) offsets(%dma_start3A_474 : memref<32xi32, #tpu.memory_space<vmem>>) semaphore(%arg14 : memref<!tpu.dma_semaphore, #tpu.memory_space<semaphore_mem>>)
      } else {
      }
      %dma_start3A_178 = arith.constant 2 : i32
      %dma_start3A_179 = arith.constant 0 : i32
      %dma_start3A_180 = arith.constant 0 : i32
      %dma_start3A_181 = arith.constant 0 : i32
      %dma_start3A_182 = tpu.memref_slice %arg11[%dma_start3A_179, %dma_start3A_180, %dma_start3A_181] : memref<2x128x128xf32, #tpu.memory_space<vmem>> -> memref<1x128x128xf32, #tpu.memory_space<vmem>>
      %dma_start3A_183 = tpu.memref_squeeze %dma_start3A_182 : memref<1x128x128xf32, #tpu.memory_space<vmem>> -> memref<128x128xf32, #tpu.memory_space<vmem>>
      %dma_start3A_184 = arith.constant 0 : i32
      %dma_start3A_185 = tpu.memref_slice %arg8[%and3A_132, %dma_start3A_178, %dma_start3A_184] : memref<2x16x128xi32, #tpu.memory_space<vmem>> -> memref<1x1x128xi32, #tpu.memory_space<vmem>>
      %dma_start3A_186 = tpu.memref_squeeze %dma_start3A_185 : memref<1x1x128xi32, #tpu.memory_space<vmem>> -> memref<128xi32, #tpu.memory_space<vmem>>
      %dma_start3A_187 = arith.constant 0 : i32
      %dma_start3A_188 = arith.constant 0 : i32
      %dma_start3A_189 = tpu.memref_slice %arg4[%dma_start3A_187, %dma_start3A_188] : memref<100000x128xf32, #tpu.memory_space<hbm>> -> memref<100000x128xf32, #tpu.memory_space<hbm>>
      tpu.enqueue_indirect_dma source(%dma_start3A_189 : memref<100000x128xf32, #tpu.memory_space<hbm>>) target(%dma_start3A_183 : memref<128x128xf32, #tpu.memory_space<vmem>>) offsets(%dma_start3A_186 : memref<128xi32, #tpu.memory_space<vmem>>) semaphore(%arg15 : memref<!tpu.dma_semaphore, #tpu.memory_space<semaphore_mem>>)
      %dma_start3A_190 = arith.constant 3 : i32
      %dma_start3A_191 = arith.constant 1 : i32
      %dma_start3A_192 = arith.constant 0 : i32
      %dma_start3A_193 = arith.constant 0 : i32
      %dma_start3A_194 = tpu.memref_slice %arg11[%dma_start3A_191, %dma_start3A_192, %dma_start3A_193] : memref<2x128x128xf32, #tpu.memory_space<vmem>> -> memref<1x128x128xf32, #tpu.memory_space<vmem>>
      %dma_start3A_195 = tpu.memref_squeeze %dma_start3A_194 : memref<1x128x128xf32, #tpu.memory_space<vmem>> -> memref<128x128xf32, #tpu.memory_space<vmem>>
      %dma_start3A_196 = arith.constant 0 : i32
      %dma_start3A_197 = tpu.memref_slice %arg8[%and3A_132, %dma_start3A_190, %dma_start3A_196] : memref<2x16x128xi32, #tpu.memory_space<vmem>> -> memref<1x1x128xi32, #tpu.memory_space<vmem>>
      %dma_start3A_198 = tpu.memref_squeeze %dma_start3A_197 : memref<1x1x128xi32, #tpu.memory_space<vmem>> -> memref<128xi32, #tpu.memory_space<vmem>>
      %dma_start3A_199 = arith.constant 0 : i32
      %dma_start3A_200 = arith.constant 0 : i32
      %dma_start3A_201 = tpu.memref_slice %arg4[%dma_start3A_199, %dma_start3A_200] : memref<100000x128xf32, #tpu.memory_space<hbm>> -> memref<100000x128xf32, #tpu.memory_space<hbm>>
      tpu.enqueue_indirect_dma source(%dma_start3A_201 : memref<100000x128xf32, #tpu.memory_space<hbm>>) target(%dma_start3A_195 : memref<128x128xf32, #tpu.memory_space<vmem>>) offsets(%dma_start3A_198 : memref<128xi32, #tpu.memory_space<vmem>>) semaphore(%arg15 : memref<!tpu.dma_semaphore, #tpu.memory_space<semaphore_mem>>)
      %dma_wait3A_202 = arith.constant 0 : i32
      %dma_wait3A_203 = arith.constant 0 : i32
      %dma_wait3A_204 = arith.constant 0 : i32
      %dma_wait3A_205 = arith.constant 0 : i32
      %dma_wait3A_206 = tpu.memref_slice %arg10[%dma_wait3A_203, %dma_wait3A_204, %dma_wait3A_205] : memref<2x128x128xf32, #tpu.memory_space<vmem>> -> memref<1x128x128xf32, #tpu.memory_space<vmem>>
      %dma_wait3A_207 = tpu.memref_squeeze %dma_wait3A_206 : memref<1x128x128xf32, #tpu.memory_space<vmem>> -> memref<128x128xf32, #tpu.memory_space<vmem>>
      %dma_wait3A_208 = arith.constant 0 : i32
      %dma_wait3A_209 = tpu.memref_slice %arg8[%and3A_132, %dma_wait3A_202, %dma_wait3A_208] : memref<2x16x128xi32, #tpu.memory_space<vmem>> -> memref<1x1x128xi32, #tpu.memory_space<vmem>>
      %dma_wait3A_210 = tpu.memref_squeeze %dma_wait3A_209 : memref<1x1x128xi32, #tpu.memory_space<vmem>> -> memref<128xi32, #tpu.memory_space<vmem>>
      %dma_wait3A_211 = arith.constant 0 : i32
      %dma_wait3A_212 = arith.constant 0 : i32
      %dma_wait3A_213 = tpu.memref_slice %arg4[%dma_wait3A_211, %dma_wait3A_212] : memref<100000x128xf32, #tpu.memory_space<hbm>> -> memref<100000x128xf32, #tpu.memory_space<hbm>>
      tpu.wait_indirect_dma semaphore(%arg15 : memref<!tpu.dma_semaphore, #tpu.memory_space<semaphore_mem>>) src(%dma_wait3A_213 : memref<100000x128xf32, #tpu.memory_space<hbm>>) dst(%dma_wait3A_207 : memref<128x128xf32, #tpu.memory_space<vmem>>)
      %dma_wait3A_214 = arith.constant 1 : i32
      %dma_wait3A_215 = arith.constant 1 : i32
      %dma_wait3A_216 = arith.constant 0 : i32
      %dma_wait3A_217 = arith.constant 0 : i32
      %dma_wait3A_218 = tpu.memref_slice %arg10[%dma_wait3A_215, %dma_wait3A_216, %dma_wait3A_217] : memref<2x128x128xf32, #tpu.memory_space<vmem>> -> memref<1x128x128xf32, #tpu.memory_space<vmem>>
      %dma_wait3A_219 = tpu.memref_squeeze %dma_wait3A_218 : memref<1x128x128xf32, #tpu.memory_space<vmem>> -> memref<128x128xf32, #tpu.memory_space<vmem>>
      %dma_wait3A_220 = arith.constant 0 : i32
      %dma_wait3A_221 = tpu.memref_slice %arg8[%and3A_132, %dma_wait3A_214, %dma_wait3A_220] : memref<2x16x128xi32, #tpu.memory_space<vmem>> -> memref<1x1x128xi32, #tpu.memory_space<vmem>>
      %dma_wait3A_222 = tpu.memref_squeeze %dma_wait3A_221 : memref<1x1x128xi32, #tpu.memory_space<vmem>> -> memref<128xi32, #tpu.memory_space<vmem>>
      %dma_wait3A_223 = arith.constant 0 : i32
      %dma_wait3A_224 = arith.constant 0 : i32
      %dma_wait3A_225 = tpu.memref_slice %arg4[%dma_wait3A_223, %dma_wait3A_224] : memref<100000x128xf32, #tpu.memory_space<hbm>> -> memref<100000x128xf32, #tpu.memory_space<hbm>>
      tpu.wait_indirect_dma semaphore(%arg15 : memref<!tpu.dma_semaphore, #tpu.memory_space<semaphore_mem>>) src(%dma_wait3A_225 : memref<100000x128xf32, #tpu.memory_space<hbm>>) dst(%dma_wait3A_219 : memref<128x128xf32, #tpu.memory_space<vmem>>)
      %dma_wait3A_226 = arith.constant 0 : i32
      %dma_wait3A_227 = arith.constant 0 : i32
      %dma_wait3A_228 = tpu.memref_slice %arg9[%and3A_132, %dma_wait3A_226, %dma_wait3A_227] : memref<2x32x128xf32, #tpu.memory_space<vmem>> -> memref<1x32x128xf32, #tpu.memory_space<vmem>>
      %dma_wait3A_229 = tpu.memref_squeeze %dma_wait3A_228 : memref<1x32x128xf32, #tpu.memory_space<vmem>> -> memref<32x128xf32, #tpu.memory_space<vmem>>
      %dma_wait3A_230 = arith.constant 0 : i32
      %dma_wait3A_231 = tpu.memref_slice %arg7[%and3A_132, %dma_wait3A_230] : memref<2x32xi32, #tpu.memory_space<vmem>> -> memref<1x32xi32, #tpu.memory_space<vmem>>
      %dma_wait3A_232 = tpu.memref_squeeze %dma_wait3A_231 : memref<1x32xi32, #tpu.memory_space<vmem>> -> memref<32xi32, #tpu.memory_space<vmem>>
      %dma_wait3A_233 = arith.constant 0 : i32
      %dma_wait3A_234 = arith.constant 0 : i32
      %dma_wait3A_235 = tpu.memref_slice %arg3[%dma_wait3A_233, %dma_wait3A_234] : memref<196608x128xf32, #tpu.memory_space<hbm>> -> memref<196608x128xf32, #tpu.memory_space<hbm>>
      tpu.wait_indirect_dma semaphore(%arg14 : memref<!tpu.dma_semaphore, #tpu.memory_space<semaphore_mem>>) src(%dma_wait3A_235 : memref<196608x128xf32, #tpu.memory_space<hbm>>) dst(%dma_wait3A_229 : memref<32x128xf32, #tpu.memory_space<vmem>>)
      %broadcast_in_dim3A_236 = vector.broadcast %and3A_132 : i32 to vector<16xi32>
      %broadcast_in_dim3A_237 = arith.constant 0 : i32
      %broadcast_in_dim3A_238 = vector.broadcast %broadcast_in_dim3A_237 : i32 to vector<16xi32>
      %add3A_239 = arith.addi %broadcast_in_dim3A_238, %iota3A : vector<16xi32>
      %parallel_loop3A = arith.constant 0 : i32
      %parallel_loop3A_240 = arith.constant 128 : i32
      %parallel_loop3A_241 = arith.constant 1 : i32
      scf.for %parallel_loop3A_419 = %parallel_loop3A to %parallel_loop3A_240 step %parallel_loop3A_241  : i32 {
        %parallel_loop3A_420 = vector.broadcast %parallel_loop3A_419 : i32 to vector<16xi32>
        %parallel_loop3A_421 = arith.constant 0 : i32
        %parallel_loop3A_422 = vector.broadcast %parallel_loop3A_421 : i32 to vector<16xi32>
        %parallel_loop3A_423 = tpu.vector_load_idx %arg9[%broadcast_in_dim3A_236, %parallel_loop3A_422, %parallel_loop3A_420] : memref<2x32x128xf32, #tpu.memory_space<vmem>>[vector<16xi32>, vector<16xi32>, vector<16xi32>], vector<16xf32>,
        %parallel_loop3A_424 = arith.constant 4 : i32
        %parallel_loop3A_425 = vector.broadcast %parallel_loop3A_424 : i32 to vector<16xi32>
        %parallel_loop3A_426 = tpu.vector_load_idx %arg9[%broadcast_in_dim3A_236, %parallel_loop3A_425, %parallel_loop3A_420] : memref<2x32x128xf32, #tpu.memory_space<vmem>>[vector<16xi32>, vector<16xi32>, vector<16xi32>], vector<16xf32>,
        %parallel_loop3A_427 = arith.constant 8 : i32
        %parallel_loop3A_428 = vector.broadcast %parallel_loop3A_427 : i32 to vector<16xi32>
        %parallel_loop3A_429 = tpu.vector_load_idx %arg9[%broadcast_in_dim3A_236, %parallel_loop3A_428, %parallel_loop3A_420] : memref<2x32x128xf32, #tpu.memory_space<vmem>>[vector<16xi32>, vector<16xi32>, vector<16xi32>], vector<16xf32>,
        %parallel_loop3A_430 = arith.constant 0 : i32
        %parallel_loop3A_431 = arith.index_cast %parallel_loop3A_430 : i32 to index
        %parallel_loop3A_432 = arith.index_cast %parallel_loop3A_419 : i32 to index
        %parallel_loop3A_433 = arith.constant 0 : index
        %parallel_loop3A_434 = tpu.vector_load %arg10[%parallel_loop3A_431, %parallel_loop3A_432, %parallel_loop3A_433] {strides = array<i32>} : memref<2x128x128xf32, #tpu.memory_space<vmem>>, vector<16xf32>,
        %parallel_loop3A_435 = arith.constant 0 : i32
        %parallel_loop3A_436 = arith.index_cast %parallel_loop3A_435 : i32 to index
        %parallel_loop3A_437 = arith.index_cast %parallel_loop3A_419 : i32 to index
        %parallel_loop3A_438 = arith.constant 16 : index
        %parallel_loop3A_439 = tpu.vector_load %arg10[%parallel_loop3A_436, %parallel_loop3A_437, %parallel_loop3A_438] {strides = array<i32>} : memref<2x128x128xf32, #tpu.memory_space<vmem>>, vector<16xf32>,
        %parallel_loop3A_440 = arith.constant 0 : i32
        %parallel_loop3A_441 = arith.index_cast %parallel_loop3A_440 : i32 to index
        %parallel_loop3A_442 = arith.index_cast %parallel_loop3A_419 : i32 to index
        %parallel_loop3A_443 = arith.constant 32 : index
        %parallel_loop3A_444 = tpu.vector_load %arg10[%parallel_loop3A_441, %parallel_loop3A_442, %parallel_loop3A_443] {strides = array<i32>} : memref<2x128x128xf32, #tpu.memory_space<vmem>>, vector<16xf32>,
        %parallel_loop3A_445 = arith.constant 0 : i32
        %parallel_loop3A_446 = vector.broadcast %parallel_loop3A_445 : i32 to vector<16xi32>
        %parallel_loop3A_447 = arith.addi %parallel_loop3A_446, %parallel_loop3A_420 : vector<16xi32>
        %parallel_loop3A_448 = arith.mulf %parallel_loop3A_423, %parallel_loop3A_434 : vector<16xf32>
        %parallel_loop3A_449 = arith.mulf %parallel_loop3A_426, %parallel_loop3A_439 : vector<16xf32>
        %parallel_loop3A_450 = arith.addf %parallel_loop3A_448, %parallel_loop3A_449 : vector<16xf32>
        %parallel_loop3A_451 = arith.mulf %parallel_loop3A_429, %parallel_loop3A_444 : vector<16xf32>
        %parallel_loop3A_452 = arith.addf %parallel_loop3A_450, %parallel_loop3A_451 : vector<16xf32>
        tpu.vector_store_idx %arg12[%broadcast_in_dim3A_236, %add3A_239, %parallel_loop3A_447], %parallel_loop3A_452 : memref<2x32x512xf32, #tpu.memory_space<vmem>>[vector<16xi32>, vector<16xi32>, vector<16xi32>], vector<16xf32>,
      } {sc.loop_unroll_factor = 8 : i64, sc.parallel_access}
      %broadcast_in_dim3A_242 = arith.constant 0 : i32
      %broadcast_in_dim3A_243 = vector.broadcast %broadcast_in_dim3A_242 : i32 to vector<16xi32>
      %add3A_244 = arith.addi %broadcast_in_dim3A_243, %iota3A : vector<16xi32>
      %parallel_loop3A_245 = arith.constant 0 : i32
      %parallel_loop3A_246 = arith.constant 128 : i32
      %parallel_loop3A_247 = arith.constant 1 : i32
      scf.for %parallel_loop3A_419 = %parallel_loop3A_245 to %parallel_loop3A_246 step %parallel_loop3A_247  : i32 {
        %parallel_loop3A_420 = vector.broadcast %parallel_loop3A_419 : i32 to vector<16xi32>
        %parallel_loop3A_421 = arith.constant 1 : i32
        %parallel_loop3A_422 = vector.broadcast %parallel_loop3A_421 : i32 to vector<16xi32>
        %parallel_loop3A_423 = tpu.vector_load_idx %arg9[%broadcast_in_dim3A_236, %parallel_loop3A_422, %parallel_loop3A_420] : memref<2x32x128xf32, #tpu.memory_space<vmem>>[vector<16xi32>, vector<16xi32>, vector<16xi32>], vector<16xf32>,
        %parallel_loop3A_424 = arith.constant 5 : i32
        %parallel_loop3A_425 = vector.broadcast %parallel_loop3A_424 : i32 to vector<16xi32>
        %parallel_loop3A_426 = tpu.vector_load_idx %arg9[%broadcast_in_dim3A_236, %parallel_loop3A_425, %parallel_loop3A_420] : memref<2x32x128xf32, #tpu.memory_space<vmem>>[vector<16xi32>, vector<16xi32>, vector<16xi32>], vector<16xf32>,
        %parallel_loop3A_427 = arith.constant 9 : i32
        %parallel_loop3A_428 = vector.broadcast %parallel_loop3A_427 : i32 to vector<16xi32>
        %parallel_loop3A_429 = tpu.vector_load_idx %arg9[%broadcast_in_dim3A_236, %parallel_loop3A_428, %parallel_loop3A_420] : memref<2x32x128xf32, #tpu.memory_space<vmem>>[vector<16xi32>, vector<16xi32>, vector<16xi32>], vector<16xf32>,
        %parallel_loop3A_430 = arith.constant 1 : i32
        %parallel_loop3A_431 = arith.index_cast %parallel_loop3A_430 : i32 to index
        %parallel_loop3A_432 = arith.index_cast %parallel_loop3A_419 : i32 to index
        %parallel_loop3A_433 = arith.constant 0 : index
        %parallel_loop3A_434 = tpu.vector_load %arg10[%parallel_loop3A_431, %parallel_loop3A_432, %parallel_loop3A_433] {strides = array<i32>} : memref<2x128x128xf32, #tpu.memory_space<vmem>>, vector<16xf32>,
        %parallel_loop3A_435 = arith.constant 1 : i32
        %parallel_loop3A_436 = arith.index_cast %parallel_loop3A_435 : i32 to index
        %parallel_loop3A_437 = arith.index_cast %parallel_loop3A_419 : i32 to index
        %parallel_loop3A_438 = arith.constant 16 : index
        %parallel_loop3A_439 = tpu.vector_load %arg10[%parallel_loop3A_436, %parallel_loop3A_437, %parallel_loop3A_438] {strides = array<i32>} : memref<2x128x128xf32, #tpu.memory_space<vmem>>, vector<16xf32>,
        %parallel_loop3A_440 = arith.constant 1 : i32
        %parallel_loop3A_441 = arith.index_cast %parallel_loop3A_440 : i32 to index
        %parallel_loop3A_442 = arith.index_cast %parallel_loop3A_419 : i32 to index
        %parallel_loop3A_443 = arith.constant 32 : index
        %parallel_loop3A_444 = tpu.vector_load %arg10[%parallel_loop3A_441, %parallel_loop3A_442, %parallel_loop3A_443] {strides = array<i32>} : memref<2x128x128xf32, #tpu.memory_space<vmem>>, vector<16xf32>,
        %parallel_loop3A_445 = arith.constant 128 : i32
        %parallel_loop3A_446 = vector.broadcast %parallel_loop3A_445 : i32 to vector<16xi32>
        %parallel_loop3A_447 = arith.addi %parallel_loop3A_446, %parallel_loop3A_420 : vector<16xi32>
        %parallel_loop3A_448 = arith.mulf %parallel_loop3A_423, %parallel_loop3A_434 : vector<16xf32>
        %parallel_loop3A_449 = arith.mulf %parallel_loop3A_426, %parallel_loop3A_439 : vector<16xf32>
        %parallel_loop3A_450 = arith.addf %parallel_loop3A_448, %parallel_loop3A_449 : vector<16xf32>
        %parallel_loop3A_451 = arith.mulf %parallel_loop3A_429, %parallel_loop3A_444 : vector<16xf32>
        %parallel_loop3A_452 = arith.addf %parallel_loop3A_450, %parallel_loop3A_451 : vector<16xf32>
        tpu.vector_store_idx %arg12[%broadcast_in_dim3A_236, %add3A_244, %parallel_loop3A_447], %parallel_loop3A_452 : memref<2x32x512xf32, #tpu.memory_space<vmem>>[vector<16xi32>, vector<16xi32>, vector<16xi32>], vector<16xf32>,
      } {sc.loop_unroll_factor = 8 : i64, sc.parallel_access}
      %dma_start3A_248 = arith.constant 4 : i32
      %dma_start3A_249 = arith.constant 0 : i32
      %dma_start3A_250 = arith.constant 0 : i32
      %dma_start3A_251 = arith.constant 0 : i32
      %dma_start3A_252 = tpu.memref_slice %arg10[%dma_start3A_249, %dma_start3A_250, %dma_start3A_251] : memref<2x128x128xf32, #tpu.memory_space<vmem>> -> memref<1x128x128xf32, #tpu.memory_space<vmem>>
      %dma_start3A_253 = tpu.memref_squeeze %dma_start3A_252 : memref<1x128x128xf32, #tpu.memory_space<vmem>> -> memref<128x128xf32, #tpu.memory_space<vmem>>
      %dma_start3A_254 = arith.constant 0 : i32
      %dma_start3A_255 = tpu.memref_slice %arg8[%and3A_132, %dma_start3A_248, %dma_start3A_254] : memref<2x16x128xi32, #tpu.memory_space<vmem>> -> memref<1x1x128xi32, #tpu.memory_space<vmem>>
      %dma_start3A_256 = tpu.memref_squeeze %dma_start3A_255 : memref<1x1x128xi32, #tpu.memory_space<vmem>> -> memref<128xi32, #tpu.memory_space<vmem>>
      %dma_start3A_257 = arith.constant 0 : i32
      %dma_start3A_258 = arith.constant 0 : i32
      %dma_start3A_259 = tpu.memref_slice %arg4[%dma_start3A_257, %dma_start3A_258] : memref<100000x128xf32, #tpu.memory_space<hbm>> -> memref<100000x128xf32, #tpu.memory_space<hbm>>
      tpu.enqueue_indirect_dma source(%dma_start3A_259 : memref<100000x128xf32, #tpu.memory_space<hbm>>) target(%dma_start3A_253 : memref<128x128xf32, #tpu.memory_space<vmem>>) offsets(%dma_start3A_256 : memref<128xi32, #tpu.memory_space<vmem>>) semaphore(%arg15 : memref<!tpu.dma_semaphore, #tpu.memory_space<semaphore_mem>>)
      %dma_start3A_260 = arith.constant 5 : i32
      %dma_start3A_261 = arith.constant 1 : i32
      %dma_start3A_262 = arith.constant 0 : i32
      %dma_start3A_263 = arith.constant 0 : i32
      %dma_start3A_264 = tpu.memref_slice %arg10[%dma_start3A_261, %dma_start3A_262, %dma_start3A_263] : memref<2x128x128xf32, #tpu.memory_space<vmem>> -> memref<1x128x128xf32, #tpu.memory_space<vmem>>
      %dma_start3A_265 = tpu.memref_squeeze %dma_start3A_264 : memref<1x128x128xf32, #tpu.memory_space<vmem>> -> memref<128x128xf32, #tpu.memory_space<vmem>>
      %dma_start3A_266 = arith.constant 0 : i32
      %dma_start3A_267 = tpu.memref_slice %arg8[%and3A_132, %dma_start3A_260, %dma_start3A_266] : memref<2x16x128xi32, #tpu.memory_space<vmem>> -> memref<1x1x128xi32, #tpu.memory_space<vmem>>
      %dma_start3A_268 = tpu.memref_squeeze %dma_start3A_267 : memref<1x1x128xi32, #tpu.memory_space<vmem>> -> memref<128xi32, #tpu.memory_space<vmem>>
      %dma_start3A_269 = arith.constant 0 : i32
      %dma_start3A_270 = arith.constant 0 : i32
      %dma_start3A_271 = tpu.memref_slice %arg4[%dma_start3A_269, %dma_start3A_270] : memref<100000x128xf32, #tpu.memory_space<hbm>> -> memref<100000x128xf32, #tpu.memory_space<hbm>>
      tpu.enqueue_indirect_dma source(%dma_start3A_271 : memref<100000x128xf32, #tpu.memory_space<hbm>>) target(%dma_start3A_265 : memref<128x128xf32, #tpu.memory_space<vmem>>) offsets(%dma_start3A_268 : memref<128xi32, #tpu.memory_space<vmem>>) semaphore(%arg15 : memref<!tpu.dma_semaphore, #tpu.memory_space<semaphore_mem>>)
      %dma_wait3A_272 = arith.constant 2 : i32
      %dma_wait3A_273 = arith.constant 0 : i32
      %dma_wait3A_274 = arith.constant 0 : i32
      %dma_wait3A_275 = arith.constant 0 : i32
      %dma_wait3A_276 = tpu.memref_slice %arg11[%dma_wait3A_273, %dma_wait3A_274, %dma_wait3A_275] : memref<2x128x128xf32, #tpu.memory_space<vmem>> -> memref<1x128x128xf32, #tpu.memory_space<vmem>>
      %dma_wait3A_277 = tpu.memref_squeeze %dma_wait3A_276 : memref<1x128x128xf32, #tpu.memory_space<vmem>> -> memref<128x128xf32, #tpu.memory_space<vmem>>
      %dma_wait3A_278 = arith.constant 0 : i32
      %dma_wait3A_279 = tpu.memref_slice %arg8[%and3A_132, %dma_wait3A_272, %dma_wait3A_278] : memref<2x16x128xi32, #tpu.memory_space<vmem>> -> memref<1x1x128xi32, #tpu.memory_space<vmem>>
      %dma_wait3A_280 = tpu.memref_squeeze %dma_wait3A_279 : memref<1x1x128xi32, #tpu.memory_space<vmem>> -> memref<128xi32, #tpu.memory_space<vmem>>
      %dma_wait3A_281 = arith.constant 0 : i32
      %dma_wait3A_282 = arith.constant 0 : i32
      %dma_wait3A_283 = tpu.memref_slice %arg4[%dma_wait3A_281, %dma_wait3A_282] : memref<100000x128xf32, #tpu.memory_space<hbm>> -> memref<100000x128xf32, #tpu.memory_space<hbm>>
      tpu.wait_indirect_dma semaphore(%arg15 : memref<!tpu.dma_semaphore, #tpu.memory_space<semaphore_mem>>) src(%dma_wait3A_283 : memref<100000x128xf32, #tpu.memory_space<hbm>>) dst(%dma_wait3A_277 : memref<128x128xf32, #tpu.memory_space<vmem>>)
      %dma_wait3A_284 = arith.constant 3 : i32
      %dma_wait3A_285 = arith.constant 1 : i32
      %dma_wait3A_286 = arith.constant 0 : i32
      %dma_wait3A_287 = arith.constant 0 : i32
      %dma_wait3A_288 = tpu.memref_slice %arg11[%dma_wait3A_285, %dma_wait3A_286, %dma_wait3A_287] : memref<2x128x128xf32, #tpu.memory_space<vmem>> -> memref<1x128x128xf32, #tpu.memory_space<vmem>>
      %dma_wait3A_289 = tpu.memref_squeeze %dma_wait3A_288 : memref<1x128x128xf32, #tpu.memory_space<vmem>> -> memref<128x128xf32, #tpu.memory_space<vmem>>
      %dma_wait3A_290 = arith.constant 0 : i32
      %dma_wait3A_291 = tpu.memref_slice %arg8[%and3A_132, %dma_wait3A_284, %dma_wait3A_290] : memref<2x16x128xi32, #tpu.memory_space<vmem>> -> memref<1x1x128xi32, #tpu.memory_space<vmem>>
      %dma_wait3A_292 = tpu.memref_squeeze %dma_wait3A_291 : memref<1x1x128xi32, #tpu.memory_space<vmem>> -> memref<128xi32, #tpu.memory_space<vmem>>
      %dma_wait3A_293 = arith.constant 0 : i32
      %dma_wait3A_294 = arith.constant 0 : i32
      %dma_wait3A_295 = tpu.memref_slice %arg4[%dma_wait3A_293, %dma_wait3A_294] : memref<100000x128xf32, #tpu.memory_space<hbm>> -> memref<100000x128xf32, #tpu.memory_space<hbm>>
      tpu.wait_indirect_dma semaphore(%arg15 : memref<!tpu.dma_semaphore, #tpu.memory_space<semaphore_mem>>) src(%dma_wait3A_295 : memref<100000x128xf32, #tpu.memory_space<hbm>>) dst(%dma_wait3A_289 : memref<128x128xf32, #tpu.memory_space<vmem>>)
      %broadcast_in_dim3A_296 = vector.broadcast %and3A_132 : i32 to vector<16xi32>
      %broadcast_in_dim3A_297 = arith.constant 0 : i32
      %broadcast_in_dim3A_298 = vector.broadcast %broadcast_in_dim3A_297 : i32 to vector<16xi32>
      %add3A_299 = arith.addi %broadcast_in_dim3A_298, %iota3A : vector<16xi32>
      %parallel_loop3A_300 = arith.constant 0 : i32
      %parallel_loop3A_301 = arith.constant 128 : i32
      %parallel_loop3A_302 = arith.constant 1 : i32
      scf.for %parallel_loop3A_419 = %parallel_loop3A_300 to %parallel_loop3A_301 step %parallel_loop3A_302  : i32 {
        %parallel_loop3A_420 = vector.broadcast %parallel_loop3A_419 : i32 to vector<16xi32>
        %parallel_loop3A_421 = arith.constant 2 : i32
        %parallel_loop3A_422 = vector.broadcast %parallel_loop3A_421 : i32 to vector<16xi32>
        %parallel_loop3A_423 = tpu.vector_load_idx %arg9[%broadcast_in_dim3A_296, %parallel_loop3A_422, %parallel_loop3A_420] : memref<2x32x128xf32, #tpu.memory_space<vmem>>[vector<16xi32>, vector<16xi32>, vector<16xi32>], vector<16xf32>,
        %parallel_loop3A_424 = arith.constant 6 : i32
        %parallel_loop3A_425 = vector.broadcast %parallel_loop3A_424 : i32 to vector<16xi32>
        %parallel_loop3A_426 = tpu.vector_load_idx %arg9[%broadcast_in_dim3A_296, %parallel_loop3A_425, %parallel_loop3A_420] : memref<2x32x128xf32, #tpu.memory_space<vmem>>[vector<16xi32>, vector<16xi32>, vector<16xi32>], vector<16xf32>,
        %parallel_loop3A_427 = arith.constant 10 : i32
        %parallel_loop3A_428 = vector.broadcast %parallel_loop3A_427 : i32 to vector<16xi32>
        %parallel_loop3A_429 = tpu.vector_load_idx %arg9[%broadcast_in_dim3A_296, %parallel_loop3A_428, %parallel_loop3A_420] : memref<2x32x128xf32, #tpu.memory_space<vmem>>[vector<16xi32>, vector<16xi32>, vector<16xi32>], vector<16xf32>,
        %parallel_loop3A_430 = arith.constant 0 : i32
        %parallel_loop3A_431 = arith.index_cast %parallel_loop3A_430 : i32 to index
        %parallel_loop3A_432 = arith.index_cast %parallel_loop3A_419 : i32 to index
        %parallel_loop3A_433 = arith.constant 0 : index
        %parallel_loop3A_434 = tpu.vector_load %arg11[%parallel_loop3A_431, %parallel_loop3A_432, %parallel_loop3A_433] {strides = array<i32>} : memref<2x128x128xf32, #tpu.memory_space<vmem>>, vector<16xf32>,
        %parallel_loop3A_435 = arith.constant 0 : i32
        %parallel_loop3A_436 = arith.index_cast %parallel_loop3A_435 : i32 to index
        %parallel_loop3A_437 = arith.index_cast %parallel_loop3A_419 : i32 to index
        %parallel_loop3A_438 = arith.constant 16 : index
        %parallel_loop3A_439 = tpu.vector_load %arg11[%parallel_loop3A_436, %parallel_loop3A_437, %parallel_loop3A_438] {strides = array<i32>} : memref<2x128x128xf32, #tpu.memory_space<vmem>>, vector<16xf32>,
        %parallel_loop3A_440 = arith.constant 0 : i32
        %parallel_loop3A_441 = arith.index_cast %parallel_loop3A_440 : i32 to index
        %parallel_loop3A_442 = arith.index_cast %parallel_loop3A_419 : i32 to index
        %parallel_loop3A_443 = arith.constant 32 : index
        %parallel_loop3A_444 = tpu.vector_load %arg11[%parallel_loop3A_441, %parallel_loop3A_442, %parallel_loop3A_443] {strides = array<i32>} : memref<2x128x128xf32, #tpu.memory_space<vmem>>, vector<16xf32>,
        %parallel_loop3A_445 = arith.constant 256 : i32
        %parallel_loop3A_446 = vector.broadcast %parallel_loop3A_445 : i32 to vector<16xi32>
        %parallel_loop3A_447 = arith.addi %parallel_loop3A_446, %parallel_loop3A_420 : vector<16xi32>
        %parallel_loop3A_448 = arith.mulf %parallel_loop3A_423, %parallel_loop3A_434 : vector<16xf32>
        %parallel_loop3A_449 = arith.mulf %parallel_loop3A_426, %parallel_loop3A_439 : vector<16xf32>
        %parallel_loop3A_450 = arith.addf %parallel_loop3A_448, %parallel_loop3A_449 : vector<16xf32>
        %parallel_loop3A_451 = arith.mulf %parallel_loop3A_429, %parallel_loop3A_444 : vector<16xf32>
        %parallel_loop3A_452 = arith.addf %parallel_loop3A_450, %parallel_loop3A_451 : vector<16xf32>
        tpu.vector_store_idx %arg12[%broadcast_in_dim3A_296, %add3A_299, %parallel_loop3A_447], %parallel_loop3A_452 : memref<2x32x512xf32, #tpu.memory_space<vmem>>[vector<16xi32>, vector<16xi32>, vector<16xi32>], vector<16xf32>,
      } {sc.loop_unroll_factor = 8 : i64, sc.parallel_access}
      %broadcast_in_dim3A_303 = arith.constant 0 : i32
      %broadcast_in_dim3A_304 = vector.broadcast %broadcast_in_dim3A_303 : i32 to vector<16xi32>
      %add3A_305 = arith.addi %broadcast_in_dim3A_304, %iota3A : vector<16xi32>
      %parallel_loop3A_306 = arith.constant 0 : i32
      %parallel_loop3A_307 = arith.constant 128 : i32
      %parallel_loop3A_308 = arith.constant 1 : i32
      scf.for %parallel_loop3A_419 = %parallel_loop3A_306 to %parallel_loop3A_307 step %parallel_loop3A_308  : i32 {
        %parallel_loop3A_420 = vector.broadcast %parallel_loop3A_419 : i32 to vector<16xi32>
        %parallel_loop3A_421 = arith.constant 3 : i32
        %parallel_loop3A_422 = vector.broadcast %parallel_loop3A_421 : i32 to vector<16xi32>
        %parallel_loop3A_423 = tpu.vector_load_idx %arg9[%broadcast_in_dim3A_296, %parallel_loop3A_422, %parallel_loop3A_420] : memref<2x32x128xf32, #tpu.memory_space<vmem>>[vector<16xi32>, vector<16xi32>, vector<16xi32>], vector<16xf32>,
        %parallel_loop3A_424 = arith.constant 7 : i32
        %parallel_loop3A_425 = vector.broadcast %parallel_loop3A_424 : i32 to vector<16xi32>
        %parallel_loop3A_426 = tpu.vector_load_idx %arg9[%broadcast_in_dim3A_296, %parallel_loop3A_425, %parallel_loop3A_420] : memref<2x32x128xf32, #tpu.memory_space<vmem>>[vector<16xi32>, vector<16xi32>, vector<16xi32>], vector<16xf32>,
        %parallel_loop3A_427 = arith.constant 11 : i32
        %parallel_loop3A_428 = vector.broadcast %parallel_loop3A_427 : i32 to vector<16xi32>
        %parallel_loop3A_429 = tpu.vector_load_idx %arg9[%broadcast_in_dim3A_296, %parallel_loop3A_428, %parallel_loop3A_420] : memref<2x32x128xf32, #tpu.memory_space<vmem>>[vector<16xi32>, vector<16xi32>, vector<16xi32>], vector<16xf32>,
        %parallel_loop3A_430 = arith.constant 1 : i32
        %parallel_loop3A_431 = arith.index_cast %parallel_loop3A_430 : i32 to index
        %parallel_loop3A_432 = arith.index_cast %parallel_loop3A_419 : i32 to index
        %parallel_loop3A_433 = arith.constant 0 : index
        %parallel_loop3A_434 = tpu.vector_load %arg11[%parallel_loop3A_431, %parallel_loop3A_432, %parallel_loop3A_433] {strides = array<i32>} : memref<2x128x128xf32, #tpu.memory_space<vmem>>, vector<16xf32>,
        %parallel_loop3A_435 = arith.constant 1 : i32
        %parallel_loop3A_436 = arith.index_cast %parallel_loop3A_435 : i32 to index
        %parallel_loop3A_437 = arith.index_cast %parallel_loop3A_419 : i32 to index
        %parallel_loop3A_438 = arith.constant 16 : index
        %parallel_loop3A_439 = tpu.vector_load %arg11[%parallel_loop3A_436, %parallel_loop3A_437, %parallel_loop3A_438] {strides = array<i32>} : memref<2x128x128xf32, #tpu.memory_space<vmem>>, vector<16xf32>,
        %parallel_loop3A_440 = arith.constant 1 : i32
        %parallel_loop3A_441 = arith.index_cast %parallel_loop3A_440 : i32 to index
        %parallel_loop3A_442 = arith.index_cast %parallel_loop3A_419 : i32 to index
        %parallel_loop3A_443 = arith.constant 32 : index
        %parallel_loop3A_444 = tpu.vector_load %arg11[%parallel_loop3A_441, %parallel_loop3A_442, %parallel_loop3A_443] {strides = array<i32>} : memref<2x128x128xf32, #tpu.memory_space<vmem>>, vector<16xf32>,
        %parallel_loop3A_445 = arith.constant 384 : i32
        %parallel_loop3A_446 = vector.broadcast %parallel_loop3A_445 : i32 to vector<16xi32>
        %parallel_loop3A_447 = arith.addi %parallel_loop3A_446, %parallel_loop3A_420 : vector<16xi32>
        %parallel_loop3A_448 = arith.mulf %parallel_loop3A_423, %parallel_loop3A_434 : vector<16xf32>
        %parallel_loop3A_449 = arith.mulf %parallel_loop3A_426, %parallel_loop3A_439 : vector<16xf32>
        %parallel_loop3A_450 = arith.addf %parallel_loop3A_448, %parallel_loop3A_449 : vector<16xf32>
        %parallel_loop3A_451 = arith.mulf %parallel_loop3A_429, %parallel_loop3A_444 : vector<16xf32>
        %parallel_loop3A_452 = arith.addf %parallel_loop3A_450, %parallel_loop3A_451 : vector<16xf32>
        tpu.vector_store_idx %arg12[%broadcast_in_dim3A_296, %add3A_305, %parallel_loop3A_447], %parallel_loop3A_452 : memref<2x32x512xf32, #tpu.memory_space<vmem>>[vector<16xi32>, vector<16xi32>, vector<16xi32>], vector<16xf32>,
      } {sc.loop_unroll_factor = 8 : i64, sc.parallel_access}
      %dma_start3A_309 = arith.constant 6 : i32
      %dma_start3A_310 = arith.constant 0 : i32
      %dma_start3A_311 = arith.constant 0 : i32
      %dma_start3A_312 = arith.constant 0 : i32
      %dma_start3A_313 = tpu.memref_slice %arg11[%dma_start3A_310, %dma_start3A_311, %dma_start3A_312] : memref<2x128x128xf32, #tpu.memory_space<vmem>> -> memref<1x128x128xf32, #tpu.memory_space<vmem>>
      %dma_start3A_314 = tpu.memref_squeeze %dma_start3A_313 : memref<1x128x128xf32, #tpu.memory_space<vmem>> -> memref<128x128xf32, #tpu.memory_space<vmem>>
      %dma_start3A_315 = arith.constant 0 : i32
      %dma_start3A_316 = tpu.memref_slice %arg8[%and3A_132, %dma_start3A_309, %dma_start3A_315] : memref<2x16x128xi32, #tpu.memory_space<vmem>> -> memref<1x1x128xi32, #tpu.memory_space<vmem>>
      %dma_start3A_317 = tpu.memref_squeeze %dma_start3A_316 : memref<1x1x128xi32, #tpu.memory_space<vmem>> -> memref<128xi32, #tpu.memory_space<vmem>>
      %dma_start3A_318 = arith.constant 0 : i32
      %dma_start3A_319 = arith.constant 0 : i32
      %dma_start3A_320 = tpu.memref_slice %arg4[%dma_start3A_318, %dma_start3A_319] : memref<100000x128xf32, #tpu.memory_space<hbm>> -> memref<100000x128xf32, #tpu.memory_space<hbm>>
      tpu.enqueue_indirect_dma source(%dma_start3A_320 : memref<100000x128xf32, #tpu.memory_space<hbm>>) target(%dma_start3A_314 : memref<128x128xf32, #tpu.memory_space<vmem>>) offsets(%dma_start3A_317 : memref<128xi32, #tpu.memory_space<vmem>>) semaphore(%arg15 : memref<!tpu.dma_semaphore, #tpu.memory_space<semaphore_mem>>)
      %dma_start3A_321 = arith.constant 7 : i32
      %dma_start3A_322 = arith.constant 1 : i32
      %dma_start3A_323 = arith.constant 0 : i32
      %dma_start3A_324 = arith.constant 0 : i32
      %dma_start3A_325 = tpu.memref_slice %arg11[%dma_start3A_322, %dma_start3A_323, %dma_start3A_324] : memref<2x128x128xf32, #tpu.memory_space<vmem>> -> memref<1x128x128xf32, #tpu.memory_space<vmem>>
      %dma_start3A_326 = tpu.memref_squeeze %dma_start3A_325 : memref<1x128x128xf32, #tpu.memory_space<vmem>> -> memref<128x128xf32, #tpu.memory_space<vmem>>
      %dma_start3A_327 = arith.constant 0 : i32
      %dma_start3A_328 = tpu.memref_slice %arg8[%and3A_132, %dma_start3A_321, %dma_start3A_327] : memref<2x16x128xi32, #tpu.memory_space<vmem>> -> memref<1x1x128xi32, #tpu.memory_space<vmem>>
      %dma_start3A_329 = tpu.memref_squeeze %dma_start3A_328 : memref<1x1x128xi32, #tpu.memory_space<vmem>> -> memref<128xi32, #tpu.memory_space<vmem>>
      %dma_start3A_330 = arith.constant 0 : i32
      %dma_start3A_331 = arith.constant 0 : i32
      %dma_start3A_332 = tpu.memref_slice %arg4[%dma_start3A_330, %dma_start3A_331] : memref<100000x128xf32, #tpu.memory_space<hbm>> -> memref<100000x128xf32, #tpu.memory_space<hbm>>
      tpu.enqueue_indirect_dma source(%dma_start3A_332 : memref<100000x128xf32, #tpu.memory_space<hbm>>) target(%dma_start3A_326 : memref<128x128xf32, #tpu.memory_space<vmem>>) offsets(%dma_start3A_329 : memref<128xi32, #tpu.memory_space<vmem>>) semaphore(%arg15 : memref<!tpu.dma_semaphore, #tpu.memory_space<semaphore_mem>>)
      %dma_wait3A_333 = arith.constant 4 : i32
      %dma_wait3A_334 = arith.constant 0 : i32
      %dma_wait3A_335 = arith.constant 0 : i32
      %dma_wait3A_336 = arith.constant 0 : i32
      %dma_wait3A_337 = tpu.memref_slice %arg10[%dma_wait3A_334, %dma_wait3A_335, %dma_wait3A_336] : memref<2x128x128xf32, #tpu.memory_space<vmem>> -> memref<1x128x128xf32, #tpu.memory_space<vmem>>
      %dma_wait3A_338 = tpu.memref_squeeze %dma_wait3A_337 : memref<1x128x128xf32, #tpu.memory_space<vmem>> -> memref<128x128xf32, #tpu.memory_space<vmem>>
      %dma_wait3A_339 = arith.constant 0 : i32
      %dma_wait3A_340 = tpu.memref_slice %arg8[%and3A_132, %dma_wait3A_333, %dma_wait3A_339] : memref<2x16x128xi32, #tpu.memory_space<vmem>> -> memref<1x1x128xi32, #tpu.memory_space<vmem>>
      %dma_wait3A_341 = tpu.memref_squeeze %dma_wait3A_340 : memref<1x1x128xi32, #tpu.memory_space<vmem>> -> memref<128xi32, #tpu.memory_space<vmem>>
      %dma_wait3A_342 = arith.constant 0 : i32
      %dma_wait3A_343 = arith.constant 0 : i32
      %dma_wait3A_344 = tpu.memref_slice %arg4[%dma_wait3A_342, %dma_wait3A_343] : memref<100000x128xf32, #tpu.memory_space<hbm>> -> memref<100000x128xf32, #tpu.memory_space<hbm>>
      tpu.wait_indirect_dma semaphore(%arg15 : memref<!tpu.dma_semaphore, #tpu.memory_space<semaphore_mem>>) src(%dma_wait3A_344 : memref<100000x128xf32, #tpu.memory_space<hbm>>) dst(%dma_wait3A_338 : memref<128x128xf32, #tpu.memory_space<vmem>>)
      %dma_wait3A_345 = arith.constant 5 : i32
      %dma_wait3A_346 = arith.constant 1 : i32
      %dma_wait3A_347 = arith.constant 0 : i32
      %dma_wait3A_348 = arith.constant 0 : i32
      %dma_wait3A_349 = tpu.memref_slice %arg10[%dma_wait3A_346, %dma_wait3A_347, %dma_wait3A_348] : memref<2x128x128xf32, #tpu.memory_space<vmem>> -> memref<1x128x128xf32, #tpu.memory_space<vmem>>
      %dma_wait3A_350 = tpu.memref_squeeze %dma_wait3A_349 : memref<1x128x128xf32, #tpu.memory_space<vmem>> -> memref<128x128xf32, #tpu.memory_space<vmem>>
      %dma_wait3A_351 = arith.constant 0 : i32
      %dma_wait3A_352 = tpu.memref_slice %arg8[%and3A_132, %dma_wait3A_345, %dma_wait3A_351] : memref<2x16x128xi32, #tpu.memory_space<vmem>> -> memref<1x1x128xi32, #tpu.memory_space<vmem>>
      %dma_wait3A_353 = tpu.memref_squeeze %dma_wait3A_352 : memref<1x1x128xi32, #tpu.memory_space<vmem>> -> memref<128xi32, #tpu.memory_space<vmem>>
      %dma_wait3A_354 = arith.constant 0 : i32
      %dma_wait3A_355 = arith.constant 0 : i32
      %dma_wait3A_356 = tpu.memref_slice %arg4[%dma_wait3A_354, %dma_wait3A_355] : memref<100000x128xf32, #tpu.memory_space<hbm>> -> memref<100000x128xf32, #tpu.memory_space<hbm>>
      tpu.wait_indirect_dma semaphore(%arg15 : memref<!tpu.dma_semaphore, #tpu.memory_space<semaphore_mem>>) src(%dma_wait3A_356 : memref<100000x128xf32, #tpu.memory_space<hbm>>) dst(%dma_wait3A_350 : memref<128x128xf32, #tpu.memory_space<vmem>>)
      %broadcast_in_dim3A_357 = vector.broadcast %and3A_132 : i32 to vector<16xi32>
      %broadcast_in_dim3A_358 = arith.constant 16 : i32
      %broadcast_in_dim3A_359 = vector.broadcast %broadcast_in_dim3A_358 : i32 to vector<16xi32>
      %add3A_360 = arith.addi %broadcast_in_dim3A_359, %iota3A : vector<16xi32>
      %parallel_loop3A_361 = arith.constant 0 : i32
      %parallel_loop3A_362 = arith.constant 128 : i32
      %parallel_loop3A_363 = arith.constant 1 : i32
      scf.for %parallel_loop3A_419 = %parallel_loop3A_361 to %parallel_loop3A_362 step %parallel_loop3A_363  : i32 {
        %parallel_loop3A_420 = vector.broadcast %parallel_loop3A_419 : i32 to vector<16xi32>
        %parallel_loop3A_421 = arith.constant 16 : i32
        %parallel_loop3A_422 = vector.broadcast %parallel_loop3A_421 : i32 to vector<16xi32>
        %parallel_loop3A_423 = tpu.vector_load_idx %arg9[%broadcast_in_dim3A_357, %parallel_loop3A_422, %parallel_loop3A_420] : memref<2x32x128xf32, #tpu.memory_space<vmem>>[vector<16xi32>, vector<16xi32>, vector<16xi32>], vector<16xf32>,
        %parallel_loop3A_424 = arith.constant 20 : i32
        %parallel_loop3A_425 = vector.broadcast %parallel_loop3A_424 : i32 to vector<16xi32>
        %parallel_loop3A_426 = tpu.vector_load_idx %arg9[%broadcast_in_dim3A_357, %parallel_loop3A_425, %parallel_loop3A_420] : memref<2x32x128xf32, #tpu.memory_space<vmem>>[vector<16xi32>, vector<16xi32>, vector<16xi32>], vector<16xf32>,
        %parallel_loop3A_427 = arith.constant 24 : i32
        %parallel_loop3A_428 = vector.broadcast %parallel_loop3A_427 : i32 to vector<16xi32>
        %parallel_loop3A_429 = tpu.vector_load_idx %arg9[%broadcast_in_dim3A_357, %parallel_loop3A_428, %parallel_loop3A_420] : memref<2x32x128xf32, #tpu.memory_space<vmem>>[vector<16xi32>, vector<16xi32>, vector<16xi32>], vector<16xf32>,
        %parallel_loop3A_430 = arith.constant 0 : i32
        %parallel_loop3A_431 = arith.index_cast %parallel_loop3A_430 : i32 to index
        %parallel_loop3A_432 = arith.index_cast %parallel_loop3A_419 : i32 to index
        %parallel_loop3A_433 = arith.constant 0 : index
        %parallel_loop3A_434 = tpu.vector_load %arg10[%parallel_loop3A_431, %parallel_loop3A_432, %parallel_loop3A_433] {strides = array<i32>} : memref<2x128x128xf32, #tpu.memory_space<vmem>>, vector<16xf32>,
        %parallel_loop3A_435 = arith.constant 0 : i32
        %parallel_loop3A_436 = arith.index_cast %parallel_loop3A_435 : i32 to index
        %parallel_loop3A_437 = arith.index_cast %parallel_loop3A_419 : i32 to index
        %parallel_loop3A_438 = arith.constant 16 : index
        %parallel_loop3A_439 = tpu.vector_load %arg10[%parallel_loop3A_436, %parallel_loop3A_437, %parallel_loop3A_438] {strides = array<i32>} : memref<2x128x128xf32, #tpu.memory_space<vmem>>, vector<16xf32>,
        %parallel_loop3A_440 = arith.constant 0 : i32
        %parallel_loop3A_441 = arith.index_cast %parallel_loop3A_440 : i32 to index
        %parallel_loop3A_442 = arith.index_cast %parallel_loop3A_419 : i32 to index
        %parallel_loop3A_443 = arith.constant 32 : index
        %parallel_loop3A_444 = tpu.vector_load %arg10[%parallel_loop3A_441, %parallel_loop3A_442, %parallel_loop3A_443] {strides = array<i32>} : memref<2x128x128xf32, #tpu.memory_space<vmem>>, vector<16xf32>,
        %parallel_loop3A_445 = arith.constant 0 : i32
        %parallel_loop3A_446 = vector.broadcast %parallel_loop3A_445 : i32 to vector<16xi32>
        %parallel_loop3A_447 = arith.addi %parallel_loop3A_446, %parallel_loop3A_420 : vector<16xi32>
        %parallel_loop3A_448 = arith.mulf %parallel_loop3A_423, %parallel_loop3A_434 : vector<16xf32>
        %parallel_loop3A_449 = arith.mulf %parallel_loop3A_426, %parallel_loop3A_439 : vector<16xf32>
        %parallel_loop3A_450 = arith.addf %parallel_loop3A_448, %parallel_loop3A_449 : vector<16xf32>
        %parallel_loop3A_451 = arith.mulf %parallel_loop3A_429, %parallel_loop3A_444 : vector<16xf32>
        %parallel_loop3A_452 = arith.addf %parallel_loop3A_450, %parallel_loop3A_451 : vector<16xf32>
        tpu.vector_store_idx %arg12[%broadcast_in_dim3A_357, %add3A_360, %parallel_loop3A_447], %parallel_loop3A_452 : memref<2x32x512xf32, #tpu.memory_space<vmem>>[vector<16xi32>, vector<16xi32>, vector<16xi32>], vector<16xf32>,
      } {sc.loop_unroll_factor = 8 : i64, sc.parallel_access}
      %broadcast_in_dim3A_364 = arith.constant 16 : i32
      %broadcast_in_dim3A_365 = vector.broadcast %broadcast_in_dim3A_364 : i32 to vector<16xi32>
      %add3A_366 = arith.addi %broadcast_in_dim3A_365, %iota3A : vector<16xi32>
      %parallel_loop3A_367 = arith.constant 0 : i32
      %parallel_loop3A_368 = arith.constant 128 : i32
      %parallel_loop3A_369 = arith.constant 1 : i32
      scf.for %parallel_loop3A_419 = %parallel_loop3A_367 to %parallel_loop3A_368 step %parallel_loop3A_369  : i32 {
        %parallel_loop3A_420 = vector.broadcast %parallel_loop3A_419 : i32 to vector<16xi32>
        %parallel_loop3A_421 = arith.constant 17 : i32
        %parallel_loop3A_422 = vector.broadcast %parallel_loop3A_421 : i32 to vector<16xi32>
        %parallel_loop3A_423 = tpu.vector_load_idx %arg9[%broadcast_in_dim3A_357, %parallel_loop3A_422, %parallel_loop3A_420] : memref<2x32x128xf32, #tpu.memory_space<vmem>>[vector<16xi32>, vector<16xi32>, vector<16xi32>], vector<16xf32>,
        %parallel_loop3A_424 = arith.constant 21 : i32
        %parallel_loop3A_425 = vector.broadcast %parallel_loop3A_424 : i32 to vector<16xi32>
        %parallel_loop3A_426 = tpu.vector_load_idx %arg9[%broadcast_in_dim3A_357, %parallel_loop3A_425, %parallel_loop3A_420] : memref<2x32x128xf32, #tpu.memory_space<vmem>>[vector<16xi32>, vector<16xi32>, vector<16xi32>], vector<16xf32>,
        %parallel_loop3A_427 = arith.constant 25 : i32
        %parallel_loop3A_428 = vector.broadcast %parallel_loop3A_427 : i32 to vector<16xi32>
        %parallel_loop3A_429 = tpu.vector_load_idx %arg9[%broadcast_in_dim3A_357, %parallel_loop3A_428, %parallel_loop3A_420] : memref<2x32x128xf32, #tpu.memory_space<vmem>>[vector<16xi32>, vector<16xi32>, vector<16xi32>], vector<16xf32>,
        %parallel_loop3A_430 = arith.constant 1 : i32
        %parallel_loop3A_431 = arith.index_cast %parallel_loop3A_430 : i32 to index
        %parallel_loop3A_432 = arith.index_cast %parallel_loop3A_419 : i32 to index
        %parallel_loop3A_433 = arith.constant 0 : index
        %parallel_loop3A_434 = tpu.vector_load %arg10[%parallel_loop3A_431, %parallel_loop3A_432, %parallel_loop3A_433] {strides = array<i32>} : memref<2x128x128xf32, #tpu.memory_space<vmem>>, vector<16xf32>,
        %parallel_loop3A_435 = arith.constant 1 : i32
        %parallel_loop3A_436 = arith.index_cast %parallel_loop3A_435 : i32 to index
        %parallel_loop3A_437 = arith.index_cast %parallel_loop3A_419 : i32 to index
        %parallel_loop3A_438 = arith.constant 16 : index
        %parallel_loop3A_439 = tpu.vector_load %arg10[%parallel_loop3A_436, %parallel_loop3A_437, %parallel_loop3A_438] {strides = array<i32>} : memref<2x128x128xf32, #tpu.memory_space<vmem>>, vector<16xf32>,
        %parallel_loop3A_440 = arith.constant 1 : i32
        %parallel_loop3A_441 = arith.index_cast %parallel_loop3A_440 : i32 to index
        %parallel_loop3A_442 = arith.index_cast %parallel_loop3A_419 : i32 to index
        %parallel_loop3A_443 = arith.constant 32 : index
        %parallel_loop3A_444 = tpu.vector_load %arg10[%parallel_loop3A_441, %parallel_loop3A_442, %parallel_loop3A_443] {strides = array<i32>} : memref<2x128x128xf32, #tpu.memory_space<vmem>>, vector<16xf32>,
        %parallel_loop3A_445 = arith.constant 128 : i32
        %parallel_loop3A_446 = vector.broadcast %parallel_loop3A_445 : i32 to vector<16xi32>
        %parallel_loop3A_447 = arith.addi %parallel_loop3A_446, %parallel_loop3A_420 : vector<16xi32>
        %parallel_loop3A_448 = arith.mulf %parallel_loop3A_423, %parallel_loop3A_434 : vector<16xf32>
        %parallel_loop3A_449 = arith.mulf %parallel_loop3A_426, %parallel_loop3A_439 : vector<16xf32>
        %parallel_loop3A_450 = arith.addf %parallel_loop3A_448, %parallel_loop3A_449 : vector<16xf32>
        %parallel_loop3A_451 = arith.mulf %parallel_loop3A_429, %parallel_loop3A_444 : vector<16xf32>
        %parallel_loop3A_452 = arith.addf %parallel_loop3A_450, %parallel_loop3A_451 : vector<16xf32>
        tpu.vector_store_idx %arg12[%broadcast_in_dim3A_357, %add3A_366, %parallel_loop3A_447], %parallel_loop3A_452 : memref<2x32x512xf32, #tpu.memory_space<vmem>>[vector<16xi32>, vector<16xi32>, vector<16xi32>], vector<16xf32>,
      } {sc.loop_unroll_factor = 8 : i64, sc.parallel_access}
      %dma_wait3A_370 = arith.constant 6 : i32
      %dma_wait3A_371 = arith.constant 0 : i32
      %dma_wait3A_372 = arith.constant 0 : i32
      %dma_wait3A_373 = arith.constant 0 : i32
      %dma_wait3A_374 = tpu.memref_slice %arg11[%dma_wait3A_371, %dma_wait3A_372, %dma_wait3A_373] : memref<2x128x128xf32, #tpu.memory_space<vmem>> -> memref<1x128x128xf32, #tpu.memory_space<vmem>>
      %dma_wait3A_375 = tpu.memref_squeeze %dma_wait3A_374 : memref<1x128x128xf32, #tpu.memory_space<vmem>> -> memref<128x128xf32, #tpu.memory_space<vmem>>
      %dma_wait3A_376 = arith.constant 0 : i32
      %dma_wait3A_377 = tpu.memref_slice %arg8[%and3A_132, %dma_wait3A_370, %dma_wait3A_376] : memref<2x16x128xi32, #tpu.memory_space<vmem>> -> memref<1x1x128xi32, #tpu.memory_space<vmem>>
      %dma_wait3A_378 = tpu.memref_squeeze %dma_wait3A_377 : memref<1x1x128xi32, #tpu.memory_space<vmem>> -> memref<128xi32, #tpu.memory_space<vmem>>
      %dma_wait3A_379 = arith.constant 0 : i32
      %dma_wait3A_380 = arith.constant 0 : i32
      %dma_wait3A_381 = tpu.memref_slice %arg4[%dma_wait3A_379, %dma_wait3A_380] : memref<100000x128xf32, #tpu.memory_space<hbm>> -> memref<100000x128xf32, #tpu.memory_space<hbm>>
      tpu.wait_indirect_dma semaphore(%arg15 : memref<!tpu.dma_semaphore, #tpu.memory_space<semaphore_mem>>) src(%dma_wait3A_381 : memref<100000x128xf32, #tpu.memory_space<hbm>>) dst(%dma_wait3A_375 : memref<128x128xf32, #tpu.memory_space<vmem>>)
      %dma_wait3A_382 = arith.constant 7 : i32
      %dma_wait3A_383 = arith.constant 1 : i32
      %dma_wait3A_384 = arith.constant 0 : i32
      %dma_wait3A_385 = arith.constant 0 : i32
      %dma_wait3A_386 = tpu.memref_slice %arg11[%dma_wait3A_383, %dma_wait3A_384, %dma_wait3A_385] : memref<2x128x128xf32, #tpu.memory_space<vmem>> -> memref<1x128x128xf32, #tpu.memory_space<vmem>>
      %dma_wait3A_387 = tpu.memref_squeeze %dma_wait3A_386 : memref<1x128x128xf32, #tpu.memory_space<vmem>> -> memref<128x128xf32, #tpu.memory_space<vmem>>
      %dma_wait3A_388 = arith.constant 0 : i32
      %dma_wait3A_389 = tpu.memref_slice %arg8[%and3A_132, %dma_wait3A_382, %dma_wait3A_388] : memref<2x16x128xi32, #tpu.memory_space<vmem>> -> memref<1x1x128xi32, #tpu.memory_space<vmem>>
      %dma_wait3A_390 = tpu.memref_squeeze %dma_wait3A_389 : memref<1x1x128xi32, #tpu.memory_space<vmem>> -> memref<128xi32, #tpu.memory_space<vmem>>
      %dma_wait3A_391 = arith.constant 0 : i32
      %dma_wait3A_392 = arith.constant 0 : i32
      %dma_wait3A_393 = tpu.memref_slice %arg4[%dma_wait3A_391, %dma_wait3A_392] : memref<100000x128xf32, #tpu.memory_space<hbm>> -> memref<100000x128xf32, #tpu.memory_space<hbm>>
      tpu.wait_indirect_dma semaphore(%arg15 : memref<!tpu.dma_semaphore, #tpu.memory_space<semaphore_mem>>) src(%dma_wait3A_393 : memref<100000x128xf32, #tpu.memory_space<hbm>>) dst(%dma_wait3A_387 : memref<128x128xf32, #tpu.memory_space<vmem>>)
      %broadcast_in_dim3A_394 = vector.broadcast %and3A_132 : i32 to vector<16xi32>
      %broadcast_in_dim3A_395 = arith.constant 16 : i32
      %broadcast_in_dim3A_396 = vector.broadcast %broadcast_in_dim3A_395 : i32 to vector<16xi32>
      %add3A_397 = arith.addi %broadcast_in_dim3A_396, %iota3A : vector<16xi32>
      %parallel_loop3A_398 = arith.constant 0 : i32
      %parallel_loop3A_399 = arith.constant 128 : i32
      %parallel_loop3A_400 = arith.constant 1 : i32
      scf.for %parallel_loop3A_419 = %parallel_loop3A_398 to %parallel_loop3A_399 step %parallel_loop3A_400  : i32 {
        %parallel_loop3A_420 = vector.broadcast %parallel_loop3A_419 : i32 to vector<16xi32>
        %parallel_loop3A_421 = arith.constant 18 : i32
        %parallel_loop3A_422 = vector.broadcast %parallel_loop3A_421 : i32 to vector<16xi32>
        %parallel_loop3A_423 = tpu.vector_load_idx %arg9[%broadcast_in_dim3A_394, %parallel_loop3A_422, %parallel_loop3A_420] : memref<2x32x128xf32, #tpu.memory_space<vmem>>[vector<16xi32>, vector<16xi32>, vector<16xi32>], vector<16xf32>,
        %parallel_loop3A_424 = arith.constant 22 : i32
        %parallel_loop3A_425 = vector.broadcast %parallel_loop3A_424 : i32 to vector<16xi32>
        %parallel_loop3A_426 = tpu.vector_load_idx %arg9[%broadcast_in_dim3A_394, %parallel_loop3A_425, %parallel_loop3A_420] : memref<2x32x128xf32, #tpu.memory_space<vmem>>[vector<16xi32>, vector<16xi32>, vector<16xi32>], vector<16xf32>,
        %parallel_loop3A_427 = arith.constant 26 : i32
        %parallel_loop3A_428 = vector.broadcast %parallel_loop3A_427 : i32 to vector<16xi32>
        %parallel_loop3A_429 = tpu.vector_load_idx %arg9[%broadcast_in_dim3A_394, %parallel_loop3A_428, %parallel_loop3A_420] : memref<2x32x128xf32, #tpu.memory_space<vmem>>[vector<16xi32>, vector<16xi32>, vector<16xi32>], vector<16xf32>,
        %parallel_loop3A_430 = arith.constant 0 : i32
        %parallel_loop3A_431 = arith.index_cast %parallel_loop3A_430 : i32 to index
        %parallel_loop3A_432 = arith.index_cast %parallel_loop3A_419 : i32 to index
        %parallel_loop3A_433 = arith.constant 0 : index
        %parallel_loop3A_434 = tpu.vector_load %arg11[%parallel_loop3A_431, %parallel_loop3A_432, %parallel_loop3A_433] {strides = array<i32>} : memref<2x128x128xf32, #tpu.memory_space<vmem>>, vector<16xf32>,
        %parallel_loop3A_435 = arith.constant 0 : i32
        %parallel_loop3A_436 = arith.index_cast %parallel_loop3A_435 : i32 to index
        %parallel_loop3A_437 = arith.index_cast %parallel_loop3A_419 : i32 to index
        %parallel_loop3A_438 = arith.constant 16 : index
        %parallel_loop3A_439 = tpu.vector_load %arg11[%parallel_loop3A_436, %parallel_loop3A_437, %parallel_loop3A_438] {strides = array<i32>} : memref<2x128x128xf32, #tpu.memory_space<vmem>>, vector<16xf32>,
        %parallel_loop3A_440 = arith.constant 0 : i32
        %parallel_loop3A_441 = arith.index_cast %parallel_loop3A_440 : i32 to index
        %parallel_loop3A_442 = arith.index_cast %parallel_loop3A_419 : i32 to index
        %parallel_loop3A_443 = arith.constant 32 : index
        %parallel_loop3A_444 = tpu.vector_load %arg11[%parallel_loop3A_441, %parallel_loop3A_442, %parallel_loop3A_443] {strides = array<i32>} : memref<2x128x128xf32, #tpu.memory_space<vmem>>, vector<16xf32>,
        %parallel_loop3A_445 = arith.constant 256 : i32
        %parallel_loop3A_446 = vector.broadcast %parallel_loop3A_445 : i32 to vector<16xi32>
        %parallel_loop3A_447 = arith.addi %parallel_loop3A_446, %parallel_loop3A_420 : vector<16xi32>
        %parallel_loop3A_448 = arith.mulf %parallel_loop3A_423, %parallel_loop3A_434 : vector<16xf32>
        %parallel_loop3A_449 = arith.mulf %parallel_loop3A_426, %parallel_loop3A_439 : vector<16xf32>
        %parallel_loop3A_450 = arith.addf %parallel_loop3A_448, %parallel_loop3A_449 : vector<16xf32>
        %parallel_loop3A_451 = arith.mulf %parallel_loop3A_429, %parallel_loop3A_444 : vector<16xf32>
        %parallel_loop3A_452 = arith.addf %parallel_loop3A_450, %parallel_loop3A_451 : vector<16xf32>
        tpu.vector_store_idx %arg12[%broadcast_in_dim3A_394, %add3A_397, %parallel_loop3A_447], %parallel_loop3A_452 : memref<2x32x512xf32, #tpu.memory_space<vmem>>[vector<16xi32>, vector<16xi32>, vector<16xi32>], vector<16xf32>,
      } {sc.loop_unroll_factor = 8 : i64, sc.parallel_access}
      %broadcast_in_dim3A_401 = arith.constant 16 : i32
      %broadcast_in_dim3A_402 = vector.broadcast %broadcast_in_dim3A_401 : i32 to vector<16xi32>
      %add3A_403 = arith.addi %broadcast_in_dim3A_402, %iota3A : vector<16xi32>
      %parallel_loop3A_404 = arith.constant 0 : i32
      %parallel_loop3A_405 = arith.constant 128 : i32
      %parallel_loop3A_406 = arith.constant 1 : i32
      scf.for %parallel_loop3A_419 = %parallel_loop3A_404 to %parallel_loop3A_405 step %parallel_loop3A_406  : i32 {
        %parallel_loop3A_420 = vector.broadcast %parallel_loop3A_419 : i32 to vector<16xi32>
        %parallel_loop3A_421 = arith.constant 19 : i32
        %parallel_loop3A_422 = vector.broadcast %parallel_loop3A_421 : i32 to vector<16xi32>
        %parallel_loop3A_423 = tpu.vector_load_idx %arg9[%broadcast_in_dim3A_394, %parallel_loop3A_422, %parallel_loop3A_420] : memref<2x32x128xf32, #tpu.memory_space<vmem>>[vector<16xi32>, vector<16xi32>, vector<16xi32>], vector<16xf32>,
        %parallel_loop3A_424 = arith.constant 23 : i32
        %parallel_loop3A_425 = vector.broadcast %parallel_loop3A_424 : i32 to vector<16xi32>
        %parallel_loop3A_426 = tpu.vector_load_idx %arg9[%broadcast_in_dim3A_394, %parallel_loop3A_425, %parallel_loop3A_420] : memref<2x32x128xf32, #tpu.memory_space<vmem>>[vector<16xi32>, vector<16xi32>, vector<16xi32>], vector<16xf32>,
        %parallel_loop3A_427 = arith.constant 27 : i32
        %parallel_loop3A_428 = vector.broadcast %parallel_loop3A_427 : i32 to vector<16xi32>
        %parallel_loop3A_429 = tpu.vector_load_idx %arg9[%broadcast_in_dim3A_394, %parallel_loop3A_428, %parallel_loop3A_420] : memref<2x32x128xf32, #tpu.memory_space<vmem>>[vector<16xi32>, vector<16xi32>, vector<16xi32>], vector<16xf32>,
        %parallel_loop3A_430 = arith.constant 1 : i32
        %parallel_loop3A_431 = arith.index_cast %parallel_loop3A_430 : i32 to index
        %parallel_loop3A_432 = arith.index_cast %parallel_loop3A_419 : i32 to index
        %parallel_loop3A_433 = arith.constant 0 : index
        %parallel_loop3A_434 = tpu.vector_load %arg11[%parallel_loop3A_431, %parallel_loop3A_432, %parallel_loop3A_433] {strides = array<i32>} : memref<2x128x128xf32, #tpu.memory_space<vmem>>, vector<16xf32>,
        %parallel_loop3A_435 = arith.constant 1 : i32
        %parallel_loop3A_436 = arith.index_cast %parallel_loop3A_435 : i32 to index
        %parallel_loop3A_437 = arith.index_cast %parallel_loop3A_419 : i32 to index
        %parallel_loop3A_438 = arith.constant 16 : index
        %parallel_loop3A_439 = tpu.vector_load %arg11[%parallel_loop3A_436, %parallel_loop3A_437, %parallel_loop3A_438] {strides = array<i32>} : memref<2x128x128xf32, #tpu.memory_space<vmem>>, vector<16xf32>,
        %parallel_loop3A_440 = arith.constant 1 : i32
        %parallel_loop3A_441 = arith.index_cast %parallel_loop3A_440 : i32 to index
        %parallel_loop3A_442 = arith.index_cast %parallel_loop3A_419 : i32 to index
        %parallel_loop3A_443 = arith.constant 32 : index
        %parallel_loop3A_444 = tpu.vector_load %arg11[%parallel_loop3A_441, %parallel_loop3A_442, %parallel_loop3A_443] {strides = array<i32>} : memref<2x128x128xf32, #tpu.memory_space<vmem>>, vector<16xf32>,
        %parallel_loop3A_445 = arith.constant 384 : i32
        %parallel_loop3A_446 = vector.broadcast %parallel_loop3A_445 : i32 to vector<16xi32>
        %parallel_loop3A_447 = arith.addi %parallel_loop3A_446, %parallel_loop3A_420 : vector<16xi32>
        %parallel_loop3A_448 = arith.mulf %parallel_loop3A_423, %parallel_loop3A_434 : vector<16xf32>
        %parallel_loop3A_449 = arith.mulf %parallel_loop3A_426, %parallel_loop3A_439 : vector<16xf32>
        %parallel_loop3A_450 = arith.addf %parallel_loop3A_448, %parallel_loop3A_449 : vector<16xf32>
        %parallel_loop3A_451 = arith.mulf %parallel_loop3A_429, %parallel_loop3A_444 : vector<16xf32>
        %parallel_loop3A_452 = arith.addf %parallel_loop3A_450, %parallel_loop3A_451 : vector<16xf32>
        tpu.vector_store_idx %arg12[%broadcast_in_dim3A_394, %add3A_403, %parallel_loop3A_447], %parallel_loop3A_452 : memref<2x32x512xf32, #tpu.memory_space<vmem>>[vector<16xi32>, vector<16xi32>, vector<16xi32>], vector<16xf32>,
      } {sc.loop_unroll_factor = 8 : i64, sc.parallel_access}
      %dma_start3A_407 = arith.constant 0 : i32
      %dma_start3A_408 = arith.constant 0 : i32
      %dma_start3A_409 = tpu.memref_slice %arg12[%and3A_132, %dma_start3A_407, %dma_start3A_408] : memref<2x32x512xf32, #tpu.memory_space<vmem>> -> memref<1x32x512xf32, #tpu.memory_space<vmem>>
      %dma_start3A_410 = tpu.memref_squeeze %dma_start3A_409 : memref<1x32x512xf32, #tpu.memory_space<vmem>> -> memref<32x512xf32, #tpu.memory_space<vmem>>
      %dma_start3A_411 = arith.constant 0 : i32
      %dma_start3A_412 = tpu.memref_slice %arg5[%multiple_of3A, %dma_start3A_411] : memref<32768x512xf32, #tpu.memory_space<hbm>> -> memref<32x512xf32, #tpu.memory_space<hbm>>
      %dma_start3A_413 = arith.constant 0 : i32
      %dma_start3A_414 = tpu.memref_slice %arg5[%multiple_of3A, %dma_start3A_413] : memref<32768x512xf32, #tpu.memory_space<hbm>> -> memref<32x512xf32, #tpu.memory_space<hbm>>
      %dma_start3A_415 = arith.constant 0 : i32
      %dma_start3A_416 = arith.constant 0 : i32
      %dma_start3A_417 = tpu.memref_slice %arg12[%and3A_132, %dma_start3A_415, %dma_start3A_416] : memref<2x32x512xf32, #tpu.memory_space<vmem>> -> memref<1x32x512xf32, #tpu.memory_space<vmem>>
      %dma_start3A_418 = tpu.memref_squeeze %dma_start3A_417 : memref<1x32x512xf32, #tpu.memory_space<vmem>> -> memref<32x512xf32, #tpu.memory_space<vmem>>
      tpu.enqueue_dma source(%dma_start3A_418 : memref<32x512xf32, #tpu.memory_space<vmem>>) target(%dma_start3A_414 : memref<32x512xf32, #tpu.memory_space<hbm>>) target_semaphore(%arg16 : memref<!tpu.dma_semaphore, #tpu.memory_space<semaphore_mem>>)
    }
    %scan3A_88 = arith.constant 32 : i32
    %dma_wait3A = arith.constant 0 : i32
    %dma_wait3A_89 = arith.constant 0 : i32
    %dma_wait3A_90 = arith.constant 0 : i32
    %dma_wait3A_91 = tpu.memref_slice %arg12[%dma_wait3A, %dma_wait3A_89, %dma_wait3A_90] : memref<2x32x512xf32, #tpu.memory_space<vmem>> -> memref<1x32x512xf32, #tpu.memory_space<vmem>>
    %dma_wait3A_92 = tpu.memref_squeeze %dma_wait3A_91 : memref<1x32x512xf32, #tpu.memory_space<vmem>> -> memref<32x512xf32, #tpu.memory_space<vmem>>
    %dma_wait3A_93 = arith.constant 0 : i32
    %dma_wait3A_94 = arith.constant 0 : i32
    %dma_wait3A_95 = tpu.memref_slice %arg5[%dma_wait3A_93, %dma_wait3A_94] : memref<32768x512xf32, #tpu.memory_space<hbm>> -> memref<32x512xf32, #tpu.memory_space<hbm>>
    %dma_wait3A_96 = arith.constant 0 : i32
    %dma_wait3A_97 = arith.constant 0 : i32
    %dma_wait3A_98 = tpu.memref_slice %arg5[%dma_wait3A_96, %dma_wait3A_97] : memref<32768x512xf32, #tpu.memory_space<hbm>> -> memref<32x512xf32, #tpu.memory_space<hbm>>
    %dma_wait3A_99 = arith.constant 0 : i32
    %dma_wait3A_100 = arith.constant 0 : i32
    %dma_wait3A_101 = tpu.memref_slice %arg12[%dma_wait3A, %dma_wait3A_99, %dma_wait3A_100] : memref<2x32x512xf32, #tpu.memory_space<vmem>> -> memref<1x32x512xf32, #tpu.memory_space<vmem>>
    %dma_wait3A_102 = tpu.memref_squeeze %dma_wait3A_101 : memref<1x32x512xf32, #tpu.memory_space<vmem>> -> memref<32x512xf32, #tpu.memory_space<vmem>>
    tpu.wait_dma2 semaphore(%arg16 : memref<!tpu.dma_semaphore, #tpu.memory_space<semaphore_mem>>) src(%dma_wait3A_102 : memref<32x512xf32, #tpu.memory_space<vmem>>) dst(%dma_wait3A_98 : memref<32x512xf32, #tpu.memory_space<hbm>>)
    %dma_wait3A_103 = arith.constant 0 : i32
    %dma_wait3A_104 = arith.constant 0 : i32
    %dma_wait3A_105 = arith.constant 0 : i32
    %dma_wait3A_106 = tpu.memref_slice %arg12[%dma_wait3A_103, %dma_wait3A_104, %dma_wait3A_105] : memref<2x32x512xf32, #tpu.memory_space<vmem>> -> memref<1x32x512xf32, #tpu.memory_space<vmem>>
    %dma_wait3A_107 = tpu.memref_squeeze %dma_wait3A_106 : memref<1x32x512xf32, #tpu.memory_space<vmem>> -> memref<32x512xf32, #tpu.memory_space<vmem>>
    %dma_wait3A_108 = arith.constant 0 : i32
    %dma_wait3A_109 = arith.constant 0 : i32
    %dma_wait3A_110 = tpu.memref_slice %arg5[%dma_wait3A_108, %dma_wait3A_109] : memref<32768x512xf32, #tpu.memory_space<hbm>> -> memref<32x512xf32, #tpu.memory_space<hbm>>
    %dma_wait3A_111 = arith.constant 0 : i32
    %dma_wait3A_112 = arith.constant 0 : i32
    %dma_wait3A_113 = tpu.memref_slice %arg5[%dma_wait3A_111, %dma_wait3A_112] : memref<32768x512xf32, #tpu.memory_space<hbm>> -> memref<32x512xf32, #tpu.memory_space<hbm>>
    %dma_wait3A_114 = arith.constant 0 : i32
    %dma_wait3A_115 = arith.constant 0 : i32
    %dma_wait3A_116 = tpu.memref_slice %arg12[%dma_wait3A_103, %dma_wait3A_114, %dma_wait3A_115] : memref<2x32x512xf32, #tpu.memory_space<vmem>> -> memref<1x32x512xf32, #tpu.memory_space<vmem>>
    %dma_wait3A_117 = tpu.memref_squeeze %dma_wait3A_116 : memref<1x32x512xf32, #tpu.memory_space<vmem>> -> memref<32x512xf32, #tpu.memory_space<vmem>>
    tpu.wait_dma2 semaphore(%arg16 : memref<!tpu.dma_semaphore, #tpu.memory_space<semaphore_mem>>) src(%dma_wait3A_117 : memref<32x512xf32, #tpu.memory_space<vmem>>) dst(%dma_wait3A_113 : memref<32x512xf32, #tpu.memory_space<hbm>>)
    return
  }
}

</mosaic_0001>

<sc_bundles>
// kernel: _run.3.cloned.1.call-start
scs
__scs_entry_jumppad:
0x0: {  	(pc) =	sbr.rel $0x88, $3  }
0x1: {  	(tag) =	ssettag $0x0;
	lr =	simm.s32 $0x1  }
0x2: {  	[smem:$0x3F9E] =	sst lr;
	_ =	strace $0xD0000000  }
0x3: {  	_ = 	snop  }
0x4: {  	_ = 	snop  }
0x5: {  	_ = 	snop  }
0x6: {  	_ = 	snop  }
0x7: {  	_ = 	snop  }
__scs_overlays_trampoline_lowered:
0x8: {  	[smem:$0x3FAD] =	sst s0  }
0x9: {  	[smem:$0x3FAE] =	sst s1  }
0xa: {  	[smem:$0x3FAF] =	sst s2  }
0xb: {  	[smem:$0x3FB0] =	sst s3  }
0xc: {  	[smem:$0x3FB1] =	sst s4  }
0xd: {  	[smem:$0x3FB2] =	sst s5  }
0xe: {  	[smem:$0x3FB3] =	sst s6  }
0xf: {  	[smem:$0x3FB4] =	sst s7  }
0x10: {  	[smem:$0x3FB5] =	sst s8  }
0x11: {  	[smem:$0x3FB6] =	sst s9;
	s0 =	simm.s32 @!p0 $0x0  }
0x12: {  	s1 =	sld [smem:$0x3F9C];
	s0 =	simm.s32 @p0 $0x1  }
0x13: {  	[smem:$0x3FB7] =	sst s0;
	s0 =	simm.s32 @!p1 $0x0  }
0x14: {  	s2 =	sld [smem:$0x3F9B];
	s0 =	simm.s32 @p1 $0x1  }
0x15: {  	[smem:$0x3FB8] =	sst s0;
	s0 =	simm.s32 @!p2 $0x0  }
0x16: {  	s3 =	sld [smem:$0x3FDB];
	s0 =	simm.s32 @p2 $0x1  }
0x17: {  	s4 =	simm.s32 $0x1BF5;
	[smem:$0x3FBA] =	sst s0  }
0x18: {  	s0 =	sld [smem:$0x3F9D];
	_ =	swait.ge [sflag:s4], $0x0  }
0x19: {  	s7 =	sld [smem:$0x3F9E]  }
0x1a: {  	s8 =	sadd.s32 $0xFFFFE003, lr  }
0x1b: {  	s9 =	sadd.s32 $0xFFFFFEF7, lr;
	s5 =	simm.s32 $0xFFFFFFFF;
	p2 =	slt.u32 s8, $0xFFFFF086  }
0x1c: {  	p1 =	slt.u32 s9, $0xF7A;
	s5 =	simm.s32 @!p2 $0x0  }
0x1d: {  	s5 =	simm.s32 @p1 $0x1;
	p0 =	seq.s32 s7, s2  }
0x1e: {  	s7 =	smul.u32 @!p0 $0xF7A, s2;
	p2 =	seq.s32 @!p0 s5, $0x0  }
0x1f: {  	s9 =	smul.u32 $0xF7A, s1;
	s8 =	simm.s32 @!p0 $0x1BF5;
	p2 =	por !p2, p0  }
0x20: {  	[sflag:s8] =	ssyncset.s32 @!p0 $0xFFFFF086;
	s6 =	sadd.s32 @!p0 s3, s7;
	s7 =	simm.s32 @!p0 $0x108  }
0x21: {  	s3 =	sadd.s32 s3, s9;
	s6 =	sadd.s32 @!p0 $0x88, s6;
	s7 =	simm.s32 @p2 $0x1082  }
0x22: {  	[simem:s7], [sflag:s8] =	dma.local @!p0 [hbm:s6], $0xF7A  }
0x23: {  	s9 =	sor.u32 $0xD0000000, s2;
	s6 =	simm.s32 $0x108;
	_ =	swait.ge @!p0 [sflag:s8], $0x0  }
0x24: {  	s3 =	sadd.s32 $0x88, s3;
	s6 =	simm.s32 @!p1 $0x1082;
	[sflag:s4] =	ssyncset.s32 $0xFFFFF086  }
0x25: {  	[simem:s6], [sflag:s4] =	dma.local [hbm:s3], $0xF7A  }
0x26: {  	[smem:$0x3F9E] =	sst s1;
	(tag) =	ssettag s2;
	_ =	strace s9  }
0x27: {  	s1 =	sld [smem:$0x3FAE]  }
0x28: {  	s2 =	sld [smem:$0x3FAF]  }
0x29: {  	s4 =	sld [smem:$0x3FB1]  }
0x2a: {  	p0 =	seq.s32 s5, $0x0;
	s5 =	sld [smem:$0x3FB2]  }
0x2b: {  	s6 =	sld [smem:$0x3FB3]  }
0x2c: {  	s7 =	sld [smem:$0x3FB4]  }
0x2d: {  	s3 =	simm.s32 $0x108;
	s8 =	sld [smem:$0x3FB5]  }
0x2e: {  	s3 =	simm.s32 @!p0 $0x1082;
	s9 =	sld [smem:$0x3FB6]  }
0x2f: {  	lr =	sadd.s32 s0, s3;
	s0 =	sld [smem:$0x3FAD]  }
0x30: {  	s3 =	sld [smem:$0x3FB0]  }
0x31: {  	[smem:$0x3FB9] =	sst s10  }
0x32: {  	s10 =	sld [smem:$0x3FB7];
	_ =	sdelay $0x3  }
0x33: {  	p0 =	seq.s32 s10, $0x1;
	s10 =	sld [smem:$0x3FB9];
	_ =	sdelay $0x3  }
0x34: {  	[smem:$0x3FB9] =	sst s10  }
0x35: {  	s10 =	sld [smem:$0x3FB8];
	_ =	sdelay $0x3  }
0x36: {  	p1 =	seq.s32 s10, $0x1;
	s10 =	sld [smem:$0x3FB9];
	_ =	sdelay $0x3  }
0x37: {  	[smem:$0x3FB9] =	sst s10  }
0x38: {  	s10 =	sld [smem:$0x3FBA]  }
0x39: {  	_ = 	snop;
	(pc) =	sbr.ind lr, $3  }
0x3a: {  	_ = 	snop  }
0x3b: {  	_ = 	snop  }
0x3c: {  	p2 =	seq.s32 s10, $0x1;
	s10 =	sld [smem:$0x3FB9]  }
0x3d: {  	_ =	shalt  }
0x3e: {  	_ =	shalt  }
0x3f: {  	_ =	shalt  }
0x40: {  	_ =	shalt  }
0x41: {  	_ =	shalt  }
0x42: {  	_ =	shalt  }
0x43: {  	_ =	shalt  }
0x44: {  	_ =	shalt  }
0x45: {  	_ =	shalt  }
0x46: {  	_ =	shalt  }
0x47: {  	_ =	shalt  }
0x48: {  	_ =	shalt  }
0x49: {  	_ =	shalt  }
0x4a: {  	_ =	shalt  }
0x4b: {  	_ =	shalt  }
0x4c: {  	_ =	shalt  }
0x4d: {  	_ =	shalt  }
0x4e: {  	_ =	shalt  }
0x4f: {  	_ =	shalt  }
0x50: {  	_ =	shalt  }
0x51: {  	_ =	shalt  }
0x52: {  	_ =	shalt  }
0x53: {  	_ =	shalt  }
0x54: {  	_ =	shalt  }
0x55: {  	_ =	shalt  }
0x56: {  	_ =	shalt  }
0x57: {  	_ =	shalt  }
0x58: {  	_ =	shalt  }
0x59: {  	_ =	shalt  }
0x5a: {  	_ =	shalt  }
0x5b: {  	_ =	shalt  }
0x5c: {  	_ =	shalt  }
0x5d: {  	_ =	shalt  }
0x5e: {  	_ =	shalt  }
0x5f: {  	_ =	shalt  }
0x60: {  	_ =	shalt  }
0x61: {  	_ =	shalt  }
0x62: {  	_ =	shalt  }
0x63: {  	_ =	shalt  }
0x64: {  	_ =	shalt  }
0x65: {  	_ =	shalt  }
0x66: {  	_ =	shalt  }
0x67: {  	_ =	shalt  }
0x68: {  	_ =	shalt  }
0x69: {  	_ =	shalt  }
0x6a: {  	_ =	shalt  }
0x6b: {  	_ =	shalt  }
0x6c: {  	_ =	shalt  }
0x6d: {  	_ =	shalt  }
0x6e: {  	_ =	shalt  }
0x6f: {  	_ =	shalt  }
0x70: {  	_ =	shalt  }
0x71: {  	_ =	shalt  }
0x72: {  	_ =	shalt  }
0x73: {  	_ =	shalt  }
0x74: {  	_ =	shalt  }
0x75: {  	_ =	shalt  }
0x76: {  	_ =	shalt  }
0x77: {  	_ =	shalt  }
0x78: {  	_ =	shalt  }
0x79: {  	_ =	shalt  }
0x7a: {  	_ =	shalt  }
0x7b: {  	_ =	shalt  }
0x7c: {  	_ =	shalt  }
0x7d: {  	_ =	shalt  }
0x7e: {  	_ =	shalt  }
0x7f: {  	_ =	shalt  }
0x80: {  	_ =	shalt  }
0x81: {  	_ =	shalt  }
0x82: {  	_ =	shalt  }
0x83: {  	_ =	shalt  }
0x84: {  	_ =	shalt  }
0x85: {  	_ =	shalt  }
0x86: {  	_ =	shalt  }
0x87: {  	_ =	shalt  }
.Lfunc_end0:
.L_simem_size_0:
called_computation_lowered:
.L_overlay_start_0:
0x88: {  	s2 =	sld [smem:$0x3FD9]  }
0x89: {  	s3 =	sld [smem:$0x3FFE];
	_ =	sdelay $0x1  }
0x8a: {  	s1 =	srdreg.scid  }
0x8b: {  	s0 =	sand.u32 $0x1, s1  }
0x8c: {  	s18 =	sshll.u32 s0, $0xA;
	s2 =	sadd.s32 s3, s2  }
0x8d: {  	s2 =	sadd.s32 s2, s18  }
0x8e: {  	[smem:$0x3FC5] =	sst s2  }
0x8f: {  	_ = 	snop  }
0x90: {  	s2 =	sld [smem:$0x3FC9]  }
0x91: {  	s19 =	sld [smem:$0x3FC8]  }
0x92: {  	s4 =	sld [smem:$0x3FC7]  }
0x93: {  	s5 =	sld [smem:$0x3FD0];
	(tm) =	ssettm $0x1  }
0x94: {  	s6 =	sld [smem:$0x3FFB];
	_ =	sdelay $0x3  }
0x95: {  	_ =	strace s6  }
0x96: {  	s6 =	sld [smem:$0x3FFC];
	_ =	sdelay $0x3  }
0x97: {  	_ =	strace s6  }
0x98: {  	s6 =	sld [smem:$0x3FFD];
	_ =	sdelay $0x3  }
0x99: {  	_ =	strace s6  }
0x9a: {  	_ =	strace $0x8FFFFFFF  }
0x9b: {  	s20 =	sld [smem:$0x3FDB];
	_ =	sdelay $0x1  }
0x9c: {  	s7 =	simm.s32 $_scs_section_size  }
0x9d: {  	s8 =	simm.s32 $_size__tile_overlayer_lowered;
	s9 =	simm.s32 $_tile_overlayer_lowered  }
0x9e: {  	s23 =	simm.s32 $0x1BFF;
	s22 =	sshll.u32 s9, $0x1;
	s6 =	sadd.s32 s7, s20  }
0x9f: {  	s10 =	simm.s32 $0x0;
	s21 =	sshll.u32 s8, $0x1;
	s8 =	sadd.s32 s22, s6  }
0xa0: {  	[timem:s10], [sflag:s23] =	dma.local [hbm:s8], s21  }
0xa1: {  	_ =	swait.ge [sflag:s23], s21  }
0xa2: {  	s7 =	ssub.s32 $0x0, s21;
	[sflag:s23] =	ssyncset.done $0x0  }
0xa3: {  	[sflag:s23] =	ssyncadd.s32 s7;
	_ =	sdelay $0x1  }
0xa4: {  	s24 =	simm.s32 $0x1B8B  }
0xa5: {  	_ =	swait.ge [sflag:s24], $0x1  }
0xa6: {  	[sflag:s24] =	ssyncset.done $0x0  }
0xa7: {  	s25 =	simm.s32 $0x1B8E;
	[sflag:s24] =	ssyncadd.s32 $0xFFFFFFFF  }
0xa8: {  	s26 =	simm.s32 $execute0_lowered;
	[smem:$0x3FD2] =	sst s25  }
0xa9: {  	s7 =	sshll.u32 s26, $0x1;
	_ =	strace $0x80000046;
	[dreg:$0x1] =	wrdreg $0xFFFFFFFF  }
0xaa: {  	s28 =	simm.s32 $_size_execute0_lowered;
	s6 =	sadd.s32 s6, s7;
	[dreg:$0x0] =	wrdreg $0x0  }
0xab: {  	s7 =	sshll.u32 s28, $0x1;
	[dreg:$0x2] =	wrdreg s6  }
0xac: {  	[dreg:$0x3] =	wrdreg s7  }
0xad: {  	[dreg:$0x4] =	wrdreg $0xC0  }
0xae: {  	_ =	task [dreg:s10], $0x5FFFF  }
0xaf: {  	[dreg:$0x1] =	wrdreg $0xFFFFFFFF  }
0xb0: {  	[dreg:$0x0] =	wrdreg $0x60  }
0xb1: {  	[dreg:$0x2] =	wrdreg s2  }
0xb2: {  	[dreg:$0x3] =	wrdreg s19  }
0xb3: {  	[dreg:$0x4] =	wrdreg s4  }
0xb4: {  	[dreg:$0x5] =	wrdreg s5  }
0xb5: {  	[dreg:$0x6] =	wrdreg $0x9  }
0xb6: {  	_ =	task.clear_ibuf [dreg:s10], $0x7FFFF;
	_ =	strace $0x90000046  }
0xb7: {  	s29 =	simm.s32 $0x9;
	_ =	strace $0x80000048  }
0xb8: {  	_ =	swait.ge [sflag:s29], $0x1  }
0xb9: {  	[sflag:s29] =	ssyncadd.s32 $0xFFFFFFFF  }
0xba: {  	_ =	strace $0x90000048  }
0xbb: {  	_ =	sfence  }
0xbc: {  	s30 =	sld [smem:$0x0];
	_ =	sdelay $0x2  }
0xbd: {  	s31 =	sshll.u32 s1, $0xD;
	s1 =	sshrl.u32 s1, $0x2  }
0xbe: {  	s3 =	sand.u32 $0x4000, s31;
	s1 =	sadd.s32 s1, s30  }
0xbf: {  	s0 =	sor.u32 s3, s0;
	s1 =	sshll.u32 s1, $0x11  }
0xc0: {  	s0 =	sor.u32 s1, s0  }
0xc1: {  	s0 =	sadd.s32 $0x8F2B, s0  }
0xc2: {  	[sflag:s0] =	ssyncadd.remote.s32 $0x1  }
0xc3: {  	_ =	sfence.sel $0xFFFF  }
0xc4: {  	[dreg:$0x0] =	wrdreg $0xFFFFFFFF;
	(pc) =	sbr.abs _section_cstart, $3  }
0xc5: {  	[dreg:$0x1] =	wrdreg $0xFFFFFFFF  }
0xc6: {  	_ =	task.clear_ibuf [dreg:s10], $0x2FFFF;
	_ =	strace $0x9FFFFFFF  }
0xc7: {  	(tm) =	ssettm $0x7FFFFFFF  }
tec
execute0_lowered:
.L_overlay_start_1:
0x0: {  	(tag) =	ssettag $0x1  }
0x1: {  	v0 =	vimm.s32 $0x38302800;
	v1 =	vimm.s32 $0x18100820  }
0x2: {  	v2 =	vimm.s32 $0x38302840;
	vm0 =	vcmask $0x1304;
	v3 =	vimm.s32 $0x58504800  }
0x3: {  	vm1 =	vcmask $0x2314;
	vm14 =	vcmask $0x3324;
	vm13 =	vcmask $0x300  }
0x4: {  	v4 =	vimm.s32 $0x1780;
	vm12 =	vcmask $0xB08;
	vm11 =	vcmask $0xF0C  }
0x5: {  	vm10 =	vcmask $0x1310;
	vm9 =	vcmask $0x1714;
	vm8 =	vcmask $0x1B18  }
0x6: {  	vm7 =	vcmask $0x1F1C;
	vm6 =	vcmask $0x2320;
	vm5 =	vcmask $0x2724  }
0x7: {  	vm4 =	vcmask $0x2B28;
	vm3 =	vcmask $0x2F2C;
	vm2 =	vcmask $0x3330  }
0x8: {  	vm15 =	vcmask $0x3B38;
	v5 =	vimm.s32 $0x1B80;
	v6 =	vimm.s32 $0x1F80  }
0x9: {  	v7 =	vimm.s32 $0x3380;
	v8 =	vimm.s32 $0x3780;
	v9 =	vimm.s32 $0x3B80  }
0xa: {  	s0 =	srdreg.scid;
	v10 =	vimm.s32 $0x3F80;
	v0 =	vunpack.c.0.s8.s32 v0;
	v1 =	vunpack.c.0.s8.s32 v1  }
0xb: {  	s8 =	stileid.u32;
	s5 =	sand.u32 $0x1, s0;
	v2 =	vunpack.c.0.s8.s32 v2;
	v3 =	vunpack.c.0.s8.s32 v3;
	v4 =	vsel vm13, $0x400, v4  }
0xc: {  	s28 =	sshll.u32 s8, $0x6;
	v5 =	vsel vm13, $0x800, v5;
	v6 =	vsel vm13, $0xC00, v6;
	v7 =	vsel vm13, $0x2000, v7;
	s1 =	sshll.u32 s5, $0x5  }
0xd: {  	v8 =	vsel vm13, $0x2400, v8;
	v9 =	vsel vm13, $0x2800, v9;
	s1 =	sor.u32 s1, s28;
	v1 =	vnsel vm0, $0x0, v1  }
0xe: {  	v10 =	vsel vm13, $0x2C00, v10;
	s0 =	smul.u32 $0xC0, s1;
	v2 =	vsel vm1, v2, v1;
	s2 =	sshll.u32 s1, $0x6;
	v0 =	vsel vm1, v0, v1  }
0xf: {  	vm0 =	vcmask $0x3734;
	v2 =	vsel vm14, v3, v2;
	v0 =	vor.u32 s2, v0  }
0x10: {  	v3 =	vimm.s32 $0x1380;
	vm14 =	vcmask $0x704;
	v1 =	vor.u32 s0, v2  }
0x11: {  	v3 =	vsel vm13, $0x0, v3;
	v4 =	vsel vm14, $0x480, v4;
	v5 =	vsel vm14, $0x880, v5  }
0x12: {  	v6 =	vsel vm14, $0xC80, v6;
	v7 =	vsel vm14, $0x2080, v7;
	v8 =	vsel vm14, $0x2480, v8  }
0x13: {  	s0 =	sor.u32 $0x60, s0;
	v9 =	vsel vm14, $0x2880, v9;
	v10 =	vsel vm14, $0x2C80, v10;
	v3 =	vsel vm14, $0x80, v3  }
0x14: {  	v4 =	vsel vm12, $0x500, v4;
	v2 =	vadd.s32 s0, v2;
	v5 =	vsel vm12, $0x900, v5  }
0x15: {  	v6 =	vsel vm12, $0xD00, v6;
	v7 =	vsel vm12, $0x2100, v7;
	v8 =	vsel vm12, $0x2500, v8  }
0x16: {  	v9 =	vsel vm12, $0x2900, v9;
	v10 =	vsel vm12, $0x2D00, v10;
	v3 =	vsel vm12, $0x100, v3  }
0x17: {  	v4 =	vsel vm11, $0x580, v4;
	v5 =	vsel vm11, $0x980, v5;
	v6 =	vsel vm11, $0xD80, v6  }
0x18: {  	v7 =	vsel vm11, $0x2180, v7;
	v8 =	vsel vm11, $0x2580, v8;
	v9 =	vsel vm11, $0x2980, v9  }
0x19: {  	v10 =	vsel vm11, $0x2D80, v10;
	v3 =	vsel vm11, $0x180, v3;
	v4 =	vsel vm10, $0x600, v4  }
0x1a: {  	v5 =	vsel vm10, $0xA00, v5;
	v6 =	vsel vm10, $0xE00, v6;
	v7 =	vsel vm10, $0x2200, v7  }
0x1b: {  	v8 =	vsel vm10, $0x2600, v8;
	v9 =	vsel vm10, $0x2A00, v9;
	v10 =	vsel vm10, $0x2E00, v10  }
0x1c: {  	v3 =	vsel vm10, $0x200, v3;
	v4 =	vsel vm9, $0x680, v4;
	v5 =	vsel vm9, $0xA80, v5  }
0x1d: {  	v6 =	vsel vm9, $0xE80, v6;
	v7 =	vsel vm9, $0x2280, v7;
	v8 =	vsel vm9, $0x2680, v8  }
0x1e: {  	v9 =	vsel vm9, $0x2A80, v9;
	v10 =	vsel vm9, $0x2E80, v10;
	v3 =	vsel vm9, $0x280, v3  }
0x1f: {  	v4 =	vsel vm8, $0x700, v4;
	v5 =	vsel vm8, $0xB00, v5;
	v6 =	vsel vm8, $0xF00, v6  }
0x20: {  	v7 =	vsel vm8, $0x2300, v7;
	v8 =	vsel vm8, $0x2700, v8;
	v9 =	vsel vm8, $0x2B00, v9  }
0x21: {  	v10 =	vsel vm8, $0x2F00, v10;
	v3 =	vsel vm8, $0x300, v3;
	v4 =	vsel vm7, $0x780, v4  }
0x22: {  	v5 =	vsel vm7, $0xB80, v5;
	v6 =	vsel vm7, $0xF80, v6;
	v7 =	vsel vm7, $0x2380, v7  }
0x23: {  	v8 =	vsel vm7, $0x2780, v8;
	v9 =	vsel vm7, $0x2B80, v9;
	v10 =	vsel vm7, $0x2F80, v10  }
0x24: {  	v3 =	vsel vm7, $0x380, v3;
	v4 =	vsel vm6, $0x1400, v4;
	v5 =	vsel vm6, $0x1800, v5  }
0x25: {  	v6 =	vsel vm6, $0x1C00, v6;
	v7 =	vsel vm6, $0x3000, v7;
	v8 =	vsel vm6, $0x3400, v8  }
0x26: {  	v9 =	vsel vm6, $0x3800, v9;
	v10 =	vsel vm6, $0x3C00, v10;
	v3 =	vsel vm6, $0x1000, v3  }
0x27: {  	v4 =	vsel vm5, $0x1480, v4;
	v5 =	vsel vm5, $0x1880, v5;
	v6 =	vsel vm5, $0x1C80, v6  }
0x28: {  	v7 =	vsel vm5, $0x3080, v7;
	v8 =	vsel vm5, $0x3480, v8;
	v9 =	vsel vm5, $0x3880, v9  }
0x29: {  	v10 =	vsel vm5, $0x3C80, v10;
	v3 =	vsel vm5, $0x1080, v3;
	v4 =	vsel vm4, $0x1500, v4  }
0x2a: {  	v5 =	vsel vm4, $0x1900, v5;
	v6 =	vsel vm4, $0x1D00, v6;
	v7 =	vsel vm4, $0x3100, v7  }
0x2b: {  	v8 =	vsel vm4, $0x3500, v8;
	v9 =	vsel vm4, $0x3900, v9;
	v10 =	vsel vm4, $0x3D00, v10  }
0x2c: {  	v3 =	vsel vm4, $0x1100, v3;
	v4 =	vsel vm3, $0x1580, v4;
	v5 =	vsel vm3, $0x1980, v5  }
0x2d: {  	s3 =	rddreg [dreg:$0x1];
	v6 =	vsel vm3, $0x1D80, v6;
	v7 =	vsel vm3, $0x3180, v7;
	v8 =	vsel vm3, $0x3580, v8  }
0x2e: {  	s4 =	rddreg [dreg:$0x2];
	v9 =	vsel vm3, $0x3980, v9;
	v10 =	vsel vm3, $0x3D80, v10;
	v3 =	vsel vm3, $0x1180, v3  }
0x2f: {  	s29 =	rddreg [dreg:$0x3];
	s6 =	simm.s32 $0x0;
	s13 =	simm.s32 $0x1200;
	v4 =	vsel vm2, $0x1600, v4;
	v5 =	vsel vm2, $0x1A00, v5;
	v6 =	vsel vm2, $0x1E00, v6  }
0x30: {  	s14 =	simm.s32 $0x1;
	s15 =	simm.s32 $0x80;
	s16 =	simm.s32 $0x3200;
	v7 =	vsel vm2, $0x3200, v7;
	v8 =	vsel vm2, $0x3600, v8;
	v9 =	vsel vm2, $0x3A00, v9  }
0x31: {  	s17 =	simm.s32 $0x7200;
	s18 =	simm.s32 $0xB200;
	s19 =	simm.s32 $0xF200;
	v10 =	vsel vm2, $0x3E00, v10;
	v3 =	vsel vm2, $0x1200, v3;
	v4 =	vsel vm0, $0x1680, v4  }
0x32: {  	s20 =	simm.s32 $0x3;
	s21 =	simm.s32 $0x2;
	s5 =	ssub.s32 $0x2, s5;
	v5 =	vsel vm0, $0x1A80, v5;
	v6 =	vsel vm0, $0x1E80, v6;
	v7 =	vsel vm0, $0x3280, v7  }
0x33: {  	s22 =	simm.s32 $0x13200;
	s24 =	simm.s32 $0x0;
	s7 =	sshrl.u32 s5, $0x1;
	v8 =	vsel vm0, $0x3680, v8;
	v9 =	vsel vm0, $0x3A80, v9;
	v10 =	vsel vm0, $0x3E80, v10  }
0x34: {  	[smem:$0x7FF] =	sst s6;
	s8 =	sshll.u32 s8, $0x11;
	s5 =	ssub.s32 s5, s7;
	v3 =	vsel vm0, $0x1280, v3;
	v4 =	vsel vm15, $0x1700, v4;
	v5 =	vsel vm15, $0x1B00, v5  }
0x35: {  	s30 =	sand.u32 $0x180000, s8;
	s2 =	rddreg [dreg:$0x0];
	s31 =	smax.u32 s5, $0x1;
	[tilespmem:$0x1FFF0] =	vst v0;
	v6 =	vsel vm15, $0x1F00, v6;
	v7 =	vsel vm15, $0x3300, v7;
	v8 =	vsel vm15, $0x3700, v8  }
0x36: {  	s7 =	sadd.s32 s29, s30;
	_ =	strace $0x80000047;
	[dreg:$0x5] =	wrdreg s31;
	v9 =	vsel vm15, $0x3B00, v9;
	v10 =	vsel vm15, $0x3F00, v10;
	v3 =	vsel vm15, $0x1300, v3  }
.LBB2_1:
0x37: {  	v0 =	vld [tilespmem:$0x1FFF0];
	_ =	sdelay $0x2  }
0x38: {  	[tilespmem:$0x100] =	vst v1  }
0x39: {  	[tilespmem:$0x110] =	vst v2  }
0x3a: {  	s0 =	simm.s32 $0x10;
	s5 =	simm.s32 $0x200;
	[tilespmem:$0x0] =	vst v0  }
0x3b: {  	[tilespmem:s5], [sflag:$0x1] =	stream.indirect.gather [hbm4b:s2+s0], $0x80, s6, s0, $0xb8;
	[tilespmem:$0x1B200] =	vst v63  }
0x3c: {  	s30 =	simm.s32 $0x20;
	s31 =	simm.s32 $0x100;
	s26 =	simm.s32 $0x0  }
0x3d: {  	[tilespmem:s13], [sflag:$0x2] =	stream.indirect.gather [hbm4b:s3+s30], $0x80, s31, s30, $0xb8;
	[tilespmem:$0x1B200] =	vst v63  }
.LBB2_2:
0x3e: {  	_ =	swait.ge [sflag:s14], $0x800  }
0x3f: {  	p0 =	slt.u32 s26, $0x2;
	[sflag:s14] =	ssyncset.done $0x0  }
0x40: {  	s5 =	simm.s32 @!p0 $0x4;
	[sflag:s14] =	ssyncadd.s32 $0xFFFFF800  }
0x41: {  	_ =	swait.ge @!p0 [sflag:s5], $0x4000  }
0x42: {  	s25 =	sand.u32 $0x1, s26;
	[sflag:s5] =	ssyncset.done @!p0 $0x0  }
0x43: {  	s29 =	sshll.u32 s25, $0xB;
	[sflag:s5] =	ssyncadd.s32 @!p0 $0xFFFFC000;
	p0 =	seq.s32 s26, $0x1F  }
0x44: {  	s0 =	smov.u32 s26;
	s11 =	sor.u32 $0x200, s29;
	s26 =	sadd.s32 $0x1, s26;
	v11 =	vimm.s32 @!p0 $0x38302800;
	v12 =	vimm.s32 @!p0 $0x18100820  }
0x45: {  	[tilespmem:s16], [sflag:$0x3] =	stream.indirect.gather [hbm4b:s4+s15], $0x80, s11, s15, $0xb8;
	v13 =	vimm.s32 @!p0 $0x38302840;
	vm0 =	vcmask @!p0 $0x1304;
	v12 =	vunpack.c.0.s8.s32 @!p0 v12;
	[tilespmem:$0x1B200] =	vst v63  }
0x46: {  	s12 =	sor.u32 $0x280, s29;
	v14 =	vimm.s32 @!p0 $0x58504800;
	s5 =	sadd.s32 @!p0 s1, s26;
	v11 =	vunpack.c.0.s8.s32 @!p0 v11;
	v13 =	vunpack.c.0.s8.s32 @!p0 v13  }
0x47: {  	s8 =	sand.u32 @!p0 $0x1, s26;
	v14 =	vunpack.c.0.s8.s32 @!p0 v14;
	s9 =	sshll.u32 @!p0 s5, $0x6;
	s5 =	smul.u32 @!p0 $0xC0, s5;
	v12 =	vnsel @!p0 vm0, $0x0, v12;
	vm0 =	vcmask @!p0 $0x2314  }
0x48: {  	[tilespmem:s17], [sflag:$0x3] =	stream.indirect.gather [hbm4b:s4+s15], $0x80, s12, s15, $0xb8;
	v11 =	vsel @!p0 vm0, v11, v12;
	v12 =	vsel @!p0 vm0, v13, v12;
	vm0 =	vcmask @!p0 $0x3324;
	[tilespmem:$0x1B200] =	vst v63  }
0x49: {  	v11 =	vor.u32 @!p0 s9, v11;
	s9 =	sshll.u32 @!p0 s8, $0x7;
	v12 =	vsel @!p0 vm0, v14, v12  }
0x4a: {  	[tilespmem:s9+$0x0] =	vst @!p0 v11;
	v11 =	vadd.s32 @!p0 s5, v12;
	s5 =	sadd.s32 @!p0 $0x60, s5  }
0x4b: {  	[tilespmem:s9+$0x100] =	vst @!p0 v11;
	v11 =	vadd.s32 @!p0 s5, v12;
	s5 =	sshll.u32 @!p0 s8, $0xB  }
0x4c: {  	s10 =	simm.s32 @!p0 $0x10;
	[tilespmem:s9+$0x110] =	vst @!p0 v11;
	s5 =	sor.u32 @!p0 $0x200, s5  }
0x4d: {  	[tilespmem:s5], [sflag:$0x1] =	stream.indirect.gather @!p0 [hbm4b:s2+s10], $0x80, s9, s10, $0xb8;
	[tilespmem:$0x1B200] =	vst v63  }
0x4e: {  	s5 =	sshll.u32 @!p0 s8, $0xC  }
0x4f: {  	s8 =	sor.u32 @!p0 $0x100, s9;
	s9 =	simm.s32 @!p0 $0x20;
	s5 =	sadd.s32 @!p0 $0x1200, s5  }
0x50: {  	[tilespmem:s5], [sflag:$0x2] =	stream.indirect.gather @!p0 [hbm4b:s3+s9], $0x80, s8, s9, $0xb8;
	[tilespmem:$0x1B200] =	vst v63  }
0x51: {  	s23 =	sadd.s32 $0x300, s29  }
0x52: {  	[tilespmem:s18], [sflag:$0x3] =	stream.indirect.gather [hbm4b:s4+s15], $0x80, s23, s15, $0xb8;
	[tilespmem:$0x1B200] =	vst v63  }
0x53: {  	s8 =	sadd.s32 $0x380, s29  }
0x54: {  	[tilespmem:s19], [sflag:$0x3] =	stream.indirect.gather [hbm4b:s4+s15], $0x80, s8, s15, $0xb8;
	[tilespmem:$0x1B200] =	vst v63  }
0x55: {  	_ =	swait.ge [sflag:s20], $0x4000  }
0x56: {  	[sflag:s20] =	ssyncset.done $0x0  }
0x57: {  	[sflag:s20] =	ssyncadd.s32 $0xFFFFC000  }
0x58: {  	_ =	swait.ge [sflag:s20], $0x4000  }
0x59: {  	[sflag:s20] =	ssyncset.done $0x0  }
0x5a: {  	[sflag:s20] =	ssyncadd.s32 $0xFFFFC000  }
0x5b: {  	s0 =	sadd.s32 s1, s0;
	_ =	swait.ge [sflag:s21], $0x1000  }
0x5c: {  	s0 =	sshll.u32 s0, $0xB;
	[sflag:s21] =	ssyncset.done $0x0  }
0x5d: {  	s28 =	sand.u32 $0x7F800, s0;
	s0 =	simm.s32 $0x3400;
	[sflag:s21] =	ssyncadd.s32 $0xFFFFF000  }
0x5e: {  	v21 =	vld [tilespmem:s0+$0xA0]  }
0x5f: {  	v23 =	vld [tilespmem:s0+$0x20]  }
0x60: {  	v24 =	vld [tilespmem:s0+$0xFFFFFE00]  }
0x61: {  	v26 =	vld [tilespmem:s0+$0x120]  }
0x62: {  	v28 =	vld [tilespmem:s0+$0xFFFFFE10]  }
0x63: {  	v41 =	vld [tilespmem:s0+$0xFFFFFFA0]  }
0x64: {  	v16 =	vld [tilespmem:s0+$0xFFFFFEA0]  }
0x65: {  	v22 =	vld [tilespmem:s0+$0xFFFFFE80]  }
0x66: {  	v12 =	vmov s25;
	v30 =	vld [tilespmem:s0+$0x0]  }
0x67: {  	v11 =	vshll.u32 v12, $0xC;
	s5 =	simm.s32 $0x0;
	v27 =	vld [tilespmem:s0+$0xFFFFFE90]  }
0x68: {  	v19 =	vor.u32 s5, v11;
	v29 =	vld [tilespmem:s0+$0xFFFFFF00]  }
0x69: {  	v14 =	vor.u32 $0x400, v11;
	s8 =	simm.s32 $0x4;
	v33 =	vld [tilespmem:s0+$0x10]  }
0x6a: {  	v13 =	vor.u32 $0x200, v11;
	s9 =	simm.s32 $0x1;
	v20 =	vor.u32 s8, v14;
	v17 =	vld [tilespmem:s0+$0xFFFFFF20]  }
0x6b: {  	v25 =	vor.u32 s9, v13;
	v31 =	vld [tilespmem:s0+$0xFFFFFF10]  }
0x6c: {  	s11 =	simm.s32 $0x2;
	v32 =	vor.u32 s5, v13;
	v18 =	vld [tilespmem:s0+$0x180]  }
0x6d: {  	v34 =	vor.u32 s11, v11;
	v36 =	vld.idx.msk [tilespmem:v19+s13+$0x0], $0xffff  }
0x6e: {  	v35 =	vor.u32 s11, v13;
	v38 =	vld [tilespmem:s0+$0x80]  }
0x6f: {  	v37 =	vld.idx.msk [tilespmem:v20+s13+$0x0], $0xffff  }
0x70: {  	v39 =	vld.idx.msk [tilespmem:v25+s13+$0x0], $0xffff  }
0x71: {  	v40 =	vld.idx.msk [tilespmem:v32+s13+$0x0], $0xffff  }
0x72: {  	s23 =	simm.s32 $0x3;
	v34 =	vld.idx.msk [tilespmem:v34+s13+$0x0], $0xffff  }
0x73: {  	v62 =	vor.u32 s23, v14;
	v35 =	vld.idx.msk [tilespmem:v35+s13+$0x0], $0xffff  }
0x74: {  	s12 =	simm.s32 $0x6;
	v42 =	vld [tilespmem:s0+$0xFFFFFE20]  }
0x75: {  	s30 =	simm.s32 $0x5;
	v45 =	vor.u32 s12, v14;
	v43 =	vld [tilespmem:s0+$0x100]  }
0x76: {  	v46 =	vor.u32 s30, v14;
	v44 =	vld [tilespmem:s0+$0xFFFFFF80]  }
0x77: {  	v48 =	vor.u32 s23, v11;
	v20 =	vld [tilespmem:s0+$0x110]  }
0x78: {  	v63 =	vor.u32 s23, v13;
	v51 =	vld.idx.msk [tilespmem:v62+s13+$0x0], $0xffff  }
0x79: {  	v49 =	vor.u32 s8, v11;
	v50 =	vld [tilespmem:s0+$0xFFFFFF90]  }
0x7a: {  	v45 =	vld.idx.msk [tilespmem:v45+s13+$0x0], $0xffff  }
0x7b: {  	v52 =	vor.u32 s8, v13;
	v53 =	vld.idx.msk [tilespmem:v46+s13+$0x0], $0xffff  }
0x7c: {  	v19 =	vor.u32 s5, v14;
	v48 =	vld.idx.msk [tilespmem:v48+s13+$0x0], $0xffff  }
0x7d: {  	v25 =	vor.u32 s9, v11;
	v55 =	vld.idx.msk [tilespmem:v63+s13+$0x0], $0xffff  }
0x7e: {  	v46 =	vor.u32 s30, v11;
	v49 =	vld.idx.msk [tilespmem:v49+s13+$0x0], $0xffff  }
0x7f: {  	v54 =	vor.u32 s11, v14;
	v32 =	vld [tilespmem:s0+$0x90]  }
0x80: {  	s31 =	simm.s32 $0x7;
	v12 =	vshll.u32 v12, $0xE;
	v56 =	vor.u32 s30, v13;
	v52 =	vld.idx.msk [tilespmem:v52+s13+$0x0], $0xffff  }
0x81: {  	v15 =	vor.u32 v3, v12;
	v59 =	vor.u32 s31, v11;
	v19 =	vld.idx.msk [tilespmem:v19+s13+$0x0], $0xffff  }
0x82: {  	v57 =	vor.u32 s12, v11;
	v58 =	vor.u32 s12, v13;
	v47 =	vld.idx.msk [tilespmem:v25+s13+$0x0], $0xffff;
	v29 =	vmul.f32 v29, v34  }
0x83: {  	v60 =	vor.u32 s31, v13;
	v31 =	vmul.f32 v31, v35;
	v0 =	vld.idx.msk [tilespmem:v46+s13+$0x0], $0xffff;
	v39 =	vmul.f32 v27, v39  }
0x84: {  	v61 =	vor.u32 s9, v14;
	v34 =	vld.idx.msk [tilespmem:v54+s13+$0x0], $0xffff;
	v48 =	vmul.f32 v44, v48;
	v40 =	vmul.f32 v28, v40  }
0x85: {  	v62 =	vor.u32 s31, v14;
	v35 =	vld.idx.msk [tilespmem:v56+s13+$0x0], $0xffff;
	v54 =	vmul.f32 v30, v49;
	v24 =	vmul.f32 v24, v36  }
0x86: {  	v30 =	vor.u32 s5, v15;
	v46 =	vld.idx.msk [tilespmem:v59+s13+$0x0], $0xffff;
	v59 =	vmul.f32 v50, v55;
	v52 =	vmul.f32 v33, v52  }
0x87: {  	v56 =	vld.idx.msk [tilespmem:v57+s13+$0x0], $0xffff;
	v28 =	vor.u32 s12, v15;
	v37 =	vmul.f32 v23, v37;
	v33 =	vor.u32 s30, v15  }
0x88: {  	v25 =	vld [tilespmem:s0+$0x190];
	v27 =	vadd.f32 v31, v29;
	v29 =	vor.u32 s9, v15;
	v31 =	vor.u32 s8, v15  }
0x89: {  	v44 =	vld.idx.msk [tilespmem:v58+s13+$0x0], $0xffff;
	v24 =	vadd.f32 v40, v24;
	v49 =	vadd.f32 v59, v48;
	v47 =	vmul.f32 v22, v47  }
0x8a: {  	v48 =	vor.u32 s23, v15;
	v63 =	vmul.f32 v42, v19;
	v19 =	vor.u32 s31, v15;
	v42 =	vld.idx.msk [tilespmem:v60+s13+$0x0], $0xffff  }
0x8b: {  	v40 =	vmul.f32 v38, v0;
	v38 =	vmul.f32 v21, v53;
	v36 =	vadd.f32 v39, v47;
	v47 =	vld.idx.msk [tilespmem:v61+s13+$0x0], $0xffff  }
0x8c: {  	v22 =	vor.u32 s11, v15;
	v43 =	vmul.f32 v43, v56;
	v39 =	vmul.f32 v26, v45;
	v45 =	vld.idx.msk [tilespmem:v62+s13+$0x0], $0xffff  }
0x8d: {  	s30 =	simm.s32 $0x8;
	s31 =	simm.s32 $0x3800;
	v50 =	vadd.f32 v63, v24;
	v24 =	vmul.f32 v41, v51;
	v41 =	vadd.f32 v52, v54;
	v26 =	vld [tilespmem:s0+$0x1A0]  }
.LBB2_3:
0x8e: {  	v0 =	vor.u32 s30, v11;
	v51 =	vor.u32 s30, v14;
	v21 =	vld [tilespmem:s31+$0xA0];
	p0 =	slt.u32 s30, $0x78;
	v18 =	vmul.f32 v18, v46;
	s5 =	smov.u32 s30;
	s30 =	sadd.s32 $0x8, s30  }
0x8f: {  	v25 =	vmul.f32 v25, v42;
	v46 =	vor.u32 s5, v13;
	s9 =	sadd.s32 $0x1, s5;
	v23 =	vld [tilespmem:s31+$0x20];
	[tilespmem:v30+s22+$0x0] =	vst.idx.msk $0xffff, v50;
	v49 =	vadd.f32 v24, v49  }
0x90: {  	v17 =	vmul.f32 v17, v34;
	v20 =	vmul.f32 v20, v44;
	v30 =	vld [tilespmem:s31+$0xFFFFFE00];
	v42 =	vor.u32 s9, v11  }
0x91: {  	v32 =	vmul.f32 v32, v35;
	s10 =	sadd.s32 $0x2, s5;
	v34 =	vor.u32 s9, v13;
	v16 =	vmul.f32 v16, v47;
	v24 =	vld [tilespmem:s31+$0x120];
	[tilespmem:v48+s22+$0x0] =	vst.idx.msk $0xffff, v49  }
0x92: {  	v35 =	vor.u32 s10, v11;
	v18 =	vadd.f32 v25, v18;
	v44 =	vld [tilespmem:s31+$0xFFFFFE10];
	v25 =	vmul.f32 v26, v45  }
0x93: {  	s0 =	sadd.s32 $0x3, s5;
	v20 =	vadd.f32 v20, v43;
	v45 =	vor.u32 s10, v13;
	v36 =	vadd.f32 v16, v36;
	v26 =	vld [tilespmem:s31+$0xFFFFFFA0]  }
0x94: {  	v32 =	vadd.f32 v32, v40;
	v43 =	vor.u32 s0, v11;
	v16 =	vld [tilespmem:s31+$0xFFFFFEA0];
	v18 =	vadd.f32 v25, v18  }
0x95: {  	s12 =	sadd.s32 $0x4, s5;
	v47 =	vor.u32 s0, v13;
	v17 =	vadd.f32 v17, v27;
	v25 =	vadd.f32 v37, v41;
	v40 =	vld [tilespmem:s31+$0xFFFFFE80]  }
0x96: {  	v27 =	vor.u32 s12, v11;
	v20 =	vadd.f32 v39, v20;
	v37 =	vld [tilespmem:s31+$0x0];
	[tilespmem:v29+s22+$0x0] =	vst.idx.msk $0xffff, v36;
	v29 =	vadd.f32 v38, v32  }
0x97: {  	v38 =	vor.u32 s12, v13;
	v36 =	vld [tilespmem:s31+$0xFFFFFE90];
	[tilespmem:v31+s22+$0x0] =	vst.idx.msk $0xffff, v25  }
0x98: {  	s11 =	sadd.s32 $0x5, s5;
	v25 =	vor.u32 s12, v14;
	v31 =	vld [tilespmem:s31+$0xFFFFFF00];
	[tilespmem:v33+s22+$0x0] =	vst.idx.msk $0xffff, v29  }
0x99: {  	v29 =	vor.u32 s11, v11;
	v33 =	vld [tilespmem:s31+$0x10];
	[tilespmem:v22+s22+$0x0] =	vst.idx.msk $0xffff, v17  }
0x9a: {  	v22 =	vor.u32 s10, v14;
	v17 =	vld [tilespmem:s31+$0xFFFFFF20];
	[tilespmem:v19+s22+$0x0] =	vst.idx.msk $0xffff, v18  }
0x9b: {  	s8 =	sadd.s32 $0x6, s5;
	v41 =	vor.u32 s11, v13;
	v39 =	vld [tilespmem:s31+$0xFFFFFF10];
	[tilespmem:v28+s22+$0x0] =	vst.idx.msk $0xffff, v20  }
0x9c: {  	v28 =	vor.u32 s8, v11;
	v18 =	vld [tilespmem:s31+$0x180]  }
0x9d: {  	s23 =	sadd.s32 $0x7, s5;
	v48 =	vor.u32 s8, v13;
	v0 =	vld.idx.msk [tilespmem:v0+s13+$0x0], $0xffff  }
0x9e: {  	v50 =	vor.u32 s23, v11;
	v49 =	vld [tilespmem:s31+$0x80]  }
0x9f: {  	v53 =	vor.u32 s23, v13;
	v52 =	vld.idx.msk [tilespmem:v25+s13+$0x0], $0xffff  }
0xa0: {  	v54 =	vor.u32 s9, v14;
	v34 =	vld.idx.msk [tilespmem:v34+s13+$0x0], $0xffff  }
0xa1: {  	v46 =	vld.idx.msk [tilespmem:v46+s13+$0x0], $0xffff  }
0xa2: {  	v19 =	vor.u32 s0, v14;
	v35 =	vld.idx.msk [tilespmem:v35+s13+$0x0], $0xffff  }
0xa3: {  	v32 =	vld.idx.msk [tilespmem:v51+s13+$0x0], $0xffff;
	v51 =	vor.u32 s11, v14  }
0xa4: {  	v55 =	vor.u32 s8, v14;
	v45 =	vld.idx.msk [tilespmem:v45+s13+$0x0], $0xffff  }
0xa5: {  	v57 =	vor.u32 s23, v14;
	v56 =	vld [tilespmem:s31+$0xFFFFFE20]  }
0xa6: {  	v58 =	vld [tilespmem:s31+$0x100]  }
0xa7: {  	v59 =	vld [tilespmem:s31+$0xFFFFFF80]  }
0xa8: {  	v20 =	vld [tilespmem:s31+$0x110]  }
0xa9: {  	v42 =	vld.idx.msk [tilespmem:v42+s13+$0x0], $0xffff  }
0xaa: {  	v60 =	vld.idx.msk [tilespmem:v19+s13+$0x0], $0xffff  }
0xab: {  	v25 =	vld [tilespmem:s31+$0x190]  }
0xac: {  	v56 =	vmul.f32 v56, v32;
	v61 =	vld [tilespmem:s31+$0xFFFFFF90]  }
0xad: {  	v55 =	vld.idx.msk [tilespmem:v55+s13+$0x0], $0xffff  }
0xae: {  	v51 =	vld.idx.msk [tilespmem:v51+s13+$0x0], $0xffff  }
0xaf: {  	v19 =	vor.u32 s23, v15;
	v43 =	vld.idx.msk [tilespmem:v43+s13+$0x0], $0xffff  }
0xb0: {  	v47 =	vld.idx.msk [tilespmem:v47+s13+$0x0], $0xffff  }
0xb1: {  	v62 =	vld.idx.msk [tilespmem:v27+s13+$0x0], $0xffff  }
0xb2: {  	v32 =	vld [tilespmem:s31+$0x90]  }
0xb3: {  	v27 =	vmul.f32 v31, v35;
	v31 =	vmul.f32 v39, v45;
	v38 =	vld.idx.msk [tilespmem:v38+s13+$0x0], $0xffff  }
0xb4: {  	v39 =	vld.idx.msk [tilespmem:v29+s13+$0x0], $0xffff  }
0xb5: {  	v36 =	vmul.f32 v36, v34;
	v27 =	vadd.f32 v31, v27;
	v43 =	vmul.f32 v59, v43;
	v34 =	vld.idx.msk [tilespmem:v22+s13+$0x0], $0xffff  }
0xb6: {  	v40 =	vmul.f32 v40, v42;
	v29 =	vor.u32 s9, v15;
	v22 =	vor.u32 s10, v15;
	v35 =	vld.idx.msk [tilespmem:v41+s13+$0x0], $0xffff  }
0xb7: {  	v31 =	vor.u32 s12, v15;
	v41 =	vmul.f32 v44, v46;
	v59 =	vmul.f32 v37, v62;
	v62 =	vld.idx.msk [tilespmem:v28+s13+$0x0], $0xffff  }
0xb8: {  	v0 =	vmul.f32 v30, v0;
	v30 =	vor.u32 s5, v15;
	v36 =	vadd.f32 v36, v40;
	v46 =	vld.idx.msk [tilespmem:v50+s13+$0x0], $0xffff  }
.Ltmp0:
0xb9: {  	v45 =	vmul.f32 v61, v47;
	v28 =	vor.u32 s8, v15;
	v61 =	vmul.f32 v33, v38;
	v42 =	vld.idx.msk [tilespmem:v53+s13+$0x0], $0xffff;
	(pc) =	sbr.rel @p0 .LBB2_3-.Ltmp0, $4  }
0xba: {  	v37 =	vmul.f32 v23, v52;
	v0 =	vadd.f32 v41, v0;
	v40 =	vmul.f32 v49, v39;
	v44 =	vld.idx.msk [tilespmem:v48+s13+$0x0], $0xffff  }
0xbb: {  	v38 =	vmul.f32 v21, v51;
	v33 =	vor.u32 s11, v15;
	v49 =	vadd.f32 v45, v43;
	v47 =	vld.idx.msk [tilespmem:v54+s13+$0x0], $0xffff  }
0xbc: {  	v39 =	vmul.f32 v24, v55;
	v50 =	vadd.f32 v56, v0;
	v48 =	vor.u32 s0, v15;
	v45 =	vld.idx.msk [tilespmem:v57+s13+$0x0], $0xffff  }
0xbd: {  	v24 =	vmul.f32 v26, v60;
	v41 =	vadd.f32 v61, v59;
	v43 =	vmul.f32 v58, v62;
	v26 =	vld [tilespmem:s31+$0x1A0];
	s31 =	sadd.s32 $0x400, s31  }
0xbe: {  	_ =	sdelay $0x2  }
0xbf: {  	v0 =	vmul.f32 v18, v46  }
0xc0: {  	[tilespmem:v30+s22+$0x0] =	vst.idx.msk $0xffff, v50;
	v14 =	vmul.f32 v32, v35;
	v17 =	vmul.f32 v17, v34  }
0xc1: {  	v15 =	vadd.f32 v24, v49;
	v18 =	vmul.f32 v20, v44;
	v13 =	vmul.f32 v16, v47  }
0xc2: {  	v16 =	vmul.f32 v25, v42;
	v14 =	vadd.f32 v14, v40;
	v17 =	vadd.f32 v17, v27  }
0xc3: {  	[tilespmem:v48+s22+$0x0] =	vst.idx.msk $0xffff, v15;
	v15 =	vadd.f32 v37, v41;
	v13 =	vadd.f32 v13, v36  }
0xc4: {  	v0 =	vadd.f32 v16, v0;
	v16 =	vmul.f32 v26, v45;
	[tilespmem:v22+s22+$0x0] =	vst.idx.msk $0xffff, v17  }
0xc5: {  	[tilespmem:v29+s22+$0x0] =	vst.idx.msk $0xffff, v13;
	v13 =	vadd.f32 v38, v14;
	v14 =	vadd.f32 v18, v43  }
0xc6: {  	[tilespmem:v31+s22+$0x0] =	vst.idx.msk $0xffff, v15;
	v0 =	vadd.f32 v16, v0  }
0xc7: {  	[tilespmem:v33+s22+$0x0] =	vst.idx.msk $0xffff, v13;
	v13 =	vadd.f32 v39, v14  }
0xc8: {  	[tilespmem:v19+s22+$0x0] =	vst.idx.msk $0xffff, v0  }
0xc9: {  	s0 =	simm.s32 $0x75A0;
	[tilespmem:v28+s22+$0x0] =	vst.idx.msk $0xffff, v13  }
0xca: {  	v0 =	vld [tilespmem:s0+$0xFFFFFF00]  }
0xcb: {  	v22 =	vld [tilespmem:s0+$0xFFFFFE80]  }
0xcc: {  	v24 =	vld [tilespmem:s0+$0xFFFFFC60]  }
0xcd: {  	v25 =	vld [tilespmem:s0+$0xFFFFFF80]  }
0xce: {  	v27 =	vld [tilespmem:s0+$0xFFFFFC70]  }
0xcf: {  	v42 =	vld [tilespmem:s0+$0xFFFFFE00]  }
0xd0: {  	v17 =	vld [tilespmem:s0+$0xFFFFFD00]  }
0xd1: {  	v23 =	vld [tilespmem:s0+$0xFFFFFCE0]  }
0xd2: {  	v29 =	vld [tilespmem:s0+$0xFFFFFE60]  }
0xd3: {  	v28 =	vld [tilespmem:s0+$0xFFFFFCF0]  }
0xd4: {  	s8 =	simm.s32 $0x4;
	v15 =	vor.u32 $0x480, v11;
	v30 =	vld [tilespmem:s0+$0xFFFFFD60]  }
0xd5: {  	v21 =	vor.u32 s8, v15;
	v34 =	vld [tilespmem:s0+$0xFFFFFE70]  }
0xd6: {  	v18 =	vld [tilespmem:s0+$0xFFFFFD80]  }
0xd7: {  	v31 =	vld [tilespmem:s0+$0xFFFFFD70]  }
0xd8: {  	v19 =	vld [tilespmem:s0+$0xFFFFFFE0]  }
0xd9: {  	s9 =	simm.s32 $0x3;
	v39 =	vld [tilespmem:s0+$0xFFFFFEE0]  }
0xda: {  	v58 =	vor.u32 s9, v15;
	v38 =	vld.idx.msk [tilespmem:v21+s13+$0x0], $0xffff  }
0xdb: {  	s12 =	simm.s32 $0x6;
	v41 =	vld [tilespmem:s0+$0xFFFFFC80]  }
0xdc: {  	s23 =	simm.s32 $0x5;
	v59 =	vor.u32 s12, v15;
	v44 =	vld [tilespmem:s0+$0xFFFFFF60]  }
0xdd: {  	v60 =	vor.u32 s23, v15;
	v43 =	vld [tilespmem:s0+$0xFFFFFDE0]  }
0xde: {  	s10 =	simm.s32 $0x1;
	v14 =	vor.u32 $0x280, v11;
	v21 =	vld [tilespmem:s0+$0xFFFFFF70]  }
0xdf: {  	s5 =	simm.s32 $0x0;
	v26 =	vor.u32 s10, v14;
	v52 =	vld.idx.msk [tilespmem:v58+s13+$0x0], $0xffff  }
0xe0: {  	s11 =	simm.s32 $0x2;
	v55 =	vor.u32 s5, v14;
	v50 =	vld [tilespmem:s0+$0xFFFFFDF0]  }
0xe1: {  	v57 =	vor.u32 s11, v14;
	v53 =	vld.idx.msk [tilespmem:v59+s13+$0x0], $0xffff  }
0xe2: {  	v62 =	vor.u32 s9, v14;
	v13 =	vor.u32 $0x80, v11;
	v46 =	vld.idx.msk [tilespmem:v60+s13+$0x0], $0xffff  }
0xe3: {  	v20 =	vor.u32 s5, v13;
	v33 =	vld [tilespmem:s0+$0xFFFFFEF0]  }
0xe4: {  	v56 =	vor.u32 s11, v13;
	v36 =	vld.idx.msk [tilespmem:v26+s13+$0x0], $0xffff  }
0xe5: {  	v61 =	vor.u32 s9, v13;
	v32 =	vld.idx.msk [tilespmem:v55+s13+$0x0], $0xffff  }
0xe6: {  	v63 =	vor.u32 s8, v13;
	v35 =	vld.idx.msk [tilespmem:v57+s13+$0x0], $0xffff  }
0xe7: {  	v26 =	vor.u32 s10, v13;
	v55 =	vld.idx.msk [tilespmem:v62+s13+$0x0], $0xffff  }
0xe8: {  	v37 =	vld.idx.msk [tilespmem:v20+s13+$0x0], $0xffff  }
0xe9: {  	v54 =	vor.u32 s11, v15;
	v40 =	vld.idx.msk [tilespmem:v56+s13+$0x0], $0xffff  }
0xea: {  	v20 =	vor.u32 s5, v15;
	v48 =	vld.idx.msk [tilespmem:v61+s13+$0x0], $0xffff  }
0xeb: {  	v45 =	vor.u32 s8, v14;
	v49 =	vld.idx.msk [tilespmem:v63+s13+$0x0], $0xffff  }
0xec: {  	v56 =	vor.u32 s23, v14;
	v47 =	vld.idx.msk [tilespmem:v26+s13+$0x0], $0xffff  }
0xed: {  	s30 =	simm.s32 $0x7;
	v16 =	vor.u32 v4, v12;
	v51 =	vor.u32 s23, v13;
	v57 =	vor.u32 s12, v13;
	v26 =	vld [tilespmem:s0+$0xFFFFFFF0]  }
0xee: {  	v58 =	vor.u32 s12, v14;
	v59 =	vor.u32 s30, v13;
	v31 =	vmul.f32 v31, v35;
	v35 =	vld.idx.msk [tilespmem:v54+s13+$0x0], $0xffff  }
0xef: {  	v60 =	vor.u32 s30, v14;
	v62 =	vor.u32 s30, v15;
	v38 =	vmul.f32 v22, v38;
	v20 =	vld.idx.msk [tilespmem:v20+s13+$0x0], $0xffff  }
0xf0: {  	v61 =	vor.u32 s10, v15;
	v27 =	vmul.f32 v27, v32;
	v30 =	vmul.f32 v30, v40;
	v40 =	vld.idx.msk [tilespmem:v45+s13+$0x0], $0xffff  }
0xf1: {  	v32 =	vor.u32 s8, v16;
	v45 =	vmul.f32 v28, v36;
	v36 =	vld.idx.msk [tilespmem:v56+s13+$0x0], $0xffff;
	v24 =	vmul.f32 v24, v37  }
0xf2: {  	v54 =	vmul.f32 v29, v49;
	v56 =	vld.idx.msk [tilespmem:v57+s13+$0x0], $0xffff;
	v57 =	vmul.f32 v50, v55;
	v29 =	vor.u32 s12, v16  }
0xf3: {  	v49 =	vor.u32 s9, v16;
	v28 =	vadd.f32 v31, v30;
	v24 =	vadd.f32 v27, v24;
	v27 =	vld [tilespmem:s0+$0x0]  }
0xf4: {  	v30 =	vor.u32 s10, v16;
	v31 =	vor.u32 s5, v16;
	v63 =	vmul.f32 v41, v20;
	v41 =	vld.idx.msk [tilespmem:v51+s13+$0x0], $0xffff  }
0xf5: {  	v20 =	vor.u32 s30, v16;
	v51 =	vmul.f32 v43, v48;
	v48 =	vmul.f32 v23, v47;
	v47 =	vld.idx.msk [tilespmem:v59+s13+$0x0], $0xffff  }
0xf6: {  	v23 =	vor.u32 s11, v16;
	v59 =	vmul.f32 v34, v40;
	v43 =	vld.idx.msk [tilespmem:v60+s13+$0x0], $0xffff;
	v34 =	vor.u32 s23, v16  }
0xf7: {  	v40 =	vmul.f32 v25, v53;
	v25 =	vmul.f32 v42, v52;
	v37 =	vadd.f32 v45, v48;
	v45 =	vld.idx.msk [tilespmem:v58+s13+$0x0], $0xffff  }
0xf8: {  	v44 =	vmul.f32 v44, v56;
	v48 =	vld.idx.msk [tilespmem:v61+s13+$0x0], $0xffff;
	v50 =	vadd.f32 v57, v51;
	v51 =	vadd.f32 v63, v24  }
0xf9: {  	s31 =	simm.s32 $0x79A0;
	s30 =	simm.s32 $0x8;
	v42 =	vadd.f32 v59, v54;
	v41 =	vmul.f32 v39, v41;
	v39 =	vmul.f32 v0, v46;
	v46 =	vld.idx.msk [tilespmem:v62+s13+$0x0], $0xffff  }
.LBB2_5:
0xfa: {  	v0 =	vor.u32 s30, v13;
	v52 =	vor.u32 s30, v15;
	v22 =	vld [tilespmem:s31+$0xFFFFFF00];
	p0 =	slt.u32 s30, $0x78;
	v19 =	vmul.f32 v19, v47;
	s5 =	smov.u32 s30;
	s30 =	sadd.s32 $0x8, s30  }
0xfb: {  	v26 =	vmul.f32 v26, v43;
	v47 =	vor.u32 s5, v14;
	s9 =	sadd.s32 $0x1, s5;
	v24 =	vld [tilespmem:s31+$0xFFFFFE80];
	[tilespmem:v31+s22+$0x0] =	vst.idx.msk $0xffff, v51;
	v50 =	vadd.f32 v25, v50  }
0xfc: {  	v18 =	vmul.f32 v18, v35;
	v21 =	vmul.f32 v21, v45;
	v31 =	vld [tilespmem:s31+$0xFFFFFC60];
	v43 =	vor.u32 s9, v13  }
0xfd: {  	v33 =	vmul.f32 v33, v36;
	s10 =	sadd.s32 $0x2, s5;
	v35 =	vor.u32 s9, v14;
	v17 =	vmul.f32 v17, v48;
	v25 =	vld [tilespmem:s31+$0xFFFFFF80];
	[tilespmem:v49+s22+$0x0] =	vst.idx.msk $0xffff, v50  }
0xfe: {  	v36 =	vor.u32 s10, v13;
	v19 =	vadd.f32 v26, v19;
	v45 =	vld [tilespmem:s31+$0xFFFFFC70];
	v26 =	vmul.f32 v27, v46  }
0xff: {  	s0 =	sadd.s32 $0x3, s5;
	v21 =	vadd.f32 v21, v44;
	v46 =	vor.u32 s10, v14;
	v37 =	vadd.f32 v17, v37;
	v27 =	vld [tilespmem:s31+$0xFFFFFE00]  }
0x100: {  	v33 =	vadd.f32 v33, v41;
	v44 =	vor.u32 s0, v13;
	v17 =	vld [tilespmem:s31+$0xFFFFFD00];
	v19 =	vadd.f32 v26, v19  }
0x101: {  	s12 =	sadd.s32 $0x4, s5;
	v48 =	vor.u32 s0, v14;
	v18 =	vadd.f32 v18, v28;
	v26 =	vadd.f32 v38, v42;
	v41 =	vld [tilespmem:s31+$0xFFFFFCE0]  }
0x102: {  	v28 =	vor.u32 s12, v13;
	v21 =	vadd.f32 v40, v21;
	v38 =	vld [tilespmem:s31+$0xFFFFFE60];
	[tilespmem:v30+s22+$0x0] =	vst.idx.msk $0xffff, v37;
	v30 =	vadd.f32 v39, v33  }
0x103: {  	v39 =	vor.u32 s12, v14;
	v37 =	vld [tilespmem:s31+$0xFFFFFCF0];
	[tilespmem:v32+s22+$0x0] =	vst.idx.msk $0xffff, v26  }
0x104: {  	s11 =	sadd.s32 $0x5, s5;
	v26 =	vor.u32 s12, v15;
	v32 =	vld [tilespmem:s31+$0xFFFFFD60];
	[tilespmem:v34+s22+$0x0] =	vst.idx.msk $0xffff, v30  }
0x105: {  	v30 =	vor.u32 s11, v13;
	v34 =	vld [tilespmem:s31+$0xFFFFFE70];
	[tilespmem:v23+s22+$0x0] =	vst.idx.msk $0xffff, v18  }
0x106: {  	v23 =	vor.u32 s10, v15;
	v18 =	vld [tilespmem:s31+$0xFFFFFD80];
	[tilespmem:v20+s22+$0x0] =	vst.idx.msk $0xffff, v19  }
0x107: {  	s8 =	sadd.s32 $0x6, s5;
	v42 =	vor.u32 s11, v14;
	v40 =	vld [tilespmem:s31+$0xFFFFFD70];
	[tilespmem:v29+s22+$0x0] =	vst.idx.msk $0xffff, v21  }
0x108: {  	v29 =	vor.u32 s8, v13;
	v19 =	vld [tilespmem:s31+$0xFFFFFFE0]  }
0x109: {  	s23 =	sadd.s32 $0x7, s5;
	v49 =	vor.u32 s8, v14;
	v0 =	vld.idx.msk [tilespmem:v0+s13+$0x0], $0xffff  }
0x10a: {  	v51 =	vor.u32 s23, v13;
	v50 =	vld [tilespmem:s31+$0xFFFFFEE0]  }
0x10b: {  	v54 =	vor.u32 s23, v14;
	v53 =	vld.idx.msk [tilespmem:v26+s13+$0x0], $0xffff  }
0x10c: {  	v55 =	vor.u32 s9, v15;
	v35 =	vld.idx.msk [tilespmem:v35+s13+$0x0], $0xffff  }
0x10d: {  	v47 =	vld.idx.msk [tilespmem:v47+s13+$0x0], $0xffff  }
0x10e: {  	v20 =	vor.u32 s0, v15;
	v36 =	vld.idx.msk [tilespmem:v36+s13+$0x0], $0xffff  }
0x10f: {  	v33 =	vld.idx.msk [tilespmem:v52+s13+$0x0], $0xffff;
	v52 =	vor.u32 s11, v15  }
0x110: {  	v56 =	vor.u32 s8, v15;
	v46 =	vld.idx.msk [tilespmem:v46+s13+$0x0], $0xffff  }
0x111: {  	v58 =	vor.u32 s23, v15;
	v57 =	vld [tilespmem:s31+$0xFFFFFC80]  }
0x112: {  	v59 =	vld [tilespmem:s31+$0xFFFFFF60]  }
0x113: {  	v60 =	vld [tilespmem:s31+$0xFFFFFDE0]  }
0x114: {  	v21 =	vld [tilespmem:s31+$0xFFFFFF70]  }
0x115: {  	v43 =	vld.idx.msk [tilespmem:v43+s13+$0x0], $0xffff  }
0x116: {  	v61 =	vld.idx.msk [tilespmem:v20+s13+$0x0], $0xffff  }
0x117: {  	v26 =	vld [tilespmem:s31+$0xFFFFFFF0]  }
0x118: {  	v57 =	vmul.f32 v57, v33;
	v62 =	vld [tilespmem:s31+$0xFFFFFDF0]  }
0x119: {  	v56 =	vld.idx.msk [tilespmem:v56+s13+$0x0], $0xffff  }
0x11a: {  	v52 =	vld.idx.msk [tilespmem:v52+s13+$0x0], $0xffff  }
0x11b: {  	v20 =	vor.u32 s23, v16;
	v44 =	vld.idx.msk [tilespmem:v44+s13+$0x0], $0xffff  }
0x11c: {  	v48 =	vld.idx.msk [tilespmem:v48+s13+$0x0], $0xffff  }
0x11d: {  	v63 =	vld.idx.msk [tilespmem:v28+s13+$0x0], $0xffff  }
0x11e: {  	v33 =	vld [tilespmem:s31+$0xFFFFFEF0]  }
0x11f: {  	v28 =	vmul.f32 v32, v36;
	v32 =	vmul.f32 v40, v46;
	v39 =	vld.idx.msk [tilespmem:v39+s13+$0x0], $0xffff  }
0x120: {  	v40 =	vld.idx.msk [tilespmem:v30+s13+$0x0], $0xffff  }
0x121: {  	v37 =	vmul.f32 v37, v35;
	v28 =	vadd.f32 v32, v28;
	v44 =	vmul.f32 v60, v44;
	v35 =	vld.idx.msk [tilespmem:v23+s13+$0x0], $0xffff  }
0x122: {  	v41 =	vmul.f32 v41, v43;
	v30 =	vor.u32 s9, v16;
	v23 =	vor.u32 s10, v16;
	v36 =	vld.idx.msk [tilespmem:v42+s13+$0x0], $0xffff  }
0x123: {  	v32 =	vor.u32 s12, v16;
	v42 =	vmul.f32 v45, v47;
	v60 =	vmul.f32 v38, v63;
	v63 =	vld.idx.msk [tilespmem:v29+s13+$0x0], $0xffff  }
0x124: {  	v0 =	vmul.f32 v31, v0;
	v31 =	vor.u32 s5, v16;
	v37 =	vadd.f32 v37, v41;
	v47 =	vld.idx.msk [tilespmem:v51+s13+$0x0], $0xffff  }
.Ltmp1:
0x125: {  	v46 =	vmul.f32 v62, v48;
	v29 =	vor.u32 s8, v16;
	v62 =	vmul.f32 v34, v39;
	v43 =	vld.idx.msk [tilespmem:v54+s13+$0x0], $0xffff;
	(pc) =	sbr.rel @p0 .LBB2_5-.Ltmp1, $4  }
0x126: {  	v38 =	vmul.f32 v24, v53;
	v0 =	vadd.f32 v42, v0;
	v41 =	vmul.f32 v50, v40;
	v45 =	vld.idx.msk [tilespmem:v49+s13+$0x0], $0xffff  }
0x127: {  	v39 =	vmul.f32 v22, v52;
	v34 =	vor.u32 s11, v16;
	v50 =	vadd.f32 v46, v44;
	v48 =	vld.idx.msk [tilespmem:v55+s13+$0x0], $0xffff  }
0x128: {  	v40 =	vmul.f32 v25, v56;
	v51 =	vadd.f32 v57, v0;
	v49 =	vor.u32 s0, v16;
	v46 =	vld.idx.msk [tilespmem:v58+s13+$0x0], $0xffff  }
0x129: {  	v25 =	vmul.f32 v27, v61;
	v42 =	vadd.f32 v62, v60;
	v44 =	vmul.f32 v59, v63;
	v27 =	vld [tilespmem:s31+$0x0];
	s31 =	sadd.s32 $0x400, s31  }
0x12a: {  	_ =	sdelay $0x1  }
0x12b: {  	v0 =	vmul.f32 v19, v47  }
0x12c: {  	v14 =	vmul.f32 v33, v36;
	v16 =	vmul.f32 v26, v43;
	v15 =	vadd.f32 v25, v50  }
0x12d: {  	[tilespmem:v31+s22+$0x0] =	vst.idx.msk $0xffff, v51;
	v13 =	vmul.f32 v17, v48;
	v17 =	vmul.f32 v18, v35  }
0x12e: {  	v14 =	vadd.f32 v14, v41;
	[tilespmem:v49+s22+$0x0] =	vst.idx.msk $0xffff, v15;
	v15 =	vadd.f32 v38, v42  }
0x12f: {  	v18 =	vmul.f32 v21, v45;
	v0 =	vadd.f32 v16, v0;
	v13 =	vadd.f32 v13, v37  }
0x130: {  	v16 =	vmul.f32 v27, v46;
	v17 =	vadd.f32 v17, v28;
	[tilespmem:v32+s22+$0x0] =	vst.idx.msk $0xffff, v15  }
0x131: {  	[tilespmem:v30+s22+$0x0] =	vst.idx.msk $0xffff, v13;
	v13 =	vadd.f32 v39, v14;
	v14 =	vadd.f32 v18, v44  }
0x132: {  	v0 =	vadd.f32 v16, v0;
	[tilespmem:v23+s22+$0x0] =	vst.idx.msk $0xffff, v17  }
0x133: {  	[tilespmem:v34+s22+$0x0] =	vst.idx.msk $0xffff, v13;
	v13 =	vadd.f32 v40, v14  }
0x134: {  	[tilespmem:v20+s22+$0x0] =	vst.idx.msk $0xffff, v0  }
0x135: {  	s0 =	sadd.s32 $0x400, s29;
	[tilespmem:v29+s22+$0x0] =	vst.idx.msk $0xffff, v13  }
0x136: {  	[tilespmem:s16], [sflag:$0x3] =	stream.indirect.gather [hbm4b:s4+s15], $0x80, s0, s15, $0xb8;
	[tilespmem:$0x1B200] =	vst v63  }
0x137: {  	s23 =	sadd.s32 $0x480, s29  }
0x138: {  	[tilespmem:s17], [sflag:$0x3] =	stream.indirect.gather [hbm4b:s4+s15], $0x80, s23, s15, $0xb8;
	[tilespmem:$0x1B200] =	vst v63  }
0x139: {  	_ =	swait.ge [sflag:s20], $0x4000  }
0x13a: {  	[sflag:s20] =	ssyncset.done $0x0  }
0x13b: {  	[sflag:s20] =	ssyncadd.s32 $0xFFFFC000  }
0x13c: {  	_ =	swait.ge [sflag:s20], $0x4000  }
0x13d: {  	[sflag:s20] =	ssyncset.done $0x0  }
0x13e: {  	s0 =	simm.s32 $0xB400;
	[sflag:s20] =	ssyncadd.s32 $0xFFFFC000  }
0x13f: {  	v0 =	vld [tilespmem:s0+$0xA0]  }
0x140: {  	v22 =	vld [tilespmem:s0+$0x20]  }
0x141: {  	v24 =	vld [tilespmem:s0+$0xFFFFFE00]  }
0x142: {  	v25 =	vld [tilespmem:s0+$0x120]  }
0x143: {  	v27 =	vld [tilespmem:s0+$0xFFFFFE10]  }
0x144: {  	v42 =	vld [tilespmem:s0+$0xFFFFFFA0]  }
0x145: {  	v17 =	vld [tilespmem:s0+$0xFFFFFEA0]  }
0x146: {  	v23 =	vld [tilespmem:s0+$0xFFFFFE80]  }
0x147: {  	v29 =	vld [tilespmem:s0+$0x0]  }
0x148: {  	s5 =	simm.s32 $0x0;
	v13 =	vor.u32 $0x100, v11;
	v28 =	vld [tilespmem:s0+$0xFFFFFE90]  }
0x149: {  	v20 =	vor.u32 s5, v13;
	v30 =	vld [tilespmem:s0+$0xFFFFFF00]  }
0x14a: {  	s8 =	simm.s32 $0x4;
	v15 =	vor.u32 $0x500, v11;
	v34 =	vld [tilespmem:s0+$0x10]  }
0x14b: {  	s10 =	simm.s32 $0x1;
	v21 =	vor.u32 s8, v15;
	v14 =	vor.u32 $0x300, v11;
	v18 =	vld [tilespmem:s0+$0xFFFFFF20]  }
0x14c: {  	v26 =	vor.u32 s10, v14;
	v31 =	vld [tilespmem:s0+$0xFFFFFF10]  }
0x14d: {  	s11 =	simm.s32 $0x2;
	v55 =	vor.u32 s5, v14;
	v19 =	vld [tilespmem:s0+$0x180]  }
0x14e: {  	v56 =	vor.u32 s11, v13;
	v37 =	vld.idx.msk [tilespmem:v20+s13+$0x0], $0xffff  }
0x14f: {  	v57 =	vor.u32 s11, v14;
	v39 =	vld [tilespmem:s0+$0x80]  }
0x150: {  	v38 =	vld.idx.msk [tilespmem:v21+s13+$0x0], $0xffff  }
0x151: {  	v36 =	vld.idx.msk [tilespmem:v26+s13+$0x0], $0xffff  }
0x152: {  	v32 =	vld.idx.msk [tilespmem:v55+s13+$0x0], $0xffff  }
0x153: {  	s9 =	simm.s32 $0x3;
	v40 =	vld.idx.msk [tilespmem:v56+s13+$0x0], $0xffff  }
0x154: {  	v58 =	vor.u32 s9, v15;
	v35 =	vld.idx.msk [tilespmem:v57+s13+$0x0], $0xffff  }
0x155: {  	s12 =	simm.s32 $0x6;
	v41 =	vld [tilespmem:s0+$0xFFFFFE20]  }
0x156: {  	v59 =	vor.u32 s12, v15;
	s23 =	simm.s32 $0x5;
	v44 =	vld [tilespmem:s0+$0x100]  }
0x157: {  	v60 =	vor.u32 s23, v15;
	v43 =	vld [tilespmem:s0+$0xFFFFFF80]  }
0x158: {  	v61 =	vor.u32 s9, v13;
	v21 =	vld [tilespmem:s0+$0x110]  }
0x159: {  	v62 =	vor.u32 s9, v14;
	v52 =	vld.idx.msk [tilespmem:v58+s13+$0x0], $0xffff  }
0x15a: {  	v63 =	vor.u32 s8, v13;
	v50 =	vld [tilespmem:s0+$0xFFFFFF90]  }
0x15b: {  	v53 =	vld.idx.msk [tilespmem:v59+s13+$0x0], $0xffff  }
0x15c: {  	v20 =	vor.u32 s5, v15;
	v46 =	vld.idx.msk [tilespmem:v60+s13+$0x0], $0xffff  }
0x15d: {  	v26 =	vor.u32 s10, v13;
	v48 =	vld.idx.msk [tilespmem:v61+s13+$0x0], $0xffff  }
0x15e: {  	v55 =	vld.idx.msk [tilespmem:v62+s13+$0x0], $0xffff  }
0x15f: {  	v45 =	vor.u32 s8, v14;
	v49 =	vld.idx.msk [tilespmem:v63+s13+$0x0], $0xffff  }
0x160: {  	v54 =	vor.u32 s11, v15;
	v33 =	vld [tilespmem:s0+$0x90]  }
0x161: {  	v56 =	vor.u32 s23, v14;
	v20 =	vld.idx.msk [tilespmem:v20+s13+$0x0], $0xffff  }
0x162: {  	s30 =	simm.s32 $0x7;
	v16 =	vor.u32 v5, v12;
	v51 =	vor.u32 s23, v13;
	v57 =	vor.u32 s12, v13;
	v47 =	vld.idx.msk [tilespmem:v26+s13+$0x0], $0xffff  }
0x163: {  	v58 =	vor.u32 s12, v14;
	v59 =	vor.u32 s30, v13;
	v60 =	vor.u32 s30, v14;
	v26 =	vld [tilespmem:s0+$0x190]  }
0x164: {  	v61 =	vor.u32 s10, v15;
	v30 =	vmul.f32 v30, v40;
	v31 =	vmul.f32 v31, v35;
	v40 =	vld.idx.msk [tilespmem:v45+s13+$0x0], $0xffff  }
0x165: {  	v62 =	vor.u32 s30, v15;
	v45 =	vmul.f32 v28, v36;
	v35 =	vld.idx.msk [tilespmem:v54+s13+$0x0], $0xffff;
	v27 =	vmul.f32 v27, v32  }
0x166: {  	v36 =	vld.idx.msk [tilespmem:v56+s13+$0x0], $0xffff;
	v54 =	vmul.f32 v29, v49;
	v32 =	vor.u32 s8, v16;
	v24 =	vmul.f32 v24, v37  }
0x167: {  	v56 =	vld.idx.msk [tilespmem:v57+s13+$0x0], $0xffff;
	v57 =	vmul.f32 v50, v55;
	v29 =	vor.u32 s12, v16;
	v38 =	vmul.f32 v22, v38  }
0x168: {  	v49 =	vor.u32 s9, v16;
	v28 =	vadd.f32 v31, v30;
	v24 =	vadd.f32 v27, v24;
	v27 =	vld [tilespmem:s0+$0x1A0]  }
0x169: {  	v30 =	vor.u32 s10, v16;
	v31 =	vor.u32 s5, v16;
	v63 =	vmul.f32 v41, v20;
	v41 =	vld.idx.msk [tilespmem:v51+s13+$0x0], $0xffff  }
0x16a: {  	v20 =	vor.u32 s30, v16;
	v51 =	vmul.f32 v43, v48;
	v48 =	vmul.f32 v23, v47;
	v47 =	vld.idx.msk [tilespmem:v59+s13+$0x0], $0xffff  }
0x16b: {  	v23 =	vor.u32 s11, v16;
	v59 =	vmul.f32 v34, v40;
	v43 =	vld.idx.msk [tilespmem:v60+s13+$0x0], $0xffff;
	v34 =	vor.u32 s23, v16  }
0x16c: {  	v40 =	vmul.f32 v25, v53;
	v25 =	vmul.f32 v42, v52;
	v37 =	vadd.f32 v45, v48;
	v45 =	vld.idx.msk [tilespmem:v58+s13+$0x0], $0xffff  }
0x16d: {  	v44 =	vmul.f32 v44, v56;
	v48 =	vld.idx.msk [tilespmem:v61+s13+$0x0], $0xffff;
	v50 =	vadd.f32 v57, v51;
	v51 =	vadd.f32 v63, v24  }
0x16e: {  	s31 =	simm.s32 $0xB800;
	s30 =	simm.s32 $0x8;
	v42 =	vadd.f32 v59, v54;
	v41 =	vmul.f32 v39, v41;
	v39 =	vmul.f32 v0, v46;
	v46 =	vld.idx.msk [tilespmem:v62+s13+$0x0], $0xffff  }
.LBB2_7:
0x16f: {  	v0 =	vor.u32 s30, v13;
	v52 =	vor.u32 s30, v15;
	v22 =	vld [tilespmem:s31+$0xA0];
	p0 =	slt.u32 s30, $0x78;
	v19 =	vmul.f32 v19, v47;
	s5 =	smov.u32 s30;
	s30 =	sadd.s32 $0x8, s30  }
0x170: {  	v26 =	vmul.f32 v26, v43;
	v47 =	vor.u32 s5, v14;
	s9 =	sadd.s32 $0x1, s5;
	v24 =	vld [tilespmem:s31+$0x20];
	[tilespmem:v31+s22+$0x0] =	vst.idx.msk $0xffff, v51;
	v50 =	vadd.f32 v25, v50  }
0x171: {  	v18 =	vmul.f32 v18, v35;
	v21 =	vmul.f32 v21, v45;
	v31 =	vld [tilespmem:s31+$0xFFFFFE00];
	v43 =	vor.u32 s9, v13  }
0x172: {  	v33 =	vmul.f32 v33, v36;
	s10 =	sadd.s32 $0x2, s5;
	v35 =	vor.u32 s9, v14;
	v17 =	vmul.f32 v17, v48;
	v25 =	vld [tilespmem:s31+$0x120];
	[tilespmem:v49+s22+$0x0] =	vst.idx.msk $0xffff, v50  }
0x173: {  	v36 =	vor.u32 s10, v13;
	v19 =	vadd.f32 v26, v19;
	v45 =	vld [tilespmem:s31+$0xFFFFFE10];
	v26 =	vmul.f32 v27, v46  }
0x174: {  	s0 =	sadd.s32 $0x3, s5;
	v21 =	vadd.f32 v21, v44;
	v46 =	vor.u32 s10, v14;
	v37 =	vadd.f32 v17, v37;
	v27 =	vld [tilespmem:s31+$0xFFFFFFA0]  }
0x175: {  	v33 =	vadd.f32 v33, v41;
	v44 =	vor.u32 s0, v13;
	v17 =	vld [tilespmem:s31+$0xFFFFFEA0];
	v19 =	vadd.f32 v26, v19  }
0x176: {  	s12 =	sadd.s32 $0x4, s5;
	v48 =	vor.u32 s0, v14;
	v18 =	vadd.f32 v18, v28;
	v26 =	vadd.f32 v38, v42;
	v41 =	vld [tilespmem:s31+$0xFFFFFE80]  }
0x177: {  	v28 =	vor.u32 s12, v13;
	v21 =	vadd.f32 v40, v21;
	v38 =	vld [tilespmem:s31+$0x0];
	[tilespmem:v30+s22+$0x0] =	vst.idx.msk $0xffff, v37;
	v30 =	vadd.f32 v39, v33  }
0x178: {  	v39 =	vor.u32 s12, v14;
	v37 =	vld [tilespmem:s31+$0xFFFFFE90];
	[tilespmem:v32+s22+$0x0] =	vst.idx.msk $0xffff, v26  }
0x179: {  	s11 =	sadd.s32 $0x5, s5;
	v26 =	vor.u32 s12, v15;
	v32 =	vld [tilespmem:s31+$0xFFFFFF00];
	[tilespmem:v34+s22+$0x0] =	vst.idx.msk $0xffff, v30  }
0x17a: {  	v30 =	vor.u32 s11, v13;
	v34 =	vld [tilespmem:s31+$0x10];
	[tilespmem:v23+s22+$0x0] =	vst.idx.msk $0xffff, v18  }
0x17b: {  	v23 =	vor.u32 s10, v15;
	v18 =	vld [tilespmem:s31+$0xFFFFFF20];
	[tilespmem:v20+s22+$0x0] =	vst.idx.msk $0xffff, v19  }
0x17c: {  	s8 =	sadd.s32 $0x6, s5;
	v42 =	vor.u32 s11, v14;
	v40 =	vld [tilespmem:s31+$0xFFFFFF10];
	[tilespmem:v29+s22+$0x0] =	vst.idx.msk $0xffff, v21  }
0x17d: {  	v29 =	vor.u32 s8, v13;
	v19 =	vld [tilespmem:s31+$0x180]  }
0x17e: {  	s23 =	sadd.s32 $0x7, s5;
	v49 =	vor.u32 s8, v14;
	v0 =	vld.idx.msk [tilespmem:v0+s13+$0x0], $0xffff  }
0x17f: {  	v51 =	vor.u32 s23, v13;
	v50 =	vld [tilespmem:s31+$0x80]  }
0x180: {  	v54 =	vor.u32 s23, v14;
	v53 =	vld.idx.msk [tilespmem:v26+s13+$0x0], $0xffff  }
0x181: {  	v55 =	vor.u32 s9, v15;
	v35 =	vld.idx.msk [tilespmem:v35+s13+$0x0], $0xffff  }
0x182: {  	v47 =	vld.idx.msk [tilespmem:v47+s13+$0x0], $0xffff  }
0x183: {  	v20 =	vor.u32 s0, v15;
	v36 =	vld.idx.msk [tilespmem:v36+s13+$0x0], $0xffff  }
0x184: {  	v33 =	vld.idx.msk [tilespmem:v52+s13+$0x0], $0xffff;
	v52 =	vor.u32 s11, v15  }
0x185: {  	v56 =	vor.u32 s8, v15;
	v46 =	vld.idx.msk [tilespmem:v46+s13+$0x0], $0xffff  }
0x186: {  	v58 =	vor.u32 s23, v15;
	v57 =	vld [tilespmem:s31+$0xFFFFFE20]  }
0x187: {  	v59 =	vld [tilespmem:s31+$0x100]  }
0x188: {  	v60 =	vld [tilespmem:s31+$0xFFFFFF80]  }
0x189: {  	v21 =	vld [tilespmem:s31+$0x110]  }
0x18a: {  	v43 =	vld.idx.msk [tilespmem:v43+s13+$0x0], $0xffff  }
0x18b: {  	v61 =	vld.idx.msk [tilespmem:v20+s13+$0x0], $0xffff  }
0x18c: {  	v26 =	vld [tilespmem:s31+$0x190]  }
0x18d: {  	v57 =	vmul.f32 v57, v33;
	v62 =	vld [tilespmem:s31+$0xFFFFFF90]  }
0x18e: {  	v56 =	vld.idx.msk [tilespmem:v56+s13+$0x0], $0xffff  }
0x18f: {  	v52 =	vld.idx.msk [tilespmem:v52+s13+$0x0], $0xffff  }
0x190: {  	v20 =	vor.u32 s23, v16;
	v44 =	vld.idx.msk [tilespmem:v44+s13+$0x0], $0xffff  }
0x191: {  	v48 =	vld.idx.msk [tilespmem:v48+s13+$0x0], $0xffff  }
0x192: {  	v63 =	vld.idx.msk [tilespmem:v28+s13+$0x0], $0xffff  }
0x193: {  	v33 =	vld [tilespmem:s31+$0x90]  }
0x194: {  	v28 =	vmul.f32 v32, v36;
	v32 =	vmul.f32 v40, v46;
	v39 =	vld.idx.msk [tilespmem:v39+s13+$0x0], $0xffff  }
0x195: {  	v40 =	vld.idx.msk [tilespmem:v30+s13+$0x0], $0xffff  }
0x196: {  	v37 =	vmul.f32 v37, v35;
	v28 =	vadd.f32 v32, v28;
	v44 =	vmul.f32 v60, v44;
	v35 =	vld.idx.msk [tilespmem:v23+s13+$0x0], $0xffff  }
0x197: {  	v41 =	vmul.f32 v41, v43;
	v30 =	vor.u32 s9, v16;
	v23 =	vor.u32 s10, v16;
	v36 =	vld.idx.msk [tilespmem:v42+s13+$0x0], $0xffff  }
0x198: {  	v32 =	vor.u32 s12, v16;
	v42 =	vmul.f32 v45, v47;
	v60 =	vmul.f32 v38, v63;
	v63 =	vld.idx.msk [tilespmem:v29+s13+$0x0], $0xffff  }
0x199: {  	v0 =	vmul.f32 v31, v0;
	v31 =	vor.u32 s5, v16;
	v37 =	vadd.f32 v37, v41;
	v47 =	vld.idx.msk [tilespmem:v51+s13+$0x0], $0xffff  }
.Ltmp2:
0x19a: {  	v46 =	vmul.f32 v62, v48;
	v29 =	vor.u32 s8, v16;
	v62 =	vmul.f32 v34, v39;
	v43 =	vld.idx.msk [tilespmem:v54+s13+$0x0], $0xffff;
	(pc) =	sbr.rel @p0 .LBB2_7-.Ltmp2, $4  }
0x19b: {  	v38 =	vmul.f32 v24, v53;
	v0 =	vadd.f32 v42, v0;
	v41 =	vmul.f32 v50, v40;
	v45 =	vld.idx.msk [tilespmem:v49+s13+$0x0], $0xffff  }
0x19c: {  	v39 =	vmul.f32 v22, v52;
	v34 =	vor.u32 s11, v16;
	v50 =	vadd.f32 v46, v44;
	v48 =	vld.idx.msk [tilespmem:v55+s13+$0x0], $0xffff  }
0x19d: {  	v40 =	vmul.f32 v25, v56;
	v51 =	vadd.f32 v57, v0;
	v49 =	vor.u32 s0, v16;
	v46 =	vld.idx.msk [tilespmem:v58+s13+$0x0], $0xffff  }
0x19e: {  	v25 =	vmul.f32 v27, v61;
	v42 =	vadd.f32 v62, v60;
	v44 =	vmul.f32 v59, v63;
	v27 =	vld [tilespmem:s31+$0x1A0];
	s31 =	sadd.s32 $0x400, s31  }
0x19f: {  	_ =	sdelay $0x1  }
0x1a0: {  	v0 =	vmul.f32 v19, v47  }
0x1a1: {  	v14 =	vmul.f32 v33, v36;
	v16 =	vmul.f32 v26, v43;
	v15 =	vadd.f32 v25, v50  }
0x1a2: {  	[tilespmem:v31+s22+$0x0] =	vst.idx.msk $0xffff, v51;
	v13 =	vmul.f32 v17, v48;
	v17 =	vmul.f32 v18, v35  }
0x1a3: {  	v14 =	vadd.f32 v14, v41;
	[tilespmem:v49+s22+$0x0] =	vst.idx.msk $0xffff, v15;
	v15 =	vadd.f32 v38, v42  }
0x1a4: {  	v18 =	vmul.f32 v21, v45;
	v0 =	vadd.f32 v16, v0;
	v13 =	vadd.f32 v13, v37  }
0x1a5: {  	v16 =	vmul.f32 v27, v46;
	v17 =	vadd.f32 v17, v28;
	[tilespmem:v32+s22+$0x0] =	vst.idx.msk $0xffff, v15  }
0x1a6: {  	[tilespmem:v30+s22+$0x0] =	vst.idx.msk $0xffff, v13;
	v13 =	vadd.f32 v39, v14;
	v14 =	vadd.f32 v18, v44  }
0x1a7: {  	v0 =	vadd.f32 v16, v0;
	[tilespmem:v23+s22+$0x0] =	vst.idx.msk $0xffff, v17  }
0x1a8: {  	[tilespmem:v34+s22+$0x0] =	vst.idx.msk $0xffff, v13;
	v13 =	vadd.f32 v40, v14  }
0x1a9: {  	[tilespmem:v20+s22+$0x0] =	vst.idx.msk $0xffff, v0  }
0x1aa: {  	s0 =	simm.s32 $0xF5A0;
	[tilespmem:v29+s22+$0x0] =	vst.idx.msk $0xffff, v13  }
0x1ab: {  	v0 =	vld [tilespmem:s0+$0xFFFFFF00]  }
0x1ac: {  	v22 =	vld [tilespmem:s0+$0xFFFFFE80]  }
0x1ad: {  	v24 =	vld [tilespmem:s0+$0xFFFFFC60]  }
0x1ae: {  	v25 =	vld [tilespmem:s0+$0xFFFFFF80]  }
0x1af: {  	v27 =	vld [tilespmem:s0+$0xFFFFFC70]  }
0x1b0: {  	v42 =	vld [tilespmem:s0+$0xFFFFFE00]  }
0x1b1: {  	v17 =	vld [tilespmem:s0+$0xFFFFFD00]  }
0x1b2: {  	v23 =	vld [tilespmem:s0+$0xFFFFFCE0]  }
0x1b3: {  	v29 =	vld [tilespmem:s0+$0xFFFFFE60]  }
0x1b4: {  	v28 =	vld [tilespmem:s0+$0xFFFFFCF0]  }
0x1b5: {  	s8 =	simm.s32 $0x4;
	v15 =	vor.u32 $0x580, v11;
	v30 =	vld [tilespmem:s0+$0xFFFFFD60]  }
0x1b6: {  	v21 =	vor.u32 s8, v15;
	v34 =	vld [tilespmem:s0+$0xFFFFFE70]  }
0x1b7: {  	v18 =	vld [tilespmem:s0+$0xFFFFFD80]  }
0x1b8: {  	v31 =	vld [tilespmem:s0+$0xFFFFFD70]  }
0x1b9: {  	v19 =	vld [tilespmem:s0+$0xFFFFFFE0]  }
0x1ba: {  	s9 =	simm.s32 $0x3;
	v39 =	vld [tilespmem:s0+$0xFFFFFEE0]  }
0x1bb: {  	v58 =	vor.u32 s9, v15;
	v38 =	vld.idx.msk [tilespmem:v21+s13+$0x0], $0xffff  }
0x1bc: {  	s12 =	simm.s32 $0x6;
	v41 =	vld [tilespmem:s0+$0xFFFFFC80]  }
0x1bd: {  	s23 =	simm.s32 $0x5;
	v59 =	vor.u32 s12, v15;
	v44 =	vld [tilespmem:s0+$0xFFFFFF60]  }
0x1be: {  	v60 =	vor.u32 s23, v15;
	v43 =	vld [tilespmem:s0+$0xFFFFFDE0]  }
0x1bf: {  	s10 =	simm.s32 $0x1;
	v14 =	vor.u32 $0x380, v11;
	v21 =	vld [tilespmem:s0+$0xFFFFFF70]  }
0x1c0: {  	s5 =	simm.s32 $0x0;
	v26 =	vor.u32 s10, v14;
	v52 =	vld.idx.msk [tilespmem:v58+s13+$0x0], $0xffff  }
0x1c1: {  	s11 =	simm.s32 $0x2;
	v55 =	vor.u32 s5, v14;
	v50 =	vld [tilespmem:s0+$0xFFFFFDF0]  }
0x1c2: {  	v57 =	vor.u32 s11, v14;
	v53 =	vld.idx.msk [tilespmem:v59+s13+$0x0], $0xffff  }
0x1c3: {  	v62 =	vor.u32 s9, v14;
	v13 =	vor.u32 $0x180, v11;
	v46 =	vld.idx.msk [tilespmem:v60+s13+$0x0], $0xffff  }
0x1c4: {  	v20 =	vor.u32 s5, v13;
	v33 =	vld [tilespmem:s0+$0xFFFFFEF0]  }
0x1c5: {  	v56 =	vor.u32 s11, v13;
	v36 =	vld.idx.msk [tilespmem:v26+s13+$0x0], $0xffff  }
0x1c6: {  	v61 =	vor.u32 s9, v13;
	v32 =	vld.idx.msk [tilespmem:v55+s13+$0x0], $0xffff  }
0x1c7: {  	v63 =	vor.u32 s8, v13;
	v35 =	vld.idx.msk [tilespmem:v57+s13+$0x0], $0xffff  }
0x1c8: {  	v26 =	vor.u32 s10, v13;
	v55 =	vld.idx.msk [tilespmem:v62+s13+$0x0], $0xffff  }
0x1c9: {  	v37 =	vld.idx.msk [tilespmem:v20+s13+$0x0], $0xffff  }
0x1ca: {  	v54 =	vor.u32 s11, v15;
	v40 =	vld.idx.msk [tilespmem:v56+s13+$0x0], $0xffff  }
0x1cb: {  	v20 =	vor.u32 s5, v15;
	v48 =	vld.idx.msk [tilespmem:v61+s13+$0x0], $0xffff  }
0x1cc: {  	v45 =	vor.u32 s8, v14;
	v49 =	vld.idx.msk [tilespmem:v63+s13+$0x0], $0xffff  }
0x1cd: {  	v56 =	vor.u32 s23, v14;
	v47 =	vld.idx.msk [tilespmem:v26+s13+$0x0], $0xffff  }
0x1ce: {  	s30 =	simm.s32 $0x7;
	v16 =	vor.u32 v6, v12;
	v51 =	vor.u32 s23, v13;
	v57 =	vor.u32 s12, v13;
	v26 =	vld [tilespmem:s0+$0xFFFFFFF0]  }
0x1cf: {  	v58 =	vor.u32 s12, v14;
	v59 =	vor.u32 s30, v13;
	v31 =	vmul.f32 v31, v35;
	v35 =	vld.idx.msk [tilespmem:v54+s13+$0x0], $0xffff  }
0x1d0: {  	v60 =	vor.u32 s30, v14;
	v62 =	vor.u32 s30, v15;
	v38 =	vmul.f32 v22, v38;
	v20 =	vld.idx.msk [tilespmem:v20+s13+$0x0], $0xffff  }
0x1d1: {  	v61 =	vor.u32 s10, v15;
	v27 =	vmul.f32 v27, v32;
	v30 =	vmul.f32 v30, v40;
	v40 =	vld.idx.msk [tilespmem:v45+s13+$0x0], $0xffff  }
0x1d2: {  	v32 =	vor.u32 s8, v16;
	v45 =	vmul.f32 v28, v36;
	v36 =	vld.idx.msk [tilespmem:v56+s13+$0x0], $0xffff;
	v24 =	vmul.f32 v24, v37  }
0x1d3: {  	v54 =	vmul.f32 v29, v49;
	v56 =	vld.idx.msk [tilespmem:v57+s13+$0x0], $0xffff;
	v57 =	vmul.f32 v50, v55;
	v29 =	vor.u32 s12, v16  }
0x1d4: {  	v49 =	vor.u32 s9, v16;
	v28 =	vadd.f32 v31, v30;
	v24 =	vadd.f32 v27, v24;
	v27 =	vld [tilespmem:s0+$0x0]  }
0x1d5: {  	v30 =	vor.u32 s10, v16;
	v31 =	vor.u32 s5, v16;
	v63 =	vmul.f32 v41, v20;
	v41 =	vld.idx.msk [tilespmem:v51+s13+$0x0], $0xffff  }
0x1d6: {  	v20 =	vor.u32 s30, v16;
	v51 =	vmul.f32 v43, v48;
	v48 =	vmul.f32 v23, v47;
	v47 =	vld.idx.msk [tilespmem:v59+s13+$0x0], $0xffff  }
0x1d7: {  	v23 =	vor.u32 s11, v16;
	v59 =	vmul.f32 v34, v40;
	v43 =	vld.idx.msk [tilespmem:v60+s13+$0x0], $0xffff;
	v34 =	vor.u32 s23, v16  }
0x1d8: {  	v40 =	vmul.f32 v25, v53;
	v25 =	vmul.f32 v42, v52;
	v37 =	vadd.f32 v45, v48;
	v45 =	vld.idx.msk [tilespmem:v58+s13+$0x0], $0xffff  }
0x1d9: {  	v44 =	vmul.f32 v44, v56;
	v48 =	vld.idx.msk [tilespmem:v61+s13+$0x0], $0xffff;
	v50 =	vadd.f32 v57, v51;
	v51 =	vadd.f32 v63, v24  }
0x1da: {  	s31 =	simm.s32 $0xF9A0;
	s30 =	simm.s32 $0x8;
	v42 =	vadd.f32 v59, v54;
	v41 =	vmul.f32 v39, v41;
	v39 =	vmul.f32 v0, v46;
	v46 =	vld.idx.msk [tilespmem:v62+s13+$0x0], $0xffff  }
.LBB2_9:
0x1db: {  	v0 =	vor.u32 s30, v13;
	v52 =	vor.u32 s30, v15;
	v22 =	vld [tilespmem:s31+$0xFFFFFF00];
	p0 =	slt.u32 s30, $0x78;
	v19 =	vmul.f32 v19, v47;
	s5 =	smov.u32 s30;
	s30 =	sadd.s32 $0x8, s30  }
0x1dc: {  	v26 =	vmul.f32 v26, v43;
	v47 =	vor.u32 s5, v14;
	s9 =	sadd.s32 $0x1, s5;
	v24 =	vld [tilespmem:s31+$0xFFFFFE80];
	[tilespmem:v31+s22+$0x0] =	vst.idx.msk $0xffff, v51;
	v50 =	vadd.f32 v25, v50  }
0x1dd: {  	v18 =	vmul.f32 v18, v35;
	v21 =	vmul.f32 v21, v45;
	v31 =	vld [tilespmem:s31+$0xFFFFFC60];
	v43 =	vor.u32 s9, v13  }
0x1de: {  	v33 =	vmul.f32 v33, v36;
	s10 =	sadd.s32 $0x2, s5;
	v35 =	vor.u32 s9, v14;
	v17 =	vmul.f32 v17, v48;
	v25 =	vld [tilespmem:s31+$0xFFFFFF80];
	[tilespmem:v49+s22+$0x0] =	vst.idx.msk $0xffff, v50  }
0x1df: {  	v36 =	vor.u32 s10, v13;
	v19 =	vadd.f32 v26, v19;
	v45 =	vld [tilespmem:s31+$0xFFFFFC70];
	v26 =	vmul.f32 v27, v46  }
0x1e0: {  	s0 =	sadd.s32 $0x3, s5;
	v21 =	vadd.f32 v21, v44;
	v46 =	vor.u32 s10, v14;
	v37 =	vadd.f32 v17, v37;
	v27 =	vld [tilespmem:s31+$0xFFFFFE00]  }
0x1e1: {  	v33 =	vadd.f32 v33, v41;
	v44 =	vor.u32 s0, v13;
	v17 =	vld [tilespmem:s31+$0xFFFFFD00];
	v19 =	vadd.f32 v26, v19  }
0x1e2: {  	s12 =	sadd.s32 $0x4, s5;
	v48 =	vor.u32 s0, v14;
	v18 =	vadd.f32 v18, v28;
	v26 =	vadd.f32 v38, v42;
	v41 =	vld [tilespmem:s31+$0xFFFFFCE0]  }
0x1e3: {  	v28 =	vor.u32 s12, v13;
	v21 =	vadd.f32 v40, v21;
	v38 =	vld [tilespmem:s31+$0xFFFFFE60];
	[tilespmem:v30+s22+$0x0] =	vst.idx.msk $0xffff, v37;
	v30 =	vadd.f32 v39, v33  }
0x1e4: {  	v39 =	vor.u32 s12, v14;
	v37 =	vld [tilespmem:s31+$0xFFFFFCF0];
	[tilespmem:v32+s22+$0x0] =	vst.idx.msk $0xffff, v26  }
0x1e5: {  	s11 =	sadd.s32 $0x5, s5;
	v26 =	vor.u32 s12, v15;
	v32 =	vld [tilespmem:s31+$0xFFFFFD60];
	[tilespmem:v34+s22+$0x0] =	vst.idx.msk $0xffff, v30  }
0x1e6: {  	v30 =	vor.u32 s11, v13;
	v34 =	vld [tilespmem:s31+$0xFFFFFE70];
	[tilespmem:v23+s22+$0x0] =	vst.idx.msk $0xffff, v18  }
0x1e7: {  	v23 =	vor.u32 s10, v15;
	v18 =	vld [tilespmem:s31+$0xFFFFFD80];
	[tilespmem:v20+s22+$0x0] =	vst.idx.msk $0xffff, v19  }
0x1e8: {  	s8 =	sadd.s32 $0x6, s5;
	v42 =	vor.u32 s11, v14;
	v40 =	vld [tilespmem:s31+$0xFFFFFD70];
	[tilespmem:v29+s22+$0x0] =	vst.idx.msk $0xffff, v21  }
0x1e9: {  	v29 =	vor.u32 s8, v13;
	v19 =	vld [tilespmem:s31+$0xFFFFFFE0]  }
0x1ea: {  	s23 =	sadd.s32 $0x7, s5;
	v49 =	vor.u32 s8, v14;
	v0 =	vld.idx.msk [tilespmem:v0+s13+$0x0], $0xffff  }
0x1eb: {  	v51 =	vor.u32 s23, v13;
	v50 =	vld [tilespmem:s31+$0xFFFFFEE0]  }
0x1ec: {  	v54 =	vor.u32 s23, v14;
	v53 =	vld.idx.msk [tilespmem:v26+s13+$0x0], $0xffff  }
0x1ed: {  	v55 =	vor.u32 s9, v15;
	v35 =	vld.idx.msk [tilespmem:v35+s13+$0x0], $0xffff  }
0x1ee: {  	v47 =	vld.idx.msk [tilespmem:v47+s13+$0x0], $0xffff  }
0x1ef: {  	v20 =	vor.u32 s0, v15;
	v36 =	vld.idx.msk [tilespmem:v36+s13+$0x0], $0xffff  }
0x1f0: {  	v33 =	vld.idx.msk [tilespmem:v52+s13+$0x0], $0xffff;
	v52 =	vor.u32 s11, v15  }
0x1f1: {  	v56 =	vor.u32 s8, v15;
	v46 =	vld.idx.msk [tilespmem:v46+s13+$0x0], $0xffff  }
0x1f2: {  	v58 =	vor.u32 s23, v15;
	v57 =	vld [tilespmem:s31+$0xFFFFFC80]  }
0x1f3: {  	v59 =	vld [tilespmem:s31+$0xFFFFFF60]  }
0x1f4: {  	v60 =	vld [tilespmem:s31+$0xFFFFFDE0]  }
0x1f5: {  	v21 =	vld [tilespmem:s31+$0xFFFFFF70]  }
0x1f6: {  	v43 =	vld.idx.msk [tilespmem:v43+s13+$0x0], $0xffff  }
0x1f7: {  	v61 =	vld.idx.msk [tilespmem:v20+s13+$0x0], $0xffff  }
0x1f8: {  	v26 =	vld [tilespmem:s31+$0xFFFFFFF0]  }
0x1f9: {  	v57 =	vmul.f32 v57, v33;
	v62 =	vld [tilespmem:s31+$0xFFFFFDF0]  }
0x1fa: {  	v56 =	vld.idx.msk [tilespmem:v56+s13+$0x0], $0xffff  }
0x1fb: {  	v52 =	vld.idx.msk [tilespmem:v52+s13+$0x0], $0xffff  }
0x1fc: {  	v20 =	vor.u32 s23, v16;
	v44 =	vld.idx.msk [tilespmem:v44+s13+$0x0], $0xffff  }
0x1fd: {  	v48 =	vld.idx.msk [tilespmem:v48+s13+$0x0], $0xffff  }
0x1fe: {  	v63 =	vld.idx.msk [tilespmem:v28+s13+$0x0], $0xffff  }
0x1ff: {  	v33 =	vld [tilespmem:s31+$0xFFFFFEF0]  }
0x200: {  	v28 =	vmul.f32 v32, v36;
	v32 =	vmul.f32 v40, v46;
	v39 =	vld.idx.msk [tilespmem:v39+s13+$0x0], $0xffff  }
0x201: {  	v40 =	vld.idx.msk [tilespmem:v30+s13+$0x0], $0xffff  }
0x202: {  	v37 =	vmul.f32 v37, v35;
	v28 =	vadd.f32 v32, v28;
	v44 =	vmul.f32 v60, v44;
	v35 =	vld.idx.msk [tilespmem:v23+s13+$0x0], $0xffff  }
0x203: {  	v41 =	vmul.f32 v41, v43;
	v30 =	vor.u32 s9, v16;
	v23 =	vor.u32 s10, v16;
	v36 =	vld.idx.msk [tilespmem:v42+s13+$0x0], $0xffff  }
0x204: {  	v32 =	vor.u32 s12, v16;
	v42 =	vmul.f32 v45, v47;
	v60 =	vmul.f32 v38, v63;
	v63 =	vld.idx.msk [tilespmem:v29+s13+$0x0], $0xffff  }
0x205: {  	v0 =	vmul.f32 v31, v0;
	v31 =	vor.u32 s5, v16;
	v37 =	vadd.f32 v37, v41;
	v47 =	vld.idx.msk [tilespmem:v51+s13+$0x0], $0xffff  }
.Ltmp3:
0x206: {  	v46 =	vmul.f32 v62, v48;
	v29 =	vor.u32 s8, v16;
	v62 =	vmul.f32 v34, v39;
	v43 =	vld.idx.msk [tilespmem:v54+s13+$0x0], $0xffff;
	(pc) =	sbr.rel @p0 .LBB2_9-.Ltmp3, $4  }
0x207: {  	v38 =	vmul.f32 v24, v53;
	v0 =	vadd.f32 v42, v0;
	v41 =	vmul.f32 v50, v40;
	v45 =	vld.idx.msk [tilespmem:v49+s13+$0x0], $0xffff  }
0x208: {  	v39 =	vmul.f32 v22, v52;
	v34 =	vor.u32 s11, v16;
	v50 =	vadd.f32 v46, v44;
	v48 =	vld.idx.msk [tilespmem:v55+s13+$0x0], $0xffff  }
0x209: {  	v40 =	vmul.f32 v25, v56;
	v51 =	vadd.f32 v57, v0;
	v49 =	vor.u32 s0, v16;
	v46 =	vld.idx.msk [tilespmem:v58+s13+$0x0], $0xffff  }
0x20a: {  	v25 =	vmul.f32 v27, v61;
	v42 =	vadd.f32 v62, v60;
	v44 =	vmul.f32 v59, v63;
	v27 =	vld [tilespmem:s31+$0x0];
	s31 =	sadd.s32 $0x400, s31  }
0x20b: {  	_ =	sdelay $0x1  }
0x20c: {  	v0 =	vmul.f32 v19, v47  }
0x20d: {  	v14 =	vmul.f32 v33, v36;
	v16 =	vmul.f32 v26, v43;
	v15 =	vadd.f32 v25, v50  }
0x20e: {  	[tilespmem:v31+s22+$0x0] =	vst.idx.msk $0xffff, v51;
	v13 =	vmul.f32 v17, v48;
	v17 =	vmul.f32 v18, v35  }
0x20f: {  	v14 =	vadd.f32 v14, v41;
	[tilespmem:v49+s22+$0x0] =	vst.idx.msk $0xffff, v15;
	v15 =	vadd.f32 v38, v42  }
0x210: {  	v18 =	vmul.f32 v21, v45;
	v0 =	vadd.f32 v16, v0;
	v13 =	vadd.f32 v13, v37  }
0x211: {  	v16 =	vmul.f32 v27, v46;
	v17 =	vadd.f32 v17, v28;
	[tilespmem:v32+s22+$0x0] =	vst.idx.msk $0xffff, v15  }
0x212: {  	[tilespmem:v30+s22+$0x0] =	vst.idx.msk $0xffff, v13;
	v13 =	vadd.f32 v39, v14;
	v14 =	vadd.f32 v18, v44  }
0x213: {  	v0 =	vadd.f32 v16, v0;
	[tilespmem:v23+s22+$0x0] =	vst.idx.msk $0xffff, v17  }
0x214: {  	[tilespmem:v34+s22+$0x0] =	vst.idx.msk $0xffff, v13;
	v13 =	vadd.f32 v40, v14  }
0x215: {  	[tilespmem:v20+s22+$0x0] =	vst.idx.msk $0xffff, v0  }
0x216: {  	s0 =	sadd.s32 $0x500, s29;
	[tilespmem:v29+s22+$0x0] =	vst.idx.msk $0xffff, v13  }
0x217: {  	[tilespmem:s18], [sflag:$0x3] =	stream.indirect.gather [hbm4b:s4+s15], $0x80, s0, s15, $0xb8;
	[tilespmem:$0x1B200] =	vst v63  }
0x218: {  	s23 =	sadd.s32 $0x580, s29  }
0x219: {  	[tilespmem:s19], [sflag:$0x3] =	stream.indirect.gather [hbm4b:s4+s15], $0x80, s23, s15, $0xb8;
	[tilespmem:$0x1B200] =	vst v63  }
0x21a: {  	_ =	swait.ge [sflag:s20], $0x4000  }
0x21b: {  	[sflag:s20] =	ssyncset.done $0x0  }
0x21c: {  	[sflag:s20] =	ssyncadd.s32 $0xFFFFC000  }
0x21d: {  	_ =	swait.ge [sflag:s20], $0x4000  }
0x21e: {  	[sflag:s20] =	ssyncset.done $0x0  }
0x21f: {  	s31 =	simm.s32 $0x3400;
	[sflag:s20] =	ssyncadd.s32 $0xFFFFC000  }
0x220: {  	v0 =	vld [tilespmem:s31+$0xA0]  }
0x221: {  	v22 =	vld [tilespmem:s31+$0x20]  }
0x222: {  	v24 =	vld [tilespmem:s31+$0xFFFFFE00]  }
0x223: {  	v25 =	vld [tilespmem:s31+$0x120]  }
0x224: {  	v27 =	vld [tilespmem:s31+$0xFFFFFE10]  }
0x225: {  	v42 =	vld [tilespmem:s31+$0xFFFFFFA0]  }
0x226: {  	v17 =	vld [tilespmem:s31+$0xFFFFFEA0]  }
0x227: {  	v23 =	vld [tilespmem:s31+$0xFFFFFE80]  }
0x228: {  	v29 =	vld [tilespmem:s31+$0x0]  }
0x229: {  	s5 =	simm.s32 $0x0;
	v13 =	vor.u32 $0x800, v11;
	v28 =	vld [tilespmem:s31+$0xFFFFFE90]  }
0x22a: {  	v20 =	vor.u32 s5, v13;
	v30 =	vld [tilespmem:s31+$0xFFFFFF00]  }
0x22b: {  	s8 =	simm.s32 $0x4;
	v15 =	vor.u32 $0xC00, v11;
	v34 =	vld [tilespmem:s31+$0x10]  }
0x22c: {  	s10 =	simm.s32 $0x1;
	v21 =	vor.u32 s8, v15;
	v14 =	vor.u32 $0xA00, v11;
	v18 =	vld [tilespmem:s31+$0xFFFFFF20]  }
0x22d: {  	v26 =	vor.u32 s10, v14;
	v31 =	vld [tilespmem:s31+$0xFFFFFF10]  }
0x22e: {  	s11 =	simm.s32 $0x2;
	v55 =	vor.u32 s5, v14;
	v19 =	vld [tilespmem:s31+$0x180]  }
0x22f: {  	v56 =	vor.u32 s11, v13;
	v37 =	vld.idx.msk [tilespmem:v20+s13+$0x0], $0xffff  }
0x230: {  	v57 =	vor.u32 s11, v14;
	v39 =	vld [tilespmem:s31+$0x80]  }
0x231: {  	v38 =	vld.idx.msk [tilespmem:v21+s13+$0x0], $0xffff  }
0x232: {  	v36 =	vld.idx.msk [tilespmem:v26+s13+$0x0], $0xffff  }
0x233: {  	v32 =	vld.idx.msk [tilespmem:v55+s13+$0x0], $0xffff  }
0x234: {  	s9 =	simm.s32 $0x3;
	v40 =	vld.idx.msk [tilespmem:v56+s13+$0x0], $0xffff  }
0x235: {  	v58 =	vor.u32 s9, v15;
	v35 =	vld.idx.msk [tilespmem:v57+s13+$0x0], $0xffff  }
0x236: {  	s12 =	simm.s32 $0x6;
	v41 =	vld [tilespmem:s31+$0xFFFFFE20]  }
0x237: {  	v59 =	vor.u32 s12, v15;
	s23 =	simm.s32 $0x5;
	v44 =	vld [tilespmem:s31+$0x100]  }
0x238: {  	v60 =	vor.u32 s23, v15;
	v43 =	vld [tilespmem:s31+$0xFFFFFF80]  }
0x239: {  	v61 =	vor.u32 s9, v13;
	v21 =	vld [tilespmem:s31+$0x110]  }
0x23a: {  	v62 =	vor.u32 s9, v14;
	v52 =	vld.idx.msk [tilespmem:v58+s13+$0x0], $0xffff  }
0x23b: {  	v63 =	vor.u32 s8, v13;
	v50 =	vld [tilespmem:s31+$0xFFFFFF90]  }
0x23c: {  	v53 =	vld.idx.msk [tilespmem:v59+s13+$0x0], $0xffff  }
0x23d: {  	v20 =	vor.u32 s5, v15;
	v46 =	vld.idx.msk [tilespmem:v60+s13+$0x0], $0xffff  }
0x23e: {  	v26 =	vor.u32 s10, v13;
	v48 =	vld.idx.msk [tilespmem:v61+s13+$0x0], $0xffff  }
0x23f: {  	v55 =	vld.idx.msk [tilespmem:v62+s13+$0x0], $0xffff  }
0x240: {  	v45 =	vor.u32 s8, v14;
	v49 =	vld.idx.msk [tilespmem:v63+s13+$0x0], $0xffff  }
0x241: {  	v54 =	vor.u32 s11, v15;
	v33 =	vld [tilespmem:s31+$0x90]  }
0x242: {  	v56 =	vor.u32 s23, v14;
	v20 =	vld.idx.msk [tilespmem:v20+s13+$0x0], $0xffff  }
0x243: {  	s29 =	simm.s32 $0x7;
	v16 =	vor.u32 v7, v12;
	v51 =	vor.u32 s23, v13;
	v57 =	vor.u32 s12, v13;
	v47 =	vld.idx.msk [tilespmem:v26+s13+$0x0], $0xffff  }
0x244: {  	v58 =	vor.u32 s12, v14;
	v59 =	vor.u32 s29, v13;
	v60 =	vor.u32 s29, v14;
	v26 =	vld [tilespmem:s31+$0x190]  }
0x245: {  	v61 =	vor.u32 s10, v15;
	v30 =	vmul.f32 v30, v40;
	v31 =	vmul.f32 v31, v35;
	v40 =	vld.idx.msk [tilespmem:v45+s13+$0x0], $0xffff  }
0x246: {  	v62 =	vor.u32 s29, v15;
	v45 =	vmul.f32 v28, v36;
	v35 =	vld.idx.msk [tilespmem:v54+s13+$0x0], $0xffff;
	v27 =	vmul.f32 v27, v32  }
0x247: {  	v36 =	vld.idx.msk [tilespmem:v56+s13+$0x0], $0xffff;
	v54 =	vmul.f32 v29, v49;
	v32 =	vor.u32 s8, v16;
	v24 =	vmul.f32 v24, v37  }
0x248: {  	v56 =	vld.idx.msk [tilespmem:v57+s13+$0x0], $0xffff;
	v57 =	vmul.f32 v50, v55;
	v29 =	vor.u32 s12, v16;
	v38 =	vmul.f32 v22, v38  }
0x249: {  	v49 =	vor.u32 s9, v16;
	v28 =	vadd.f32 v31, v30;
	v24 =	vadd.f32 v27, v24;
	v27 =	vld [tilespmem:s31+$0x1A0]  }
0x24a: {  	v30 =	vor.u32 s10, v16;
	v31 =	vor.u32 s5, v16;
	v63 =	vmul.f32 v41, v20;
	v41 =	vld.idx.msk [tilespmem:v51+s13+$0x0], $0xffff  }
0x24b: {  	v20 =	vor.u32 s29, v16;
	v51 =	vmul.f32 v43, v48;
	v48 =	vmul.f32 v23, v47;
	v47 =	vld.idx.msk [tilespmem:v59+s13+$0x0], $0xffff  }
0x24c: {  	v23 =	vor.u32 s11, v16;
	v59 =	vmul.f32 v34, v40;
	v43 =	vld.idx.msk [tilespmem:v60+s13+$0x0], $0xffff;
	v34 =	vor.u32 s23, v16  }
0x24d: {  	v40 =	vmul.f32 v25, v53;
	v25 =	vmul.f32 v42, v52;
	v37 =	vadd.f32 v45, v48;
	v45 =	vld.idx.msk [tilespmem:v58+s13+$0x0], $0xffff  }
0x24e: {  	v44 =	vmul.f32 v44, v56;
	v48 =	vld.idx.msk [tilespmem:v61+s13+$0x0], $0xffff;
	v50 =	vadd.f32 v57, v51;
	v51 =	vadd.f32 v63, v24  }
0x24f: {  	s30 =	simm.s32 $0x3800;
	s29 =	simm.s32 $0x8;
	v42 =	vadd.f32 v59, v54;
	v41 =	vmul.f32 v39, v41;
	v39 =	vmul.f32 v0, v46;
	v46 =	vld.idx.msk [tilespmem:v62+s13+$0x0], $0xffff  }
.LBB2_11:
0x250: {  	v0 =	vor.u32 s29, v13;
	v52 =	vor.u32 s29, v15;
	v22 =	vld [tilespmem:s30+$0xA0];
	p0 =	slt.u32 s29, $0x78;
	v19 =	vmul.f32 v19, v47;
	s5 =	smov.u32 s29;
	s29 =	sadd.s32 $0x8, s29  }
0x251: {  	v26 =	vmul.f32 v26, v43;
	v47 =	vor.u32 s5, v14;
	s9 =	sadd.s32 $0x1, s5;
	v24 =	vld [tilespmem:s30+$0x20];
	[tilespmem:v31+s22+$0x0] =	vst.idx.msk $0xffff, v51;
	v50 =	vadd.f32 v25, v50  }
0x252: {  	v18 =	vmul.f32 v18, v35;
	v21 =	vmul.f32 v21, v45;
	v31 =	vld [tilespmem:s30+$0xFFFFFE00];
	v43 =	vor.u32 s9, v13  }
0x253: {  	v33 =	vmul.f32 v33, v36;
	s10 =	sadd.s32 $0x2, s5;
	v35 =	vor.u32 s9, v14;
	v17 =	vmul.f32 v17, v48;
	v25 =	vld [tilespmem:s30+$0x120];
	[tilespmem:v49+s22+$0x0] =	vst.idx.msk $0xffff, v50  }
0x254: {  	v36 =	vor.u32 s10, v13;
	v19 =	vadd.f32 v26, v19;
	v45 =	vld [tilespmem:s30+$0xFFFFFE10];
	v26 =	vmul.f32 v27, v46  }
0x255: {  	s0 =	sadd.s32 $0x3, s5;
	v21 =	vadd.f32 v21, v44;
	v46 =	vor.u32 s10, v14;
	v37 =	vadd.f32 v17, v37;
	v27 =	vld [tilespmem:s30+$0xFFFFFFA0]  }
0x256: {  	v33 =	vadd.f32 v33, v41;
	v44 =	vor.u32 s0, v13;
	v17 =	vld [tilespmem:s30+$0xFFFFFEA0];
	v19 =	vadd.f32 v26, v19  }
0x257: {  	s12 =	sadd.s32 $0x4, s5;
	v48 =	vor.u32 s0, v14;
	v18 =	vadd.f32 v18, v28;
	v26 =	vadd.f32 v38, v42;
	v41 =	vld [tilespmem:s30+$0xFFFFFE80]  }
0x258: {  	v28 =	vor.u32 s12, v13;
	v21 =	vadd.f32 v40, v21;
	v38 =	vld [tilespmem:s30+$0x0];
	[tilespmem:v30+s22+$0x0] =	vst.idx.msk $0xffff, v37;
	v30 =	vadd.f32 v39, v33  }
0x259: {  	v39 =	vor.u32 s12, v14;
	v37 =	vld [tilespmem:s30+$0xFFFFFE90];
	[tilespmem:v32+s22+$0x0] =	vst.idx.msk $0xffff, v26  }
0x25a: {  	s11 =	sadd.s32 $0x5, s5;
	v26 =	vor.u32 s12, v15;
	v32 =	vld [tilespmem:s30+$0xFFFFFF00];
	[tilespmem:v34+s22+$0x0] =	vst.idx.msk $0xffff, v30  }
0x25b: {  	v30 =	vor.u32 s11, v13;
	v34 =	vld [tilespmem:s30+$0x10];
	[tilespmem:v23+s22+$0x0] =	vst.idx.msk $0xffff, v18  }
0x25c: {  	v23 =	vor.u32 s10, v15;
	v18 =	vld [tilespmem:s30+$0xFFFFFF20];
	[tilespmem:v20+s22+$0x0] =	vst.idx.msk $0xffff, v19  }
0x25d: {  	s8 =	sadd.s32 $0x6, s5;
	v42 =	vor.u32 s11, v14;
	v40 =	vld [tilespmem:s30+$0xFFFFFF10];
	[tilespmem:v29+s22+$0x0] =	vst.idx.msk $0xffff, v21  }
0x25e: {  	v29 =	vor.u32 s8, v13;
	v19 =	vld [tilespmem:s30+$0x180]  }
0x25f: {  	s23 =	sadd.s32 $0x7, s5;
	v49 =	vor.u32 s8, v14;
	v0 =	vld.idx.msk [tilespmem:v0+s13+$0x0], $0xffff  }
0x260: {  	v51 =	vor.u32 s23, v13;
	v50 =	vld [tilespmem:s30+$0x80]  }
0x261: {  	v54 =	vor.u32 s23, v14;
	v53 =	vld.idx.msk [tilespmem:v26+s13+$0x0], $0xffff  }
0x262: {  	v55 =	vor.u32 s9, v15;
	v35 =	vld.idx.msk [tilespmem:v35+s13+$0x0], $0xffff  }
0x263: {  	v47 =	vld.idx.msk [tilespmem:v47+s13+$0x0], $0xffff  }
0x264: {  	v20 =	vor.u32 s0, v15;
	v36 =	vld.idx.msk [tilespmem:v36+s13+$0x0], $0xffff  }
0x265: {  	v33 =	vld.idx.msk [tilespmem:v52+s13+$0x0], $0xffff;
	v52 =	vor.u32 s11, v15  }
0x266: {  	v56 =	vor.u32 s8, v15;
	v46 =	vld.idx.msk [tilespmem:v46+s13+$0x0], $0xffff  }
0x267: {  	v58 =	vor.u32 s23, v15;
	v57 =	vld [tilespmem:s30+$0xFFFFFE20]  }
0x268: {  	v59 =	vld [tilespmem:s30+$0x100]  }
0x269: {  	v60 =	vld [tilespmem:s30+$0xFFFFFF80]  }
0x26a: {  	v21 =	vld [tilespmem:s30+$0x110]  }
0x26b: {  	v43 =	vld.idx.msk [tilespmem:v43+s13+$0x0], $0xffff  }
0x26c: {  	v61 =	vld.idx.msk [tilespmem:v20+s13+$0x0], $0xffff  }
0x26d: {  	v26 =	vld [tilespmem:s30+$0x190]  }
0x26e: {  	v57 =	vmul.f32 v57, v33;
	v62 =	vld [tilespmem:s30+$0xFFFFFF90]  }
0x26f: {  	v56 =	vld.idx.msk [tilespmem:v56+s13+$0x0], $0xffff  }
0x270: {  	v52 =	vld.idx.msk [tilespmem:v52+s13+$0x0], $0xffff  }
0x271: {  	v20 =	vor.u32 s23, v16;
	v44 =	vld.idx.msk [tilespmem:v44+s13+$0x0], $0xffff  }
0x272: {  	v48 =	vld.idx.msk [tilespmem:v48+s13+$0x0], $0xffff  }
0x273: {  	v63 =	vld.idx.msk [tilespmem:v28+s13+$0x0], $0xffff  }
0x274: {  	v33 =	vld [tilespmem:s30+$0x90]  }
0x275: {  	v28 =	vmul.f32 v32, v36;
	v32 =	vmul.f32 v40, v46;
	v39 =	vld.idx.msk [tilespmem:v39+s13+$0x0], $0xffff  }
0x276: {  	v40 =	vld.idx.msk [tilespmem:v30+s13+$0x0], $0xffff  }
0x277: {  	v37 =	vmul.f32 v37, v35;
	v28 =	vadd.f32 v32, v28;
	v44 =	vmul.f32 v60, v44;
	v35 =	vld.idx.msk [tilespmem:v23+s13+$0x0], $0xffff  }
0x278: {  	v41 =	vmul.f32 v41, v43;
	v30 =	vor.u32 s9, v16;
	v23 =	vor.u32 s10, v16;
	v36 =	vld.idx.msk [tilespmem:v42+s13+$0x0], $0xffff  }
0x279: {  	v32 =	vor.u32 s12, v16;
	v42 =	vmul.f32 v45, v47;
	v60 =	vmul.f32 v38, v63;
	v63 =	vld.idx.msk [tilespmem:v29+s13+$0x0], $0xffff  }
0x27a: {  	v0 =	vmul.f32 v31, v0;
	v31 =	vor.u32 s5, v16;
	v37 =	vadd.f32 v37, v41;
	v47 =	vld.idx.msk [tilespmem:v51+s13+$0x0], $0xffff  }
.Ltmp4:
0x27b: {  	v46 =	vmul.f32 v62, v48;
	v29 =	vor.u32 s8, v16;
	v62 =	vmul.f32 v34, v39;
	v43 =	vld.idx.msk [tilespmem:v54+s13+$0x0], $0xffff;
	(pc) =	sbr.rel @p0 .LBB2_11-.Ltmp4, $4  }
0x27c: {  	v38 =	vmul.f32 v24, v53;
	v0 =	vadd.f32 v42, v0;
	v41 =	vmul.f32 v50, v40;
	v45 =	vld.idx.msk [tilespmem:v49+s13+$0x0], $0xffff  }
0x27d: {  	v39 =	vmul.f32 v22, v52;
	v34 =	vor.u32 s11, v16;
	v50 =	vadd.f32 v46, v44;
	v48 =	vld.idx.msk [tilespmem:v55+s13+$0x0], $0xffff  }
0x27e: {  	v40 =	vmul.f32 v25, v56;
	v51 =	vadd.f32 v57, v0;
	v49 =	vor.u32 s0, v16;
	v46 =	vld.idx.msk [tilespmem:v58+s13+$0x0], $0xffff  }
0x27f: {  	v25 =	vmul.f32 v27, v61;
	v42 =	vadd.f32 v62, v60;
	v44 =	vmul.f32 v59, v63;
	v27 =	vld [tilespmem:s30+$0x1A0];
	s30 =	sadd.s32 $0x400, s30  }
0x280: {  	_ =	sdelay $0x1  }
0x281: {  	v0 =	vmul.f32 v19, v47  }
0x282: {  	v14 =	vmul.f32 v33, v36;
	v16 =	vmul.f32 v26, v43;
	v15 =	vadd.f32 v25, v50  }
0x283: {  	[tilespmem:v31+s22+$0x0] =	vst.idx.msk $0xffff, v51;
	v13 =	vmul.f32 v17, v48;
	v17 =	vmul.f32 v18, v35  }
0x284: {  	v14 =	vadd.f32 v14, v41;
	[tilespmem:v49+s22+$0x0] =	vst.idx.msk $0xffff, v15;
	v15 =	vadd.f32 v38, v42  }
0x285: {  	v18 =	vmul.f32 v21, v45;
	v0 =	vadd.f32 v16, v0;
	v13 =	vadd.f32 v13, v37  }
0x286: {  	v16 =	vmul.f32 v27, v46;
	v17 =	vadd.f32 v17, v28;
	[tilespmem:v32+s22+$0x0] =	vst.idx.msk $0xffff, v15  }
0x287: {  	[tilespmem:v30+s22+$0x0] =	vst.idx.msk $0xffff, v13;
	v13 =	vadd.f32 v39, v14;
	v14 =	vadd.f32 v18, v44  }
0x288: {  	v0 =	vadd.f32 v16, v0;
	[tilespmem:v23+s22+$0x0] =	vst.idx.msk $0xffff, v17  }
0x289: {  	[tilespmem:v34+s22+$0x0] =	vst.idx.msk $0xffff, v13;
	v13 =	vadd.f32 v40, v14  }
0x28a: {  	[tilespmem:v20+s22+$0x0] =	vst.idx.msk $0xffff, v0  }
0x28b: {  	s0 =	simm.s32 $0x75A0;
	[tilespmem:v29+s22+$0x0] =	vst.idx.msk $0xffff, v13  }
0x28c: {  	v0 =	vld [tilespmem:s0+$0xFFFFFF00]  }
0x28d: {  	v22 =	vld [tilespmem:s0+$0xFFFFFE80]  }
0x28e: {  	v24 =	vld [tilespmem:s0+$0xFFFFFC60]  }
0x28f: {  	v25 =	vld [tilespmem:s0+$0xFFFFFF80]  }
0x290: {  	v27 =	vld [tilespmem:s0+$0xFFFFFC70]  }
0x291: {  	v42 =	vld [tilespmem:s0+$0xFFFFFE00]  }
0x292: {  	v17 =	vld [tilespmem:s0+$0xFFFFFD00]  }
0x293: {  	v23 =	vld [tilespmem:s0+$0xFFFFFCE0]  }
0x294: {  	v29 =	vld [tilespmem:s0+$0xFFFFFE60]  }
0x295: {  	v28 =	vld [tilespmem:s0+$0xFFFFFCF0]  }
0x296: {  	s8 =	simm.s32 $0x4;
	v15 =	vor.u32 $0xC80, v11;
	v30 =	vld [tilespmem:s0+$0xFFFFFD60]  }
0x297: {  	v21 =	vor.u32 s8, v15;
	v34 =	vld [tilespmem:s0+$0xFFFFFE70]  }
0x298: {  	v18 =	vld [tilespmem:s0+$0xFFFFFD80]  }
0x299: {  	v31 =	vld [tilespmem:s0+$0xFFFFFD70]  }
0x29a: {  	v19 =	vld [tilespmem:s0+$0xFFFFFFE0]  }
0x29b: {  	s9 =	simm.s32 $0x3;
	v39 =	vld [tilespmem:s0+$0xFFFFFEE0]  }
0x29c: {  	v58 =	vor.u32 s9, v15;
	v38 =	vld.idx.msk [tilespmem:v21+s13+$0x0], $0xffff  }
0x29d: {  	s12 =	simm.s32 $0x6;
	v41 =	vld [tilespmem:s0+$0xFFFFFC80]  }
0x29e: {  	s23 =	simm.s32 $0x5;
	v59 =	vor.u32 s12, v15;
	v44 =	vld [tilespmem:s0+$0xFFFFFF60]  }
0x29f: {  	v60 =	vor.u32 s23, v15;
	v43 =	vld [tilespmem:s0+$0xFFFFFDE0]  }
0x2a0: {  	s10 =	simm.s32 $0x1;
	v14 =	vor.u32 $0xA80, v11;
	v21 =	vld [tilespmem:s0+$0xFFFFFF70]  }
0x2a1: {  	s5 =	simm.s32 $0x0;
	v26 =	vor.u32 s10, v14;
	v52 =	vld.idx.msk [tilespmem:v58+s13+$0x0], $0xffff  }
0x2a2: {  	s11 =	simm.s32 $0x2;
	v55 =	vor.u32 s5, v14;
	v50 =	vld [tilespmem:s0+$0xFFFFFDF0]  }
0x2a3: {  	v57 =	vor.u32 s11, v14;
	v53 =	vld.idx.msk [tilespmem:v59+s13+$0x0], $0xffff  }
0x2a4: {  	v62 =	vor.u32 s9, v14;
	v13 =	vor.u32 $0x880, v11;
	v46 =	vld.idx.msk [tilespmem:v60+s13+$0x0], $0xffff  }
0x2a5: {  	v20 =	vor.u32 s5, v13;
	v33 =	vld [tilespmem:s0+$0xFFFFFEF0]  }
0x2a6: {  	v56 =	vor.u32 s11, v13;
	v36 =	vld.idx.msk [tilespmem:v26+s13+$0x0], $0xffff  }
0x2a7: {  	v61 =	vor.u32 s9, v13;
	v32 =	vld.idx.msk [tilespmem:v55+s13+$0x0], $0xffff  }
0x2a8: {  	v63 =	vor.u32 s8, v13;
	v35 =	vld.idx.msk [tilespmem:v57+s13+$0x0], $0xffff  }
0x2a9: {  	v26 =	vor.u32 s10, v13;
	v55 =	vld.idx.msk [tilespmem:v62+s13+$0x0], $0xffff  }
0x2aa: {  	v37 =	vld.idx.msk [tilespmem:v20+s13+$0x0], $0xffff  }
0x2ab: {  	v54 =	vor.u32 s11, v15;
	v40 =	vld.idx.msk [tilespmem:v56+s13+$0x0], $0xffff  }
0x2ac: {  	v20 =	vor.u32 s5, v15;
	v48 =	vld.idx.msk [tilespmem:v61+s13+$0x0], $0xffff  }
0x2ad: {  	v45 =	vor.u32 s8, v14;
	v49 =	vld.idx.msk [tilespmem:v63+s13+$0x0], $0xffff  }
0x2ae: {  	v56 =	vor.u32 s23, v14;
	v47 =	vld.idx.msk [tilespmem:v26+s13+$0x0], $0xffff  }
0x2af: {  	s29 =	simm.s32 $0x7;
	v16 =	vor.u32 v8, v12;
	v51 =	vor.u32 s23, v13;
	v57 =	vor.u32 s12, v13;
	v26 =	vld [tilespmem:s0+$0xFFFFFFF0]  }
0x2b0: {  	v58 =	vor.u32 s12, v14;
	v59 =	vor.u32 s29, v13;
	v31 =	vmul.f32 v31, v35;
	v35 =	vld.idx.msk [tilespmem:v54+s13+$0x0], $0xffff  }
0x2b1: {  	v60 =	vor.u32 s29, v14;
	v62 =	vor.u32 s29, v15;
	v38 =	vmul.f32 v22, v38;
	v20 =	vld.idx.msk [tilespmem:v20+s13+$0x0], $0xffff  }
0x2b2: {  	v61 =	vor.u32 s10, v15;
	v27 =	vmul.f32 v27, v32;
	v30 =	vmul.f32 v30, v40;
	v40 =	vld.idx.msk [tilespmem:v45+s13+$0x0], $0xffff  }
0x2b3: {  	v32 =	vor.u32 s8, v16;
	v45 =	vmul.f32 v28, v36;
	v36 =	vld.idx.msk [tilespmem:v56+s13+$0x0], $0xffff;
	v24 =	vmul.f32 v24, v37  }
0x2b4: {  	v54 =	vmul.f32 v29, v49;
	v56 =	vld.idx.msk [tilespmem:v57+s13+$0x0], $0xffff;
	v57 =	vmul.f32 v50, v55;
	v29 =	vor.u32 s12, v16  }
0x2b5: {  	v49 =	vor.u32 s9, v16;
	v28 =	vadd.f32 v31, v30;
	v24 =	vadd.f32 v27, v24;
	v27 =	vld [tilespmem:s0+$0x0]  }
0x2b6: {  	v30 =	vor.u32 s10, v16;
	v31 =	vor.u32 s5, v16;
	v63 =	vmul.f32 v41, v20;
	v41 =	vld.idx.msk [tilespmem:v51+s13+$0x0], $0xffff  }
0x2b7: {  	v20 =	vor.u32 s29, v16;
	v51 =	vmul.f32 v43, v48;
	v48 =	vmul.f32 v23, v47;
	v47 =	vld.idx.msk [tilespmem:v59+s13+$0x0], $0xffff  }
0x2b8: {  	v23 =	vor.u32 s11, v16;
	v59 =	vmul.f32 v34, v40;
	v43 =	vld.idx.msk [tilespmem:v60+s13+$0x0], $0xffff;
	v34 =	vor.u32 s23, v16  }
0x2b9: {  	v40 =	vmul.f32 v25, v53;
	v25 =	vmul.f32 v42, v52;
	v37 =	vadd.f32 v45, v48;
	v45 =	vld.idx.msk [tilespmem:v58+s13+$0x0], $0xffff  }
0x2ba: {  	v44 =	vmul.f32 v44, v56;
	v48 =	vld.idx.msk [tilespmem:v61+s13+$0x0], $0xffff;
	v50 =	vadd.f32 v57, v51;
	v51 =	vadd.f32 v63, v24  }
0x2bb: {  	s30 =	simm.s32 $0x79A0;
	s29 =	simm.s32 $0x8;
	v42 =	vadd.f32 v59, v54;
	v41 =	vmul.f32 v39, v41;
	v39 =	vmul.f32 v0, v46;
	v46 =	vld.idx.msk [tilespmem:v62+s13+$0x0], $0xffff  }
.LBB2_13:
0x2bc: {  	v0 =	vor.u32 s29, v13;
	v52 =	vor.u32 s29, v15;
	v22 =	vld [tilespmem:s30+$0xFFFFFF00];
	p0 =	slt.u32 s29, $0x78;
	v19 =	vmul.f32 v19, v47;
	s5 =	smov.u32 s29;
	s29 =	sadd.s32 $0x8, s29  }
0x2bd: {  	v26 =	vmul.f32 v26, v43;
	v47 =	vor.u32 s5, v14;
	s9 =	sadd.s32 $0x1, s5;
	v24 =	vld [tilespmem:s30+$0xFFFFFE80];
	[tilespmem:v31+s22+$0x0] =	vst.idx.msk $0xffff, v51;
	v50 =	vadd.f32 v25, v50  }
0x2be: {  	v18 =	vmul.f32 v18, v35;
	v21 =	vmul.f32 v21, v45;
	v31 =	vld [tilespmem:s30+$0xFFFFFC60];
	v43 =	vor.u32 s9, v13  }
0x2bf: {  	v33 =	vmul.f32 v33, v36;
	s10 =	sadd.s32 $0x2, s5;
	v35 =	vor.u32 s9, v14;
	v17 =	vmul.f32 v17, v48;
	v25 =	vld [tilespmem:s30+$0xFFFFFF80];
	[tilespmem:v49+s22+$0x0] =	vst.idx.msk $0xffff, v50  }
0x2c0: {  	v36 =	vor.u32 s10, v13;
	v19 =	vadd.f32 v26, v19;
	v45 =	vld [tilespmem:s30+$0xFFFFFC70];
	v26 =	vmul.f32 v27, v46  }
0x2c1: {  	s0 =	sadd.s32 $0x3, s5;
	v21 =	vadd.f32 v21, v44;
	v46 =	vor.u32 s10, v14;
	v37 =	vadd.f32 v17, v37;
	v27 =	vld [tilespmem:s30+$0xFFFFFE00]  }
0x2c2: {  	v33 =	vadd.f32 v33, v41;
	v44 =	vor.u32 s0, v13;
	v17 =	vld [tilespmem:s30+$0xFFFFFD00];
	v19 =	vadd.f32 v26, v19  }
0x2c3: {  	s12 =	sadd.s32 $0x4, s5;
	v48 =	vor.u32 s0, v14;
	v18 =	vadd.f32 v18, v28;
	v26 =	vadd.f32 v38, v42;
	v41 =	vld [tilespmem:s30+$0xFFFFFCE0]  }
0x2c4: {  	v28 =	vor.u32 s12, v13;
	v21 =	vadd.f32 v40, v21;
	v38 =	vld [tilespmem:s30+$0xFFFFFE60];
	[tilespmem:v30+s22+$0x0] =	vst.idx.msk $0xffff, v37;
	v30 =	vadd.f32 v39, v33  }
0x2c5: {  	v39 =	vor.u32 s12, v14;
	v37 =	vld [tilespmem:s30+$0xFFFFFCF0];
	[tilespmem:v32+s22+$0x0] =	vst.idx.msk $0xffff, v26  }
0x2c6: {  	s11 =	sadd.s32 $0x5, s5;
	v26 =	vor.u32 s12, v15;
	v32 =	vld [tilespmem:s30+$0xFFFFFD60];
	[tilespmem:v34+s22+$0x0] =	vst.idx.msk $0xffff, v30  }
0x2c7: {  	v30 =	vor.u32 s11, v13;
	v34 =	vld [tilespmem:s30+$0xFFFFFE70];
	[tilespmem:v23+s22+$0x0] =	vst.idx.msk $0xffff, v18  }
0x2c8: {  	v23 =	vor.u32 s10, v15;
	v18 =	vld [tilespmem:s30+$0xFFFFFD80];
	[tilespmem:v20+s22+$0x0] =	vst.idx.msk $0xffff, v19  }
0x2c9: {  	s8 =	sadd.s32 $0x6, s5;
	v42 =	vor.u32 s11, v14;
	v40 =	vld [tilespmem:s30+$0xFFFFFD70];
	[tilespmem:v29+s22+$0x0] =	vst.idx.msk $0xffff, v21  }
0x2ca: {  	v29 =	vor.u32 s8, v13;
	v19 =	vld [tilespmem:s30+$0xFFFFFFE0]  }
0x2cb: {  	s23 =	sadd.s32 $0x7, s5;
	v49 =	vor.u32 s8, v14;
	v0 =	vld.idx.msk [tilespmem:v0+s13+$0x0], $0xffff  }
0x2cc: {  	v51 =	vor.u32 s23, v13;
	v50 =	vld [tilespmem:s30+$0xFFFFFEE0]  }
0x2cd: {  	v54 =	vor.u32 s23, v14;
	v53 =	vld.idx.msk [tilespmem:v26+s13+$0x0], $0xffff  }
0x2ce: {  	v55 =	vor.u32 s9, v15;
	v35 =	vld.idx.msk [tilespmem:v35+s13+$0x0], $0xffff  }
0x2cf: {  	v47 =	vld.idx.msk [tilespmem:v47+s13+$0x0], $0xffff  }
0x2d0: {  	v20 =	vor.u32 s0, v15;
	v36 =	vld.idx.msk [tilespmem:v36+s13+$0x0], $0xffff  }
0x2d1: {  	v33 =	vld.idx.msk [tilespmem:v52+s13+$0x0], $0xffff;
	v52 =	vor.u32 s11, v15  }
0x2d2: {  	v56 =	vor.u32 s8, v15;
	v46 =	vld.idx.msk [tilespmem:v46+s13+$0x0], $0xffff  }
0x2d3: {  	v58 =	vor.u32 s23, v15;
	v57 =	vld [tilespmem:s30+$0xFFFFFC80]  }
0x2d4: {  	v59 =	vld [tilespmem:s30+$0xFFFFFF60]  }
0x2d5: {  	v60 =	vld [tilespmem:s30+$0xFFFFFDE0]  }
0x2d6: {  	v21 =	vld [tilespmem:s30+$0xFFFFFF70]  }
0x2d7: {  	v43 =	vld.idx.msk [tilespmem:v43+s13+$0x0], $0xffff  }
0x2d8: {  	v61 =	vld.idx.msk [tilespmem:v20+s13+$0x0], $0xffff  }
0x2d9: {  	v26 =	vld [tilespmem:s30+$0xFFFFFFF0]  }
0x2da: {  	v57 =	vmul.f32 v57, v33;
	v62 =	vld [tilespmem:s30+$0xFFFFFDF0]  }
0x2db: {  	v56 =	vld.idx.msk [tilespmem:v56+s13+$0x0], $0xffff  }
0x2dc: {  	v52 =	vld.idx.msk [tilespmem:v52+s13+$0x0], $0xffff  }
0x2dd: {  	v20 =	vor.u32 s23, v16;
	v44 =	vld.idx.msk [tilespmem:v44+s13+$0x0], $0xffff  }
0x2de: {  	v48 =	vld.idx.msk [tilespmem:v48+s13+$0x0], $0xffff  }
0x2df: {  	v63 =	vld.idx.msk [tilespmem:v28+s13+$0x0], $0xffff  }
0x2e0: {  	v33 =	vld [tilespmem:s30+$0xFFFFFEF0]  }
0x2e1: {  	v28 =	vmul.f32 v32, v36;
	v32 =	vmul.f32 v40, v46;
	v39 =	vld.idx.msk [tilespmem:v39+s13+$0x0], $0xffff  }
0x2e2: {  	v40 =	vld.idx.msk [tilespmem:v30+s13+$0x0], $0xffff  }
0x2e3: {  	v37 =	vmul.f32 v37, v35;
	v28 =	vadd.f32 v32, v28;
	v44 =	vmul.f32 v60, v44;
	v35 =	vld.idx.msk [tilespmem:v23+s13+$0x0], $0xffff  }
0x2e4: {  	v41 =	vmul.f32 v41, v43;
	v30 =	vor.u32 s9, v16;
	v23 =	vor.u32 s10, v16;
	v36 =	vld.idx.msk [tilespmem:v42+s13+$0x0], $0xffff  }
0x2e5: {  	v32 =	vor.u32 s12, v16;
	v42 =	vmul.f32 v45, v47;
	v60 =	vmul.f32 v38, v63;
	v63 =	vld.idx.msk [tilespmem:v29+s13+$0x0], $0xffff  }
0x2e6: {  	v0 =	vmul.f32 v31, v0;
	v31 =	vor.u32 s5, v16;
	v37 =	vadd.f32 v37, v41;
	v47 =	vld.idx.msk [tilespmem:v51+s13+$0x0], $0xffff  }
.Ltmp5:
0x2e7: {  	v46 =	vmul.f32 v62, v48;
	v29 =	vor.u32 s8, v16;
	v62 =	vmul.f32 v34, v39;
	v43 =	vld.idx.msk [tilespmem:v54+s13+$0x0], $0xffff;
	(pc) =	sbr.rel @p0 .LBB2_13-.Ltmp5, $4  }
0x2e8: {  	v38 =	vmul.f32 v24, v53;
	v0 =	vadd.f32 v42, v0;
	v41 =	vmul.f32 v50, v40;
	v45 =	vld.idx.msk [tilespmem:v49+s13+$0x0], $0xffff  }
0x2e9: {  	v39 =	vmul.f32 v22, v52;
	v34 =	vor.u32 s11, v16;
	v50 =	vadd.f32 v46, v44;
	v48 =	vld.idx.msk [tilespmem:v55+s13+$0x0], $0xffff  }
0x2ea: {  	v40 =	vmul.f32 v25, v56;
	v51 =	vadd.f32 v57, v0;
	v49 =	vor.u32 s0, v16;
	v46 =	vld.idx.msk [tilespmem:v58+s13+$0x0], $0xffff  }
0x2eb: {  	v25 =	vmul.f32 v27, v61;
	v42 =	vadd.f32 v62, v60;
	v44 =	vmul.f32 v59, v63;
	v27 =	vld [tilespmem:s30+$0x0];
	s30 =	sadd.s32 $0x400, s30  }
0x2ec: {  	_ =	sdelay $0x1  }
0x2ed: {  	v0 =	vmul.f32 v19, v47  }
0x2ee: {  	v14 =	vmul.f32 v33, v36;
	v16 =	vmul.f32 v26, v43;
	v15 =	vadd.f32 v25, v50  }
0x2ef: {  	[tilespmem:v31+s22+$0x0] =	vst.idx.msk $0xffff, v51;
	v13 =	vmul.f32 v17, v48;
	v17 =	vmul.f32 v18, v35  }
0x2f0: {  	v14 =	vadd.f32 v14, v41;
	[tilespmem:v49+s22+$0x0] =	vst.idx.msk $0xffff, v15;
	v15 =	vadd.f32 v38, v42  }
0x2f1: {  	v18 =	vmul.f32 v21, v45;
	v0 =	vadd.f32 v16, v0;
	v13 =	vadd.f32 v13, v37  }
0x2f2: {  	v16 =	vmul.f32 v27, v46;
	v17 =	vadd.f32 v17, v28;
	[tilespmem:v32+s22+$0x0] =	vst.idx.msk $0xffff, v15  }
0x2f3: {  	[tilespmem:v30+s22+$0x0] =	vst.idx.msk $0xffff, v13;
	v13 =	vadd.f32 v39, v14;
	v14 =	vadd.f32 v18, v44  }
0x2f4: {  	v0 =	vadd.f32 v16, v0;
	[tilespmem:v23+s22+$0x0] =	vst.idx.msk $0xffff, v17  }
0x2f5: {  	[tilespmem:v34+s22+$0x0] =	vst.idx.msk $0xffff, v13;
	v13 =	vadd.f32 v40, v14  }
0x2f6: {  	[tilespmem:v20+s22+$0x0] =	vst.idx.msk $0xffff, v0  }
0x2f7: {  	[tilespmem:v29+s22+$0x0] =	vst.idx.msk $0xffff, v13  }
0x2f8: {  	_ =	swait.ge [sflag:s20], $0x4000  }
0x2f9: {  	[sflag:s20] =	ssyncset.done $0x0  }
0x2fa: {  	[sflag:s20] =	ssyncadd.s32 $0xFFFFC000  }
0x2fb: {  	_ =	swait.ge [sflag:s20], $0x4000  }
0x2fc: {  	[sflag:s20] =	ssyncset.done $0x0  }
0x2fd: {  	s0 =	simm.s32 $0xB400;
	[sflag:s20] =	ssyncadd.s32 $0xFFFFC000  }
0x2fe: {  	v0 =	vld [tilespmem:s0+$0xA0]  }
0x2ff: {  	v22 =	vld [tilespmem:s0+$0x20]  }
0x300: {  	v24 =	vld [tilespmem:s0+$0xFFFFFE00]  }
0x301: {  	v25 =	vld [tilespmem:s0+$0x120]  }
0x302: {  	v27 =	vld [tilespmem:s0+$0xFFFFFE10]  }
0x303: {  	v42 =	vld [tilespmem:s0+$0xFFFFFFA0]  }
0x304: {  	v17 =	vld [tilespmem:s0+$0xFFFFFEA0]  }
0x305: {  	v23 =	vld [tilespmem:s0+$0xFFFFFE80]  }
0x306: {  	v29 =	vld [tilespmem:s0+$0x0]  }
0x307: {  	s5 =	simm.s32 $0x0;
	v13 =	vor.u32 $0x900, v11;
	v28 =	vld [tilespmem:s0+$0xFFFFFE90]  }
0x308: {  	v20 =	vor.u32 s5, v13;
	v30 =	vld [tilespmem:s0+$0xFFFFFF00]  }
0x309: {  	s8 =	simm.s32 $0x4;
	v15 =	vor.u32 $0xD00, v11;
	v34 =	vld [tilespmem:s0+$0x10]  }
0x30a: {  	s10 =	simm.s32 $0x1;
	v21 =	vor.u32 s8, v15;
	v14 =	vor.u32 $0xB00, v11;
	v18 =	vld [tilespmem:s0+$0xFFFFFF20]  }
0x30b: {  	v26 =	vor.u32 s10, v14;
	v31 =	vld [tilespmem:s0+$0xFFFFFF10]  }
0x30c: {  	s11 =	simm.s32 $0x2;
	v55 =	vor.u32 s5, v14;
	v19 =	vld [tilespmem:s0+$0x180]  }
0x30d: {  	v56 =	vor.u32 s11, v13;
	v37 =	vld.idx.msk [tilespmem:v20+s13+$0x0], $0xffff  }
0x30e: {  	v57 =	vor.u32 s11, v14;
	v39 =	vld [tilespmem:s0+$0x80]  }
0x30f: {  	v38 =	vld.idx.msk [tilespmem:v21+s13+$0x0], $0xffff  }
0x310: {  	v36 =	vld.idx.msk [tilespmem:v26+s13+$0x0], $0xffff  }
0x311: {  	v32 =	vld.idx.msk [tilespmem:v55+s13+$0x0], $0xffff  }
0x312: {  	s9 =	simm.s32 $0x3;
	v40 =	vld.idx.msk [tilespmem:v56+s13+$0x0], $0xffff  }
0x313: {  	v58 =	vor.u32 s9, v15;
	v35 =	vld.idx.msk [tilespmem:v57+s13+$0x0], $0xffff  }
0x314: {  	s12 =	simm.s32 $0x6;
	v41 =	vld [tilespmem:s0+$0xFFFFFE20]  }
0x315: {  	s23 =	simm.s32 $0x5;
	v59 =	vor.u32 s12, v15;
	v44 =	vld [tilespmem:s0+$0x100]  }
0x316: {  	v60 =	vor.u32 s23, v15;
	v43 =	vld [tilespmem:s0+$0xFFFFFF80]  }
0x317: {  	v61 =	vor.u32 s9, v13;
	v21 =	vld [tilespmem:s0+$0x110]  }
0x318: {  	v62 =	vor.u32 s9, v14;
	v52 =	vld.idx.msk [tilespmem:v58+s13+$0x0], $0xffff  }
0x319: {  	v63 =	vor.u32 s8, v13;
	v50 =	vld [tilespmem:s0+$0xFFFFFF90]  }
0x31a: {  	v53 =	vld.idx.msk [tilespmem:v59+s13+$0x0], $0xffff  }
0x31b: {  	v20 =	vor.u32 s5, v15;
	v46 =	vld.idx.msk [tilespmem:v60+s13+$0x0], $0xffff  }
0x31c: {  	v26 =	vor.u32 s10, v13;
	v48 =	vld.idx.msk [tilespmem:v61+s13+$0x0], $0xffff  }
0x31d: {  	v55 =	vld.idx.msk [tilespmem:v62+s13+$0x0], $0xffff  }
0x31e: {  	v45 =	vor.u32 s8, v14;
	v49 =	vld.idx.msk [tilespmem:v63+s13+$0x0], $0xffff  }
0x31f: {  	v54 =	vor.u32 s11, v15;
	v33 =	vld [tilespmem:s0+$0x90]  }
0x320: {  	v56 =	vor.u32 s23, v14;
	v20 =	vld.idx.msk [tilespmem:v20+s13+$0x0], $0xffff  }
0x321: {  	s29 =	simm.s32 $0x7;
	v16 =	vor.u32 v9, v12;
	v51 =	vor.u32 s23, v13;
	v57 =	vor.u32 s12, v13;
	v47 =	vld.idx.msk [tilespmem:v26+s13+$0x0], $0xffff  }
0x322: {  	v58 =	vor.u32 s12, v14;
	v59 =	vor.u32 s29, v13;
	v60 =	vor.u32 s29, v14;
	v26 =	vld [tilespmem:s0+$0x190]  }
0x323: {  	v61 =	vor.u32 s10, v15;
	v30 =	vmul.f32 v30, v40;
	v31 =	vmul.f32 v31, v35;
	v40 =	vld.idx.msk [tilespmem:v45+s13+$0x0], $0xffff  }
0x324: {  	v62 =	vor.u32 s29, v15;
	v45 =	vmul.f32 v28, v36;
	v35 =	vld.idx.msk [tilespmem:v54+s13+$0x0], $0xffff;
	v27 =	vmul.f32 v27, v32  }
0x325: {  	v36 =	vld.idx.msk [tilespmem:v56+s13+$0x0], $0xffff;
	v54 =	vmul.f32 v29, v49;
	v32 =	vor.u32 s8, v16;
	v24 =	vmul.f32 v24, v37  }
0x326: {  	v56 =	vld.idx.msk [tilespmem:v57+s13+$0x0], $0xffff;
	v57 =	vmul.f32 v50, v55;
	v29 =	vor.u32 s12, v16;
	v38 =	vmul.f32 v22, v38  }
0x327: {  	v49 =	vor.u32 s9, v16;
	v28 =	vadd.f32 v31, v30;
	v24 =	vadd.f32 v27, v24;
	v27 =	vld [tilespmem:s0+$0x1A0]  }
0x328: {  	v30 =	vor.u32 s10, v16;
	v31 =	vor.u32 s5, v16;
	v63 =	vmul.f32 v41, v20;
	v41 =	vld.idx.msk [tilespmem:v51+s13+$0x0], $0xffff  }
0x329: {  	v20 =	vor.u32 s29, v16;
	v51 =	vmul.f32 v43, v48;
	v48 =	vmul.f32 v23, v47;
	v47 =	vld.idx.msk [tilespmem:v59+s13+$0x0], $0xffff  }
0x32a: {  	v23 =	vor.u32 s11, v16;
	v59 =	vmul.f32 v34, v40;
	v43 =	vld.idx.msk [tilespmem:v60+s13+$0x0], $0xffff;
	v34 =	vor.u32 s23, v16  }
0x32b: {  	v40 =	vmul.f32 v25, v53;
	v25 =	vmul.f32 v42, v52;
	v37 =	vadd.f32 v45, v48;
	v45 =	vld.idx.msk [tilespmem:v58+s13+$0x0], $0xffff  }
0x32c: {  	v44 =	vmul.f32 v44, v56;
	v48 =	vld.idx.msk [tilespmem:v61+s13+$0x0], $0xffff;
	v50 =	vadd.f32 v57, v51;
	v51 =	vadd.f32 v63, v24  }
0x32d: {  	s30 =	simm.s32 $0xB800;
	s29 =	simm.s32 $0x8;
	v42 =	vadd.f32 v59, v54;
	v41 =	vmul.f32 v39, v41;
	v39 =	vmul.f32 v0, v46;
	v46 =	vld.idx.msk [tilespmem:v62+s13+$0x0], $0xffff  }
.LBB2_15:
0x32e: {  	v0 =	vor.u32 s29, v13;
	v52 =	vor.u32 s29, v15;
	v22 =	vld [tilespmem:s30+$0xA0];
	p0 =	slt.u32 s29, $0x78;
	v19 =	vmul.f32 v19, v47;
	s5 =	smov.u32 s29;
	s29 =	sadd.s32 $0x8, s29  }
0x32f: {  	v26 =	vmul.f32 v26, v43;
	v47 =	vor.u32 s5, v14;
	s9 =	sadd.s32 $0x1, s5;
	v24 =	vld [tilespmem:s30+$0x20];
	[tilespmem:v31+s22+$0x0] =	vst.idx.msk $0xffff, v51;
	v50 =	vadd.f32 v25, v50  }
0x330: {  	v18 =	vmul.f32 v18, v35;
	v21 =	vmul.f32 v21, v45;
	v31 =	vld [tilespmem:s30+$0xFFFFFE00];
	v43 =	vor.u32 s9, v13  }
0x331: {  	v33 =	vmul.f32 v33, v36;
	s10 =	sadd.s32 $0x2, s5;
	v35 =	vor.u32 s9, v14;
	v17 =	vmul.f32 v17, v48;
	v25 =	vld [tilespmem:s30+$0x120];
	[tilespmem:v49+s22+$0x0] =	vst.idx.msk $0xffff, v50  }
0x332: {  	v36 =	vor.u32 s10, v13;
	v19 =	vadd.f32 v26, v19;
	v45 =	vld [tilespmem:s30+$0xFFFFFE10];
	v26 =	vmul.f32 v27, v46  }
0x333: {  	s0 =	sadd.s32 $0x3, s5;
	v21 =	vadd.f32 v21, v44;
	v46 =	vor.u32 s10, v14;
	v37 =	vadd.f32 v17, v37;
	v27 =	vld [tilespmem:s30+$0xFFFFFFA0]  }
0x334: {  	v33 =	vadd.f32 v33, v41;
	v44 =	vor.u32 s0, v13;
	v17 =	vld [tilespmem:s30+$0xFFFFFEA0];
	v19 =	vadd.f32 v26, v19  }
0x335: {  	s12 =	sadd.s32 $0x4, s5;
	v48 =	vor.u32 s0, v14;
	v18 =	vadd.f32 v18, v28;
	v26 =	vadd.f32 v38, v42;
	v41 =	vld [tilespmem:s30+$0xFFFFFE80]  }
0x336: {  	v28 =	vor.u32 s12, v13;
	v21 =	vadd.f32 v40, v21;
	v38 =	vld [tilespmem:s30+$0x0];
	[tilespmem:v30+s22+$0x0] =	vst.idx.msk $0xffff, v37;
	v30 =	vadd.f32 v39, v33  }
0x337: {  	v39 =	vor.u32 s12, v14;
	v37 =	vld [tilespmem:s30+$0xFFFFFE90];
	[tilespmem:v32+s22+$0x0] =	vst.idx.msk $0xffff, v26  }
0x338: {  	s11 =	sadd.s32 $0x5, s5;
	v26 =	vor.u32 s12, v15;
	v32 =	vld [tilespmem:s30+$0xFFFFFF00];
	[tilespmem:v34+s22+$0x0] =	vst.idx.msk $0xffff, v30  }
0x339: {  	v30 =	vor.u32 s11, v13;
	v34 =	vld [tilespmem:s30+$0x10];
	[tilespmem:v23+s22+$0x0] =	vst.idx.msk $0xffff, v18  }
0x33a: {  	v23 =	vor.u32 s10, v15;
	v18 =	vld [tilespmem:s30+$0xFFFFFF20];
	[tilespmem:v20+s22+$0x0] =	vst.idx.msk $0xffff, v19  }
0x33b: {  	s8 =	sadd.s32 $0x6, s5;
	v42 =	vor.u32 s11, v14;
	v40 =	vld [tilespmem:s30+$0xFFFFFF10];
	[tilespmem:v29+s22+$0x0] =	vst.idx.msk $0xffff, v21  }
0x33c: {  	v29 =	vor.u32 s8, v13;
	v19 =	vld [tilespmem:s30+$0x180]  }
0x33d: {  	s23 =	sadd.s32 $0x7, s5;
	v49 =	vor.u32 s8, v14;
	v0 =	vld.idx.msk [tilespmem:v0+s13+$0x0], $0xffff  }
0x33e: {  	v51 =	vor.u32 s23, v13;
	v50 =	vld [tilespmem:s30+$0x80]  }
0x33f: {  	v54 =	vor.u32 s23, v14;
	v53 =	vld.idx.msk [tilespmem:v26+s13+$0x0], $0xffff  }
0x340: {  	v55 =	vor.u32 s9, v15;
	v35 =	vld.idx.msk [tilespmem:v35+s13+$0x0], $0xffff  }
0x341: {  	v47 =	vld.idx.msk [tilespmem:v47+s13+$0x0], $0xffff  }
0x342: {  	v20 =	vor.u32 s0, v15;
	v36 =	vld.idx.msk [tilespmem:v36+s13+$0x0], $0xffff  }
0x343: {  	v33 =	vld.idx.msk [tilespmem:v52+s13+$0x0], $0xffff;
	v52 =	vor.u32 s11, v15  }
0x344: {  	v56 =	vor.u32 s8, v15;
	v46 =	vld.idx.msk [tilespmem:v46+s13+$0x0], $0xffff  }
0x345: {  	v58 =	vor.u32 s23, v15;
	v57 =	vld [tilespmem:s30+$0xFFFFFE20]  }
0x346: {  	v59 =	vld [tilespmem:s30+$0x100]  }
0x347: {  	v60 =	vld [tilespmem:s30+$0xFFFFFF80]  }
0x348: {  	v21 =	vld [tilespmem:s30+$0x110]  }
0x349: {  	v43 =	vld.idx.msk [tilespmem:v43+s13+$0x0], $0xffff  }
0x34a: {  	v61 =	vld.idx.msk [tilespmem:v20+s13+$0x0], $0xffff  }
0x34b: {  	v26 =	vld [tilespmem:s30+$0x190]  }
0x34c: {  	v57 =	vmul.f32 v57, v33;
	v62 =	vld [tilespmem:s30+$0xFFFFFF90]  }
0x34d: {  	v56 =	vld.idx.msk [tilespmem:v56+s13+$0x0], $0xffff  }
0x34e: {  	v52 =	vld.idx.msk [tilespmem:v52+s13+$0x0], $0xffff  }
0x34f: {  	v20 =	vor.u32 s23, v16;
	v44 =	vld.idx.msk [tilespmem:v44+s13+$0x0], $0xffff  }
0x350: {  	v48 =	vld.idx.msk [tilespmem:v48+s13+$0x0], $0xffff  }
0x351: {  	v63 =	vld.idx.msk [tilespmem:v28+s13+$0x0], $0xffff  }
0x352: {  	v33 =	vld [tilespmem:s30+$0x90]  }
0x353: {  	v28 =	vmul.f32 v32, v36;
	v32 =	vmul.f32 v40, v46;
	v39 =	vld.idx.msk [tilespmem:v39+s13+$0x0], $0xffff  }
0x354: {  	v40 =	vld.idx.msk [tilespmem:v30+s13+$0x0], $0xffff  }
0x355: {  	v37 =	vmul.f32 v37, v35;
	v28 =	vadd.f32 v32, v28;
	v44 =	vmul.f32 v60, v44;
	v35 =	vld.idx.msk [tilespmem:v23+s13+$0x0], $0xffff  }
0x356: {  	v41 =	vmul.f32 v41, v43;
	v30 =	vor.u32 s9, v16;
	v23 =	vor.u32 s10, v16;
	v36 =	vld.idx.msk [tilespmem:v42+s13+$0x0], $0xffff  }
0x357: {  	v32 =	vor.u32 s12, v16;
	v42 =	vmul.f32 v45, v47;
	v60 =	vmul.f32 v38, v63;
	v63 =	vld.idx.msk [tilespmem:v29+s13+$0x0], $0xffff  }
0x358: {  	v0 =	vmul.f32 v31, v0;
	v31 =	vor.u32 s5, v16;
	v37 =	vadd.f32 v37, v41;
	v47 =	vld.idx.msk [tilespmem:v51+s13+$0x0], $0xffff  }
.Ltmp6:
0x359: {  	v46 =	vmul.f32 v62, v48;
	v29 =	vor.u32 s8, v16;
	v62 =	vmul.f32 v34, v39;
	v43 =	vld.idx.msk [tilespmem:v54+s13+$0x0], $0xffff;
	(pc) =	sbr.rel @p0 .LBB2_15-.Ltmp6, $4  }
0x35a: {  	v38 =	vmul.f32 v24, v53;
	v0 =	vadd.f32 v42, v0;
	v41 =	vmul.f32 v50, v40;
	v45 =	vld.idx.msk [tilespmem:v49+s13+$0x0], $0xffff  }
0x35b: {  	v39 =	vmul.f32 v22, v52;
	v34 =	vor.u32 s11, v16;
	v50 =	vadd.f32 v46, v44;
	v48 =	vld.idx.msk [tilespmem:v55+s13+$0x0], $0xffff  }
0x35c: {  	v40 =	vmul.f32 v25, v56;
	v51 =	vadd.f32 v57, v0;
	v49 =	vor.u32 s0, v16;
	v46 =	vld.idx.msk [tilespmem:v58+s13+$0x0], $0xffff  }
0x35d: {  	v25 =	vmul.f32 v27, v61;
	v42 =	vadd.f32 v62, v60;
	v44 =	vmul.f32 v59, v63;
	v27 =	vld [tilespmem:s30+$0x1A0];
	s30 =	sadd.s32 $0x400, s30  }
0x35e: {  	_ =	sdelay $0x1  }
0x35f: {  	v0 =	vmul.f32 v19, v47  }
0x360: {  	v14 =	vmul.f32 v33, v36;
	v16 =	vmul.f32 v26, v43;
	v15 =	vadd.f32 v25, v50  }
0x361: {  	[tilespmem:v31+s22+$0x0] =	vst.idx.msk $0xffff, v51;
	v13 =	vmul.f32 v17, v48;
	v17 =	vmul.f32 v18, v35  }
0x362: {  	v14 =	vadd.f32 v14, v41;
	[tilespmem:v49+s22+$0x0] =	vst.idx.msk $0xffff, v15;
	v15 =	vadd.f32 v38, v42  }
0x363: {  	v18 =	vmul.f32 v21, v45;
	v0 =	vadd.f32 v16, v0;
	v13 =	vadd.f32 v13, v37  }
0x364: {  	v16 =	vmul.f32 v27, v46;
	v17 =	vadd.f32 v17, v28;
	[tilespmem:v32+s22+$0x0] =	vst.idx.msk $0xffff, v15  }
0x365: {  	[tilespmem:v30+s22+$0x0] =	vst.idx.msk $0xffff, v13;
	v13 =	vadd.f32 v39, v14;
	v14 =	vadd.f32 v18, v44  }
0x366: {  	v0 =	vadd.f32 v16, v0;
	[tilespmem:v23+s22+$0x0] =	vst.idx.msk $0xffff, v17  }
0x367: {  	[tilespmem:v34+s22+$0x0] =	vst.idx.msk $0xffff, v13;
	v13 =	vadd.f32 v40, v14  }
0x368: {  	[tilespmem:v20+s22+$0x0] =	vst.idx.msk $0xffff, v0  }
0x369: {  	s0 =	simm.s32 $0xF5A0;
	[tilespmem:v29+s22+$0x0] =	vst.idx.msk $0xffff, v13  }
0x36a: {  	v0 =	vld [tilespmem:s0+$0xFFFFFF00]  }
0x36b: {  	v20 =	vld [tilespmem:s0+$0xFFFFFE80]  }
0x36c: {  	v22 =	vld [tilespmem:s0+$0xFFFFFC60]  }
0x36d: {  	v23 =	vld [tilespmem:s0+$0xFFFFFF80]  }
0x36e: {  	v25 =	vld [tilespmem:s0+$0xFFFFFC70]  }
0x36f: {  	v26 =	vld [tilespmem:s0+$0xFFFFFE00]  }
0x370: {  	v15 =	vld [tilespmem:s0+$0xFFFFFD00]  }
0x371: {  	v21 =	vld [tilespmem:s0+$0xFFFFFCE0]  }
0x372: {  	v29 =	vld [tilespmem:s0+$0xFFFFFE60]  }
0x373: {  	v27 =	vld [tilespmem:s0+$0xFFFFFCF0]  }
0x374: {  	v28 =	vld [tilespmem:s0+$0xFFFFFD60]  }
0x375: {  	v32 =	vld [tilespmem:s0+$0xFFFFFE70]  }
0x376: {  	v16 =	vld [tilespmem:s0+$0xFFFFFD80]  }
0x377: {  	v30 =	vld [tilespmem:s0+$0xFFFFFD70]  }
0x378: {  	s10 =	simm.s32 $0x1;
	v14 =	vor.u32 $0xB80, v11;
	v17 =	vld [tilespmem:s0+$0xFFFFFFE0]  }
0x379: {  	s5 =	simm.s32 $0x0;
	v24 =	vor.u32 s10, v14;
	v37 =	vld [tilespmem:s0+$0xFFFFFEE0]  }
0x37a: {  	s11 =	simm.s32 $0x2;
	v31 =	vor.u32 s5, v14;
	v40 =	vld [tilespmem:s0+$0xFFFFFC80]  }
0x37b: {  	s8 =	simm.s32 $0x4;
	v58 =	vor.u32 s11, v14;
	v42 =	vld [tilespmem:s0+$0xFFFFFF60]  }
0x37c: {  	v63 =	vor.u32 s8, v14;
	v13 =	vor.u32 $0x980, v11;
	v41 =	vld [tilespmem:s0+$0xFFFFFDE0]  }
0x37d: {  	v11 =	vor.u32 $0xD80, v11;
	v18 =	vor.u32 s5, v13;
	v48 =	vld [tilespmem:s0+$0xFFFFFDF0]  }
0x37e: {  	v19 =	vor.u32 s8, v11;
	v38 =	vld.idx.msk [tilespmem:v24+s13+$0x0], $0xffff  }
0x37f: {  	v57 =	vor.u32 s11, v13;
	v39 =	vld.idx.msk [tilespmem:v31+s13+$0x0], $0xffff  }
0x380: {  	s12 =	simm.s32 $0x6;
	v34 =	vld.idx.msk [tilespmem:v58+s13+$0x0], $0xffff  }
0x381: {  	s23 =	simm.s32 $0x5;
	v59 =	vor.u32 s12, v11;
	v43 =	vld.idx.msk [tilespmem:v63+s13+$0x0], $0xffff  }
0x382: {  	s9 =	simm.s32 $0x3;
	v60 =	vor.u32 s23, v11;
	v35 =	vld.idx.msk [tilespmem:v18+s13+$0x0], $0xffff  }
0x383: {  	v61 =	vor.u32 s9, v13;
	v36 =	vld.idx.msk [tilespmem:v19+s13+$0x0], $0xffff  }
0x384: {  	v62 =	vor.u32 s8, v13;
	v33 =	vld.idx.msk [tilespmem:v57+s13+$0x0], $0xffff  }
0x385: {  	v49 =	vor.u32 s23, v13;
	v19 =	vld [tilespmem:s0+$0xFFFFFF70]  }
0x386: {  	v55 =	vor.u32 s12, v13;
	v51 =	vld.idx.msk [tilespmem:v59+s13+$0x0], $0xffff  }
0x387: {  	v24 =	vor.u32 s10, v13;
	v44 =	vld.idx.msk [tilespmem:v60+s13+$0x0], $0xffff  }
0x388: {  	v31 =	vor.u32 s9, v11;
	v46 =	vld.idx.msk [tilespmem:v61+s13+$0x0], $0xffff  }
0x389: {  	v47 =	vld.idx.msk [tilespmem:v62+s13+$0x0], $0xffff  }
0x38a: {  	v54 =	vor.u32 s23, v14;
	v49 =	vld.idx.msk [tilespmem:v49+s13+$0x0], $0xffff  }
0x38b: {  	v18 =	vor.u32 s5, v11;
	v55 =	vld.idx.msk [tilespmem:v55+s13+$0x0], $0xffff  }
0x38c: {  	v52 =	vor.u32 s11, v11;
	v45 =	vld.idx.msk [tilespmem:v24+s13+$0x0], $0xffff  }
0x38d: {  	v12 =	vor.u32 v10, v12;
	s29 =	simm.s32 $0x7;
	v50 =	vld.idx.msk [tilespmem:v31+s13+$0x0], $0xffff;
	v31 =	vor.u32 s9, v14  }
0x38e: {  	v56 =	vor.u32 s12, v14;
	v58 =	vor.u32 s29, v14;
	v57 =	vor.u32 s29, v13;
	v24 =	vld [tilespmem:s0+$0xFFFFFFF0]  }
0x38f: {  	v59 =	vor.u32 s10, v11;
	v30 =	vmul.f32 v30, v34;
	v38 =	vmul.f32 v27, v38;
	v34 =	vld.idx.msk [tilespmem:v54+s13+$0x0], $0xffff  }
0x390: {  	v60 =	vor.u32 s29, v11;
	v39 =	vmul.f32 v25, v39;
	v63 =	vmul.f32 v32, v43;
	v18 =	vld.idx.msk [tilespmem:v18+s13+$0x0], $0xffff  }
0x391: {  	v25 =	vor.u32 s12, v12;
	v28 =	vmul.f32 v28, v33;
	v33 =	vld.idx.msk [tilespmem:v52+s13+$0x0], $0xffff;
	v52 =	vmul.f32 v41, v46  }
0x392: {  	v32 =	vor.u32 s23, v12;
	v61 =	vmul.f32 v29, v47;
	v22 =	vmul.f32 v22, v35;
	v53 =	vld.idx.msk [tilespmem:v31+s13+$0x0], $0xffff  }
0x393: {  	v43 =	vld.idx.msk [tilespmem:v56+s13+$0x0], $0xffff;
	v29 =	vor.u32 s5, v12;
	v36 =	vmul.f32 v20, v36;
	v47 =	vor.u32 s9, v12  }
0x394: {  	v41 =	vld.idx.msk [tilespmem:v58+s13+$0x0], $0xffff;
	v42 =	vmul.f32 v42, v55;
	v27 =	vadd.f32 v30, v28;
	v28 =	vor.u32 s10, v12  }
0x395: {  	v22 =	vadd.f32 v39, v22;
	v39 =	vmul.f32 v37, v49;
	v46 =	vmul.f32 v21, v45;
	v45 =	vld.idx.msk [tilespmem:v57+s13+$0x0], $0xffff  }
0x396: {  	v30 =	vor.u32 s8, v12;
	v37 =	vmul.f32 v0, v44;
	v44 =	vld.idx.msk [tilespmem:v60+s13+$0x0], $0xffff;
	v40 =	vmul.f32 v40, v18  }
0x397: {  	v31 =	vld [tilespmem:s0+$0xFFFFFEF0];
	v21 =	vor.u32 s11, v12;
	v18 =	vor.u32 s29, v12;
	v62 =	vmul.f32 v48, v53  }
0x398: {  	v35 =	vadd.f32 v38, v46;
	v46 =	vld.idx.msk [tilespmem:v59+s13+$0x0], $0xffff;
	v38 =	vmul.f32 v23, v51;
	v49 =	vadd.f32 v40, v22  }
0x399: {  	s30 =	simm.s32 $0xF9A0;
	s29 =	simm.s32 $0x8;
	v23 =	vmul.f32 v26, v50;
	v26 =	vld [tilespmem:s0+$0x0];
	v40 =	vadd.f32 v63, v61;
	v48 =	vadd.f32 v62, v52  }
.LBB2_17:
0x39a: {  	v0 =	vor.u32 s29, v13;
	v50 =	vor.u32 s29, v11;
	v20 =	vld [tilespmem:s30+$0xFFFFFF00];
	p0 =	slt.u32 s29, $0x78;
	v17 =	vmul.f32 v17, v45;
	s5 =	smov.u32 s29;
	s29 =	sadd.s32 $0x8, s29  }
0x39b: {  	v24 =	vmul.f32 v24, v41;
	v45 =	vor.u32 s5, v14;
	s9 =	sadd.s32 $0x1, s5;
	v22 =	vld [tilespmem:s30+$0xFFFFFE80];
	[tilespmem:v29+s22+$0x0] =	vst.idx.msk $0xffff, v49;
	v48 =	vadd.f32 v23, v48  }
0x39c: {  	v16 =	vmul.f32 v16, v33;
	v19 =	vmul.f32 v19, v43;
	v29 =	vld [tilespmem:s30+$0xFFFFFC60];
	v41 =	vor.u32 s9, v13  }
0x39d: {  	v31 =	vmul.f32 v31, v34;
	s10 =	sadd.s32 $0x2, s5;
	v33 =	vor.u32 s9, v14;
	v15 =	vmul.f32 v15, v46;
	v23 =	vld [tilespmem:s30+$0xFFFFFF80];
	[tilespmem:v47+s22+$0x0] =	vst.idx.msk $0xffff, v48  }
0x39e: {  	v34 =	vor.u32 s10, v13;
	v17 =	vadd.f32 v24, v17;
	v43 =	vld [tilespmem:s30+$0xFFFFFC70];
	v24 =	vmul.f32 v26, v44  }
0x39f: {  	s0 =	sadd.s32 $0x3, s5;
	v19 =	vadd.f32 v19, v42;
	v44 =	vor.u32 s10, v14;
	v35 =	vadd.f32 v15, v35;
	v26 =	vld [tilespmem:s30+$0xFFFFFE00]  }
0x3a0: {  	v31 =	vadd.f32 v31, v39;
	v42 =	vor.u32 s0, v13;
	v15 =	vld [tilespmem:s30+$0xFFFFFD00];
	v17 =	vadd.f32 v24, v17  }
0x3a1: {  	s12 =	sadd.s32 $0x4, s5;
	v46 =	vor.u32 s0, v14;
	v16 =	vadd.f32 v16, v27;
	v24 =	vadd.f32 v36, v40;
	v39 =	vld [tilespmem:s30+$0xFFFFFCE0]  }
0x3a2: {  	v27 =	vor.u32 s12, v13;
	v19 =	vadd.f32 v38, v19;
	v36 =	vld [tilespmem:s30+$0xFFFFFE60];
	[tilespmem:v28+s22+$0x0] =	vst.idx.msk $0xffff, v35;
	v28 =	vadd.f32 v37, v31  }
0x3a3: {  	v37 =	vor.u32 s12, v14;
	v35 =	vld [tilespmem:s30+$0xFFFFFCF0];
	[tilespmem:v30+s22+$0x0] =	vst.idx.msk $0xffff, v24  }
0x3a4: {  	s11 =	sadd.s32 $0x5, s5;
	v24 =	vor.u32 s12, v11;
	v30 =	vld [tilespmem:s30+$0xFFFFFD60];
	[tilespmem:v32+s22+$0x0] =	vst.idx.msk $0xffff, v28  }
0x3a5: {  	v28 =	vor.u32 s11, v13;
	v32 =	vld [tilespmem:s30+$0xFFFFFE70];
	[tilespmem:v21+s22+$0x0] =	vst.idx.msk $0xffff, v16  }
0x3a6: {  	v21 =	vor.u32 s10, v11;
	v16 =	vld [tilespmem:s30+$0xFFFFFD80];
	[tilespmem:v18+s22+$0x0] =	vst.idx.msk $0xffff, v17  }
0x3a7: {  	s8 =	sadd.s32 $0x6, s5;
	v40 =	vor.u32 s11, v14;
	v38 =	vld [tilespmem:s30+$0xFFFFFD70];
	[tilespmem:v25+s22+$0x0] =	vst.idx.msk $0xffff, v19  }
0x3a8: {  	v25 =	vor.u32 s8, v13;
	v17 =	vld [tilespmem:s30+$0xFFFFFFE0]  }
0x3a9: {  	s23 =	sadd.s32 $0x7, s5;
	v47 =	vor.u32 s8, v14;
	v0 =	vld.idx.msk [tilespmem:v0+s13+$0x0], $0xffff  }
0x3aa: {  	v49 =	vor.u32 s23, v13;
	v48 =	vld [tilespmem:s30+$0xFFFFFEE0]  }
0x3ab: {  	v52 =	vor.u32 s23, v14;
	v51 =	vld.idx.msk [tilespmem:v24+s13+$0x0], $0xffff  }
0x3ac: {  	v53 =	vor.u32 s9, v11;
	v33 =	vld.idx.msk [tilespmem:v33+s13+$0x0], $0xffff  }
0x3ad: {  	v45 =	vld.idx.msk [tilespmem:v45+s13+$0x0], $0xffff  }
0x3ae: {  	v18 =	vor.u32 s0, v11;
	v34 =	vld.idx.msk [tilespmem:v34+s13+$0x0], $0xffff  }
0x3af: {  	v31 =	vld.idx.msk [tilespmem:v50+s13+$0x0], $0xffff;
	v50 =	vor.u32 s11, v11  }
0x3b0: {  	v54 =	vor.u32 s8, v11;
	v44 =	vld.idx.msk [tilespmem:v44+s13+$0x0], $0xffff  }
0x3b1: {  	v56 =	vor.u32 s23, v11;
	v55 =	vld [tilespmem:s30+$0xFFFFFC80]  }
0x3b2: {  	v57 =	vld [tilespmem:s30+$0xFFFFFF60]  }
0x3b3: {  	v58 =	vld [tilespmem:s30+$0xFFFFFDE0]  }
0x3b4: {  	v19 =	vld [tilespmem:s30+$0xFFFFFF70]  }
0x3b5: {  	v41 =	vld.idx.msk [tilespmem:v41+s13+$0x0], $0xffff  }
0x3b6: {  	v59 =	vld.idx.msk [tilespmem:v18+s13+$0x0], $0xffff  }
0x3b7: {  	v24 =	vld [tilespmem:s30+$0xFFFFFFF0]  }
0x3b8: {  	v55 =	vmul.f32 v55, v31;
	v60 =	vld [tilespmem:s30+$0xFFFFFDF0]  }
0x3b9: {  	v54 =	vld.idx.msk [tilespmem:v54+s13+$0x0], $0xffff  }
0x3ba: {  	v50 =	vld.idx.msk [tilespmem:v50+s13+$0x0], $0xffff  }
0x3bb: {  	v18 =	vor.u32 s23, v12;
	v42 =	vld.idx.msk [tilespmem:v42+s13+$0x0], $0xffff  }
0x3bc: {  	v46 =	vld.idx.msk [tilespmem:v46+s13+$0x0], $0xffff  }
0x3bd: {  	v61 =	vld.idx.msk [tilespmem:v27+s13+$0x0], $0xffff  }
0x3be: {  	v31 =	vld [tilespmem:s30+$0xFFFFFEF0]  }
0x3bf: {  	v27 =	vmul.f32 v30, v34;
	v30 =	vmul.f32 v38, v44;
	v37 =	vld.idx.msk [tilespmem:v37+s13+$0x0], $0xffff  }
0x3c0: {  	v38 =	vld.idx.msk [tilespmem:v28+s13+$0x0], $0xffff  }
0x3c1: {  	v35 =	vmul.f32 v35, v33;
	v27 =	vadd.f32 v30, v27;
	v42 =	vmul.f32 v58, v42;
	v33 =	vld.idx.msk [tilespmem:v21+s13+$0x0], $0xffff  }
0x3c2: {  	v39 =	vmul.f32 v39, v41;
	v28 =	vor.u32 s9, v12;
	v21 =	vor.u32 s10, v12;
	v34 =	vld.idx.msk [tilespmem:v40+s13+$0x0], $0xffff  }
0x3c3: {  	v30 =	vor.u32 s12, v12;
	v40 =	vmul.f32 v43, v45;
	v58 =	vmul.f32 v36, v61;
	v61 =	vld.idx.msk [tilespmem:v25+s13+$0x0], $0xffff  }
0x3c4: {  	v0 =	vmul.f32 v29, v0;
	v29 =	vor.u32 s5, v12;
	v35 =	vadd.f32 v35, v39;
	v45 =	vld.idx.msk [tilespmem:v49+s13+$0x0], $0xffff  }
.Ltmp7:
0x3c5: {  	v44 =	vmul.f32 v60, v46;
	v25 =	vor.u32 s8, v12;
	v60 =	vmul.f32 v32, v37;
	v41 =	vld.idx.msk [tilespmem:v52+s13+$0x0], $0xffff;
	(pc) =	sbr.rel @p0 .LBB2_17-.Ltmp7, $4  }
0x3c6: {  	v36 =	vmul.f32 v22, v51;
	v0 =	vadd.f32 v40, v0;
	v39 =	vmul.f32 v48, v38;
	v43 =	vld.idx.msk [tilespmem:v47+s13+$0x0], $0xffff  }
0x3c7: {  	v37 =	vmul.f32 v20, v50;
	v32 =	vor.u32 s11, v12;
	v48 =	vadd.f32 v44, v42;
	v46 =	vld.idx.msk [tilespmem:v53+s13+$0x0], $0xffff  }
0x3c8: {  	v38 =	vmul.f32 v23, v54;
	v49 =	vadd.f32 v55, v0;
	v47 =	vor.u32 s0, v12;
	v44 =	vld.idx.msk [tilespmem:v56+s13+$0x0], $0xffff  }
0x3c9: {  	v23 =	vmul.f32 v26, v59;
	v40 =	vadd.f32 v60, v58;
	v42 =	vmul.f32 v57, v61;
	v26 =	vld [tilespmem:s30+$0x0];
	s30 =	sadd.s32 $0x400, s30  }
0x3ca: {  	_ =	sdelay $0x2  }
0x3cb: {  	v0 =	vmul.f32 v17, v45  }
0x3cc: {  	[tilespmem:v29+s22+$0x0] =	vst.idx.msk $0xffff, v49;
	v12 =	vmul.f32 v31, v34;
	v14 =	vmul.f32 v24, v41  }
0x3cd: {  	v59 =	vmul.f32 v16, v33;
	v13 =	vadd.f32 v23, v48;
	v11 =	vmul.f32 v15, v46  }
0x3ce: {  	v60 =	vmul.f32 v19, v43;
	v61 =	vadd.f32 v36, v40;
	v12 =	vadd.f32 v12, v39  }
0x3cf: {  	v0 =	vadd.f32 v14, v0;
	[tilespmem:v47+s22+$0x0] =	vst.idx.msk $0xffff, v13;
	v11 =	vadd.f32 v11, v35  }
0x3d0: {  	v15 =	vadd.f32 v59, v27;
	[tilespmem:v30+s22+$0x0] =	vst.idx.msk $0xffff, v61;
	v62 =	vmul.f32 v26, v44  }
0x3d1: {  	p0 =	sne.s32 s26, $0x20;
	v63 =	vadd.f32 v60, v42;
	[tilespmem:v28+s22+$0x0] =	vst.idx.msk $0xffff, v11;
	v11 =	vadd.f32 v37, v12  }
.Ltmp8:
0x3d2: {  	[tilespmem:v21+s22+$0x0] =	vst.idx.msk $0xffff, v15;
	v0 =	vadd.f32 v62, v0;
	(pc) =	sbr.rel @p0 .LBB2_2-.Ltmp8, $4  }
0x3d3: {  	[tilespmem:v32+s22+$0x0] =	vst.idx.msk $0xffff, v11;
	v11 =	vadd.f32 v38, v63  }
0x3d4: {  	s0 =	sshll.u32 s25, $0xE;
	[tilespmem:v18+s22+$0x0] =	vst.idx.msk $0xffff, v0  }
0x3d5: {  	s5 =	sadd.s32 s28, s7;
	s0 =	sor.u32 $0x13200, s0;
	[tilespmem:v25+s22+$0x0] =	vst.idx.msk $0xffff, v11  }
0x3d6: {  	[hbm4b:s5+s6] =	stream.linear.scatter [tilespmem:s0], [sflag:$0x4], $0x4000, $0x38;
	[tilespmem:$0x1B200] =	vst v63  }
0x3d7: {  	s5 =	simm.s32 $0x4  }
0x3d8: {  	_ =	swait.ge [sflag:s5], $0x4000  }
0x3d9: {  	[sflag:s5] =	ssyncset.done $0x0  }
0x3da: {  	[sflag:s5] =	ssyncadd.s32 $0xFFFFC000  }
0x3db: {  	_ =	swait.ge [sflag:s5], $0x4000  }
0x3dc: {  	s24 =	sadd.s32 $0x1, s24;
	s0 =	rddreg [dreg:$0x5]  }
0x3dd: {  	p0 =	sne.s32 s24, s0  }
.Ltmp9:
0x3de: {  	_ = 	snop;
	(pc) =	sbr.rel @p0 .LBB2_1-.Ltmp9, $3  }
0x3df: {  	_ =	sdelay $0x1  }
0x3e0: {  	[sflag:s5] =	ssyncset.done $0x0  }
0x3e1: {  	[sflag:s5] =	ssyncadd.s32 $0xFFFFC000  }
0x3e2: {  	_ =	sfence.sel $0x180000  }
0x3e3: {  	[bflag:$0x0] =	sbarrier.arrive $0xFFFF  }
0x3e4: {  	_ =	strace $0x90000047  }
0x3e5: {  	s0 =	stileid.u32;
	[bflag:$0x2] =	sbarrier.arrive $0xFFFF  }
0x3e6: {  	p0 =	sne.s32 s0, $0x0;
	s0 =	rddreg [dreg:$0x4]  }
0x3e7: {  	s0 =	sadd.s32 @!p0 $0x100000, s0  }
0x3e8: {  	[sflag:s0] =	ssyncadd.tile.s32 @!p0 $0x1;
	_ =	shalt  }
.Lfunc_end2:
_tile_overlayer_lowered:
.L_overlay_start_2:
0x3e9: {  	(tag) =	ssettag $0x2  }
0x3ea: {  	s0 =	rddreg [dreg:$0x0];
	s2 =	stileid.u32  }
0x3eb: {  	s1 =	rddreg [dreg:$0x1];
	p0 =	sne.s32 s2, $0x0  }
0x3ec: {  	s3 =	rddreg [dreg:$0x2];
	[bflag:$0x3] =	sbarrier.arrive $0xFFFF;
	s2 =	simm.s32 @!p0 $0x1C05  }
0x3ed: {  	[timem:s3], [sflag:s2] =	dma.local @!p0 [hbm:s0], s1  }
0x3ee: {  	s0 =	simm.s32 @!p0 $0x5  }
0x3ef: {  	_ =	swait.ge @!p0 [sflag:s0], s1  }
0x3f0: {  	s1 =	ssub.s32 @!p0 $0x0, s1;
	[sflag:s0] =	ssyncset.done @!p0 $0x0  }
0x3f1: {  	[sflag:s0] =	ssyncadd.s32 @!p0 s1  }
0x3f2: {  	[bflag:$0x3] =	sbarrier.arrive $0xFFFF  }
0x3f3: {  	_ =	shalt  }

</sc_bundles>
